<compile_context>
chip_gen: v7x
topology: tpu7x:2x2x1
jax: 0.10.2.dev20260603
libtpu: 0.0.44.dev20260713+nightly
codegen_flags: <defaults>
</compile_context>

<pallas_src>
import jax
import jax.numpy as jnp
from jax import lax
from jax.experimental import pallas as pl
from jax.experimental.pallas import tpu as pltpu, tpu_sc as plsc

NC, NS, L = 2, 16, 16
NW = NC * NS
B = 16384
D = 32
NROWS = 1000000
EPR = 16
GPE = D // EPR
BPW = B // NW
CHUNK = 128
NCHUNK = BPW // CHUNK
NSEG = CHUNK // L


def _collapse_body(W1, b1, W2, b2, W3, b3, Wf, bf, out_ref):
    wf = Wf[...][:, 0]
    t1 = jnp.sum(W3[...] * wf[None, :], axis=1)
    t2 = jnp.sum(W2[...] * t1[None, :], axis=1)
    w = jnp.sum(W1[...] * t2[None, :], axis=1)
    c = (jnp.sum(b1[...] * t2) + jnp.sum(b2[...] * t1)
         + jnp.sum(b3[...] * wf) + bf[...][0])
    out_ref[0:64, :] = jnp.broadcast_to(w[:, None], (64, L))
    out_ref[64:65, :] = jnp.full((1, L), c, jnp.float32)


def _collapse(W1, b1, W2, b2, W3, b3, Wf, bf):
    return pl.pallas_call(
        _collapse_body,
        out_shape=jax.ShapeDtypeStruct((2 * D + 1, L), jnp.float32),
    )(W1, b1, W2, b2, W3, b3, Wf, bf)


def _ncf_body(users_hbm, items_hbm, ut_hbm, it_hbm, wbc_hbm, out_hbm,
              uidx, iidx, idxu0, idxu1, idxi0, idxi1,
              gu0, gu1, gi0, gi1, wbc, accv, outv, su0, su1, si0, si1):
    wid = lax.axis_index("c") * NS + lax.axis_index("s")
    pltpu.sync_copy(wbc_hbm, wbc)
    pltpu.sync_copy(users_hbm.at[wid], uidx)
    pltpu.sync_copy(items_hbm.at[wid], iidx)

    idxu = (idxu0, idxu1)
    idxi = (idxi0, idxi1)
    gu = (gu0, gu1)
    gi = (gi0, gi1)
    sems_u = (su0, su1)
    sems_i = (si0, si1)
    iota = lax.iota(jnp.int32, L)
    cv = wbc[2 * D]

    def build_idx(k, slot):
        for s in range(NSEG):
            seg = pl.ds(s * L, L)
            bu = lax.shift_left(uidx[k, seg], 1)
            idxu[slot][0, seg] = bu
            idxu[slot][1, seg] = bu + 1
            bi = lax.shift_left(iidx[k, seg], 1)
            idxi[slot][0, seg] = bi
            idxi[slot][1, seg] = bi + 1

    def fire(slot):
        for j in range(GPE):
            pltpu.async_copy(
                ut_hbm.at[idxu[slot].at[j]],
                gu[slot].at[pl.ds(j * CHUNK, CHUNK)], sems_u[slot])
            pltpu.async_copy(
                it_hbm.at[idxi[slot].at[j]],
                gi[slot].at[pl.ds(j * CHUNK, CHUNK)], sems_i[slot])

    def drain(slot):
        pltpu.make_async_copy(
            ut_hbm.at[pl.ds(0, GPE * CHUNK)], gu[slot], sems_u[slot]).wait()
        pltpu.make_async_copy(
            it_hbm.at[pl.ds(0, GPE * CHUNK)], gi[slot], sems_i[slot]).wait()

    def compute(k, slot):
        gus, gis = gu[slot], gi[slot]
        for s in range(NSEG):
            accv[pl.ds(s * L, L)] = cv

        def step(d, carry):
            wul = wbc[d]
            wuh = wbc[EPR + d]
            wil = wbc[D + d]
            wih = wbc[D + EPR + d]
            lane = jnp.full((L,), 0, jnp.int32) + d
            for s in range(NSEG):
                seg = pl.ds(s * L, L)
                rlo = s * L + iota
                rhi = CHUNK + s * L + iota
                eul = plsc.load_gather(gus, [rlo, lane])
                euh = plsc.load_gather(gus, [rhi, lane])
                eil = plsc.load_gather(gis, [rlo, lane])
                eih = plsc.load_gather(gis, [rhi, lane])
                accv[seg] = (accv[seg] + eul * wul + euh * wuh
                             + eil * wil + eih * wih)
            return carry
        lax.fori_loop(0, EPR, step, 0)

        for s in range(NSEG):
            seg = pl.ds(s * L, L)
            a = accv[seg]
            outv[pl.ds(k * CHUNK + s * L, L)] = 1.0 / (1.0 + jnp.exp(-a))

    build_idx(0, 0)
    fire(0)
    build_idx(1, 1)
    fire(1)

    @pl.loop(0, NCHUNK, step=2)
    def _chunks(g):
        for b in range(2):
            k = g + b
            drain(b)
            compute(k, b)

            @pl.when(k + 2 < NCHUNK)
            def _prefetch():
                build_idx(k + 2, b)
                fire(b)

    pltpu.sync_copy(outv, out_hbm.at[wid])


_ncf_sc = pl.kernel(
    _ncf_body,
    out_type=jax.ShapeDtypeStruct((NW, BPW), jnp.float32),
    mesh=plsc.VectorSubcoreMesh(core_axis_name="c", subcore_axis_name="s"),
    compiler_params=pltpu.CompilerParams(
        needs_layout_passes=False, use_tc_tiling_on_sc=False),
    scratch_types=[
        pltpu.VMEM((NCHUNK, CHUNK), jnp.int32),
        pltpu.VMEM((NCHUNK, CHUNK), jnp.int32),
        pltpu.VMEM((GPE, CHUNK), jnp.int32),
        pltpu.VMEM((GPE, CHUNK), jnp.int32),
        pltpu.VMEM((GPE, CHUNK), jnp.int32),
        pltpu.VMEM((GPE, CHUNK), jnp.int32),
        pltpu.VMEM((GPE * CHUNK, EPR), jnp.float32),
        pltpu.VMEM((GPE * CHUNK, EPR), jnp.float32),
        pltpu.VMEM((GPE * CHUNK, EPR), jnp.float32),
        pltpu.VMEM((GPE * CHUNK, EPR), jnp.float32),
        pltpu.VMEM((2 * D + 1, L), jnp.float32),
        pltpu.VMEM((CHUNK,), jnp.float32),
        pltpu.VMEM((BPW,), jnp.float32),
        pltpu.SemaphoreType.DMA,
        pltpu.SemaphoreType.DMA,
        pltpu.SemaphoreType.DMA,
        pltpu.SemaphoreType.DMA,
    ],
)


def kernel(users, items, user_table, item_table, W1, b1, W2, b2, W3, b3, Wf, bf):
    wbc = _collapse(W1, b1, W2, b2, W3, b3, Wf, bf)
    u3 = users.reshape(NW, NCHUNK, CHUNK)
    i3 = items.reshape(NW, NCHUNK, CHUNK)
    ut_v = user_table.reshape(GPE * NROWS, EPR)
    it_v = item_table.reshape(GPE * NROWS, EPR)
    out = _ncf_sc(u3, i3, ut_v, it_v, wbc)
    return out.reshape(B, 1)

# --- scband reference (transcript-rebuilt; emitter-appended) ---
"""Pipeline reference for scband-ncf-88931592830984 (READ-ONLY COPY).

The authoritative reference and input builder live on the scoring server;
editing this copy changes nothing except your own understanding.
"""

import jax, jax.numpy as jnp
import numpy as np

NUM_USERS = 1000000
NUM_ITEMS = 1000000
EMB = 32
LAYERS = [64, 64, 32, 16]
BATCH = 16384


def setup_inputs(seed: int = 0) -> dict:
    key = jax.random.key(seed)
    ks = jax.random.split(key, 16)
    users = jax.random.randint(ks[0], (BATCH,), 0, NUM_USERS, dtype=jnp.int64 if jax.config.jax_enable_x64 else jnp.int32).astype(jnp.int32)
    items = jax.random.randint(ks[1], (BATCH,), 0, NUM_ITEMS, dtype=jnp.int64 if jax.config.jax_enable_x64 else jnp.int32).astype(jnp.int32)
    user_table = jax.random.normal(ks[2], (NUM_USERS, EMB), dtype=jnp.float32) * 0.02
    item_table = jax.random.normal(ks[3], (NUM_ITEMS, EMB), dtype=jnp.float32) * 0.02
    W1 = jax.random.normal(ks[4], (LAYERS[0], LAYERS[1]), dtype=jnp.float32) * (1.0 / np.sqrt(LAYERS[0]))
    b1 = jnp.zeros((LAYERS[1],), dtype=jnp.float32)
    W2 = jax.random.normal(ks[5], (LAYERS[1], LAYERS[2]), dtype=jnp.float32) * (1.0 / np.sqrt(LAYERS[1]))
    b2 = jnp.zeros((LAYERS[2],), dtype=jnp.float32)
    W3 = jax.random.normal(ks[6], (LAYERS[2], LAYERS[3]), dtype=jnp.float32) * (1.0 / np.sqrt(LAYERS[2]))
    b3 = jnp.zeros((LAYERS[3],), dtype=jnp.float32)
    Wf = jax.random.normal(ks[7], (LAYERS[3], 1), dtype=jnp.float32) * (1.0 / np.sqrt(LAYERS[3]))
    bf = jnp.zeros((1,), dtype=jnp.float32)
    return {"users": users, "items": items, "user_table": user_table, "item_table": item_table,
            "W1": W1, "b1": b1, "W2": W2, "b2": b2, "W3": W3, "b3": b3, "Wf": Wf, "bf": bf}


def reference(users, items, user_table, item_table, W1, b1, W2, b2, W3, b3, Wf, bf):
    user_emb = jnp.take(user_table, users, axis=0)
    item_emb = jnp.take(item_table, items, axis=0)
    x = jnp.concatenate([user_emb, item_emb], axis=-1)
    # NCF's torch code stacks plain Linear layers with NO intermediate activation
    x = x @ W1 + b1
    x = x @ W2 + b2
    x = x @ W3 + b3
    out = jax.nn.sigmoid(x @ Wf + bf)
    return out

if __name__ == "__main__":
    import jax
    _d = setup_inputs()
    print(jax.jit(kernel)(*tuple(_d.values())))

</pallas_src>

<mosaic_0001>
#map = affine_map<(d0, d1) -> (0, 0, 0)>
#map1 = affine_map<(d0, d1) -> (0, 0)>
module attributes {stable_mosaic.version = 14 : i64} {
  func.func @_ncf_body(%arg0: i32, %arg1: i32, %arg2: memref<32x4x128xi32, #tpu.memory_space<hbm>>, %arg3: memref<32x4x128xi32, #tpu.memory_space<hbm>>, %arg4: memref<2000000x16xf32, #tpu.memory_space<hbm>>, %arg5: memref<2000000x16xf32, #tpu.memory_space<hbm>>, %arg6: memref<65x16xf32, #tpu.memory_space<hbm>>, %arg7: memref<32x512xf32, #tpu.memory_space<hbm>>, %arg8: memref<4x128xi32, #tpu.memory_space<vmem>>, %arg9: memref<4x128xi32, #tpu.memory_space<vmem>>, %arg10: memref<2x128xi32, #tpu.memory_space<vmem>>, %arg11: memref<2x128xi32, #tpu.memory_space<vmem>>, %arg12: memref<2x128xi32, #tpu.memory_space<vmem>>, %arg13: memref<2x128xi32, #tpu.memory_space<vmem>>, %arg14: memref<256x16xf32, #tpu.memory_space<vmem>>, %arg15: memref<256x16xf32, #tpu.memory_space<vmem>>, %arg16: memref<256x16xf32, #tpu.memory_space<vmem>>, %arg17: memref<256x16xf32, #tpu.memory_space<vmem>>, %arg18: memref<65x16xf32, #tpu.memory_space<vmem>>, %arg19: memref<128xf32, #tpu.memory_space<vmem>>, %arg20: memref<512xf32, #tpu.memory_space<vmem>>, %arg21: memref<!tpu.dma_semaphore, #tpu.memory_space<semaphore_mem>>, %arg22: memref<!tpu.dma_semaphore, #tpu.memory_space<semaphore_mem>>, %arg23: memref<!tpu.dma_semaphore, #tpu.memory_space<semaphore_mem>>, %arg24: memref<!tpu.dma_semaphore, #tpu.memory_space<semaphore_mem>>) attributes {dimension_semantics = [#tpu.dimension_semantics<core_parallel>, #tpu.dimension_semantics<subcore_parallel>], iteration_bounds = array<i64: 2, 16>, scalar_prefetch = 0 : i64, scratch_operands = 17 : i64, tpu.core_type = #tpu.core_type<sc_vector_subcore>, window_params = [{transform_indices = #map}, {transform_indices = #map}, {transform_indices = #map1}, {transform_indices = #map1}, {transform_indices = #map1}, {transform_indices = #map1}]} {
    %mul3A = arith.constant 16 : i32
    %mul3A_0 = arith.muli %arg0, %mul3A : i32
    %add3A = arith.addi %mul3A_0, %arg1 : i32
    "tpu.region"() ({
      %run_scoped3A = tpu.sem_alloc : memref<!tpu.dma_semaphore, #tpu.memory_space<semaphore_mem>>
      tpu.enqueue_dma source(%arg6 : memref<65x16xf32, #tpu.memory_space<hbm>>) target(%arg18 : memref<65x16xf32, #tpu.memory_space<vmem>>) target_semaphore(%run_scoped3A : memref<!tpu.dma_semaphore, #tpu.memory_space<semaphore_mem>>)
      tpu.wait_dma2 semaphore(%run_scoped3A : memref<!tpu.dma_semaphore, #tpu.memory_space<semaphore_mem>>) src(%arg6 : memref<65x16xf32, #tpu.memory_space<hbm>>) dst(%arg18 : memref<65x16xf32, #tpu.memory_space<vmem>>)
      tpu.yield
    }) : () -> ()
    "tpu.region"() ({
      %run_scoped3A = tpu.sem_alloc : memref<!tpu.dma_semaphore, #tpu.memory_space<semaphore_mem>>
      %dma_start3A_661 = arith.constant 0 : i32
      %dma_start3A_662 = arith.constant 0 : i32
      %dma_start3A_663 = tpu.memref_slice %arg2[%add3A, %dma_start3A_661, %dma_start3A_662] : memref<32x4x128xi32, #tpu.memory_space<hbm>> -> memref<1x4x128xi32, #tpu.memory_space<hbm>>
      %dma_start3A_664 = tpu.memref_squeeze %dma_start3A_663 : memref<1x4x128xi32, #tpu.memory_space<hbm>> -> memref<4x128xi32, #tpu.memory_space<hbm>>
      %dma_start3A_665 = arith.constant 0 : i32
      %dma_start3A_666 = arith.constant 0 : i32
      %dma_start3A_667 = tpu.memref_slice %arg2[%add3A, %dma_start3A_665, %dma_start3A_666] : memref<32x4x128xi32, #tpu.memory_space<hbm>> -> memref<1x4x128xi32, #tpu.memory_space<hbm>>
      %dma_start3A_668 = tpu.memref_squeeze %dma_start3A_667 : memref<1x4x128xi32, #tpu.memory_space<hbm>> -> memref<4x128xi32, #tpu.memory_space<hbm>>
      tpu.enqueue_dma source(%dma_start3A_668 : memref<4x128xi32, #tpu.memory_space<hbm>>) target(%arg8 : memref<4x128xi32, #tpu.memory_space<vmem>>) target_semaphore(%run_scoped3A : memref<!tpu.dma_semaphore, #tpu.memory_space<semaphore_mem>>)
      %dma_wait3A = arith.constant 0 : i32
      %dma_wait3A_669 = arith.constant 0 : i32
      %dma_wait3A_670 = tpu.memref_slice %arg2[%add3A, %dma_wait3A, %dma_wait3A_669] : memref<32x4x128xi32, #tpu.memory_space<hbm>> -> memref<1x4x128xi32, #tpu.memory_space<hbm>>
      %dma_wait3A_671 = tpu.memref_squeeze %dma_wait3A_670 : memref<1x4x128xi32, #tpu.memory_space<hbm>> -> memref<4x128xi32, #tpu.memory_space<hbm>>
      %dma_wait3A_672 = arith.constant 0 : i32
      %dma_wait3A_673 = arith.constant 0 : i32
      %dma_wait3A_674 = tpu.memref_slice %arg2[%add3A, %dma_wait3A_672, %dma_wait3A_673] : memref<32x4x128xi32, #tpu.memory_space<hbm>> -> memref<1x4x128xi32, #tpu.memory_space<hbm>>
      %dma_wait3A_675 = tpu.memref_squeeze %dma_wait3A_674 : memref<1x4x128xi32, #tpu.memory_space<hbm>> -> memref<4x128xi32, #tpu.memory_space<hbm>>
      tpu.wait_dma2 semaphore(%run_scoped3A : memref<!tpu.dma_semaphore, #tpu.memory_space<semaphore_mem>>) src(%dma_wait3A_675 : memref<4x128xi32, #tpu.memory_space<hbm>>) dst(%arg8 : memref<4x128xi32, #tpu.memory_space<vmem>>)
      tpu.yield
    }) : () -> ()
    "tpu.region"() ({
      %run_scoped3A = tpu.sem_alloc : memref<!tpu.dma_semaphore, #tpu.memory_space<semaphore_mem>>
      %dma_start3A_661 = arith.constant 0 : i32
      %dma_start3A_662 = arith.constant 0 : i32
      %dma_start3A_663 = tpu.memref_slice %arg3[%add3A, %dma_start3A_661, %dma_start3A_662] : memref<32x4x128xi32, #tpu.memory_space<hbm>> -> memref<1x4x128xi32, #tpu.memory_space<hbm>>
      %dma_start3A_664 = tpu.memref_squeeze %dma_start3A_663 : memref<1x4x128xi32, #tpu.memory_space<hbm>> -> memref<4x128xi32, #tpu.memory_space<hbm>>
      %dma_start3A_665 = arith.constant 0 : i32
      %dma_start3A_666 = arith.constant 0 : i32
      %dma_start3A_667 = tpu.memref_slice %arg3[%add3A, %dma_start3A_665, %dma_start3A_666] : memref<32x4x128xi32, #tpu.memory_space<hbm>> -> memref<1x4x128xi32, #tpu.memory_space<hbm>>
      %dma_start3A_668 = tpu.memref_squeeze %dma_start3A_667 : memref<1x4x128xi32, #tpu.memory_space<hbm>> -> memref<4x128xi32, #tpu.memory_space<hbm>>
      tpu.enqueue_dma source(%dma_start3A_668 : memref<4x128xi32, #tpu.memory_space<hbm>>) target(%arg9 : memref<4x128xi32, #tpu.memory_space<vmem>>) target_semaphore(%run_scoped3A : memref<!tpu.dma_semaphore, #tpu.memory_space<semaphore_mem>>)
      %dma_wait3A = arith.constant 0 : i32
      %dma_wait3A_669 = arith.constant 0 : i32
      %dma_wait3A_670 = tpu.memref_slice %arg3[%add3A, %dma_wait3A, %dma_wait3A_669] : memref<32x4x128xi32, #tpu.memory_space<hbm>> -> memref<1x4x128xi32, #tpu.memory_space<hbm>>
      %dma_wait3A_671 = tpu.memref_squeeze %dma_wait3A_670 : memref<1x4x128xi32, #tpu.memory_space<hbm>> -> memref<4x128xi32, #tpu.memory_space<hbm>>
      %dma_wait3A_672 = arith.constant 0 : i32
      %dma_wait3A_673 = arith.constant 0 : i32
      %dma_wait3A_674 = tpu.memref_slice %arg3[%add3A, %dma_wait3A_672, %dma_wait3A_673] : memref<32x4x128xi32, #tpu.memory_space<hbm>> -> memref<1x4x128xi32, #tpu.memory_space<hbm>>
      %dma_wait3A_675 = tpu.memref_squeeze %dma_wait3A_674 : memref<1x4x128xi32, #tpu.memory_space<hbm>> -> memref<4x128xi32, #tpu.memory_space<hbm>>
      tpu.wait_dma2 semaphore(%run_scoped3A : memref<!tpu.dma_semaphore, #tpu.memory_space<semaphore_mem>>) src(%dma_wait3A_675 : memref<4x128xi32, #tpu.memory_space<hbm>>) dst(%arg9 : memref<4x128xi32, #tpu.memory_space<vmem>>)
      tpu.yield
    }) : () -> ()
    %iota3A = tpu.iota {dimensions = array<i32: 0>} : vector<16xi32>
    %get3A = arith.constant 64 : i32
    %get3A_1 = arith.index_cast %get3A : i32 to index
    %get3A_2 = arith.constant 0 : index
    %get3A_3 = tpu.vector_load %arg18[%get3A_1, %get3A_2] {strides = array<i32>} : memref<65x16xf32, #tpu.memory_space<vmem>>, vector<16xf32>,
    %get3A_4 = arith.constant 0 : i32
    %get3A_5 = arith.index_cast %get3A_4 : i32 to index
    %get3A_6 = arith.constant 0 : index
    %get3A_7 = tpu.vector_load %arg8[%get3A_5, %get3A_6] {strides = array<i32>} : memref<4x128xi32, #tpu.memory_space<vmem>>, vector<16xi32>,
    %shift_left3A = arith.constant 1 : i32
    %shift_left3A_8 = vector.broadcast %shift_left3A : i32 to vector<16xi32>
    %shift_left3A_9 = arith.shli %get3A_7, %shift_left3A_8 : vector<16xi32>
    %swap3A = arith.constant 0 : i32
    %swap3A_10 = arith.index_cast %swap3A : i32 to index
    %swap3A_11 = arith.constant 0 : index
    %swap3A_12 = tpu.vector_load %arg10[%swap3A_10, %swap3A_11] {strides = array<i32>} : memref<2x128xi32, #tpu.memory_space<vmem>>, vector<16xi32>,
    tpu.vector_store %arg10[%swap3A_10, %swap3A_11], %shift_left3A_9 {strides = array<i32>} : memref<2x128xi32, #tpu.memory_space<vmem>>, vector<16xi32>,
    %add3A_13 = arith.constant 1 : i32
    %add3A_14 = vector.broadcast %add3A_13 : i32 to vector<16xi32>
    %add3A_15 = arith.addi %shift_left3A_9, %add3A_14 : vector<16xi32>
    %swap3A_16 = arith.constant 1 : i32
    %swap3A_17 = arith.index_cast %swap3A_16 : i32 to index
    %swap3A_18 = arith.constant 0 : index
    %swap3A_19 = tpu.vector_load %arg10[%swap3A_17, %swap3A_18] {strides = array<i32>} : memref<2x128xi32, #tpu.memory_space<vmem>>, vector<16xi32>,
    tpu.vector_store %arg10[%swap3A_17, %swap3A_18], %add3A_15 {strides = array<i32>} : memref<2x128xi32, #tpu.memory_space<vmem>>, vector<16xi32>,
    %get3A_20 = arith.constant 0 : i32
    %get3A_21 = arith.index_cast %get3A_20 : i32 to index
    %get3A_22 = arith.constant 0 : index
    %get3A_23 = tpu.vector_load %arg9[%get3A_21, %get3A_22] {strides = array<i32>} : memref<4x128xi32, #tpu.memory_space<vmem>>, vector<16xi32>,
    %shift_left3A_24 = arith.constant 1 : i32
    %shift_left3A_25 = vector.broadcast %shift_left3A_24 : i32 to vector<16xi32>
    %shift_left3A_26 = arith.shli %get3A_23, %shift_left3A_25 : vector<16xi32>
    %swap3A_27 = arith.constant 0 : i32
    %swap3A_28 = arith.index_cast %swap3A_27 : i32 to index
    %swap3A_29 = arith.constant 0 : index
    %swap3A_30 = tpu.vector_load %arg12[%swap3A_28, %swap3A_29] {strides = array<i32>} : memref<2x128xi32, #tpu.memory_space<vmem>>, vector<16xi32>,
    tpu.vector_store %arg12[%swap3A_28, %swap3A_29], %shift_left3A_26 {strides = array<i32>} : memref<2x128xi32, #tpu.memory_space<vmem>>, vector<16xi32>,
    %add3A_31 = arith.constant 1 : i32
    %add3A_32 = vector.broadcast %add3A_31 : i32 to vector<16xi32>
    %add3A_33 = arith.addi %shift_left3A_26, %add3A_32 : vector<16xi32>
    %swap3A_34 = arith.constant 1 : i32
    %swap3A_35 = arith.index_cast %swap3A_34 : i32 to index
    %swap3A_36 = arith.constant 0 : index
    %swap3A_37 = tpu.vector_load %arg12[%swap3A_35, %swap3A_36] {strides = array<i32>} : memref<2x128xi32, #tpu.memory_space<vmem>>, vector<16xi32>,
    tpu.vector_store %arg12[%swap3A_35, %swap3A_36], %add3A_33 {strides = array<i32>} : memref<2x128xi32, #tpu.memory_space<vmem>>, vector<16xi32>,
    %get3A_38 = arith.constant 0 : i32
    %get3A_39 = arith.index_cast %get3A_38 : i32 to index
    %get3A_40 = arith.constant 16 : index
    %get3A_41 = tpu.vector_load %arg8[%get3A_39, %get3A_40] {strides = array<i32>} : memref<4x128xi32, #tpu.memory_space<vmem>>, vector<16xi32>,
    %shift_left3A_42 = arith.constant 1 : i32
    %shift_left3A_43 = vector.broadcast %shift_left3A_42 : i32 to vector<16xi32>
    %shift_left3A_44 = arith.shli %get3A_41, %shift_left3A_43 : vector<16xi32>
    %swap3A_45 = arith.constant 0 : i32
    %swap3A_46 = arith.index_cast %swap3A_45 : i32 to index
    %swap3A_47 = arith.constant 16 : index
    %swap3A_48 = tpu.vector_load %arg10[%swap3A_46, %swap3A_47] {strides = array<i32>} : memref<2x128xi32, #tpu.memory_space<vmem>>, vector<16xi32>,
    tpu.vector_store %arg10[%swap3A_46, %swap3A_47], %shift_left3A_44 {strides = array<i32>} : memref<2x128xi32, #tpu.memory_space<vmem>>, vector<16xi32>,
    %add3A_49 = arith.constant 1 : i32
    %add3A_50 = vector.broadcast %add3A_49 : i32 to vector<16xi32>
    %add3A_51 = arith.addi %shift_left3A_44, %add3A_50 : vector<16xi32>
    %swap3A_52 = arith.constant 1 : i32
    %swap3A_53 = arith.index_cast %swap3A_52 : i32 to index
    %swap3A_54 = arith.constant 16 : index
    %swap3A_55 = tpu.vector_load %arg10[%swap3A_53, %swap3A_54] {strides = array<i32>} : memref<2x128xi32, #tpu.memory_space<vmem>>, vector<16xi32>,
    tpu.vector_store %arg10[%swap3A_53, %swap3A_54], %add3A_51 {strides = array<i32>} : memref<2x128xi32, #tpu.memory_space<vmem>>, vector<16xi32>,
    %get3A_56 = arith.constant 0 : i32
    %get3A_57 = arith.index_cast %get3A_56 : i32 to index
    %get3A_58 = arith.constant 16 : index
    %get3A_59 = tpu.vector_load %arg9[%get3A_57, %get3A_58] {strides = array<i32>} : memref<4x128xi32, #tpu.memory_space<vmem>>, vector<16xi32>,
    %shift_left3A_60 = arith.constant 1 : i32
    %shift_left3A_61 = vector.broadcast %shift_left3A_60 : i32 to vector<16xi32>
    %shift_left3A_62 = arith.shli %get3A_59, %shift_left3A_61 : vector<16xi32>
    %swap3A_63 = arith.constant 0 : i32
    %swap3A_64 = arith.index_cast %swap3A_63 : i32 to index
    %swap3A_65 = arith.constant 16 : index
    %swap3A_66 = tpu.vector_load %arg12[%swap3A_64, %swap3A_65] {strides = array<i32>} : memref<2x128xi32, #tpu.memory_space<vmem>>, vector<16xi32>,
    tpu.vector_store %arg12[%swap3A_64, %swap3A_65], %shift_left3A_62 {strides = array<i32>} : memref<2x128xi32, #tpu.memory_space<vmem>>, vector<16xi32>,
    %add3A_67 = arith.constant 1 : i32
    %add3A_68 = vector.broadcast %add3A_67 : i32 to vector<16xi32>
    %add3A_69 = arith.addi %shift_left3A_62, %add3A_68 : vector<16xi32>
    %swap3A_70 = arith.constant 1 : i32
    %swap3A_71 = arith.index_cast %swap3A_70 : i32 to index
    %swap3A_72 = arith.constant 16 : index
    %swap3A_73 = tpu.vector_load %arg12[%swap3A_71, %swap3A_72] {strides = array<i32>} : memref<2x128xi32, #tpu.memory_space<vmem>>, vector<16xi32>,
    tpu.vector_store %arg12[%swap3A_71, %swap3A_72], %add3A_69 {strides = array<i32>} : memref<2x128xi32, #tpu.memory_space<vmem>>, vector<16xi32>,
    %get3A_74 = arith.constant 0 : i32
    %get3A_75 = arith.index_cast %get3A_74 : i32 to index
    %get3A_76 = arith.constant 32 : index
    %get3A_77 = tpu.vector_load %arg8[%get3A_75, %get3A_76] {strides = array<i32>} : memref<4x128xi32, #tpu.memory_space<vmem>>, vector<16xi32>,
    %shift_left3A_78 = arith.constant 1 : i32
    %shift_left3A_79 = vector.broadcast %shift_left3A_78 : i32 to vector<16xi32>
    %shift_left3A_80 = arith.shli %get3A_77, %shift_left3A_79 : vector<16xi32>
    %swap3A_81 = arith.constant 0 : i32
    %swap3A_82 = arith.index_cast %swap3A_81 : i32 to index
    %swap3A_83 = arith.constant 32 : index
    %swap3A_84 = tpu.vector_load %arg10[%swap3A_82, %swap3A_83] {strides = array<i32>} : memref<2x128xi32, #tpu.memory_space<vmem>>, vector<16xi32>,
    tpu.vector_store %arg10[%swap3A_82, %swap3A_83], %shift_left3A_80 {strides = array<i32>} : memref<2x128xi32, #tpu.memory_space<vmem>>, vector<16xi32>,
    %add3A_85 = arith.constant 1 : i32
    %add3A_86 = vector.broadcast %add3A_85 : i32 to vector<16xi32>
    %add3A_87 = arith.addi %shift_left3A_80, %add3A_86 : vector<16xi32>
    %swap3A_88 = arith.constant 1 : i32
    %swap3A_89 = arith.index_cast %swap3A_88 : i32 to index
    %swap3A_90 = arith.constant 32 : index
    %swap3A_91 = tpu.vector_load %arg10[%swap3A_89, %swap3A_90] {strides = array<i32>} : memref<2x128xi32, #tpu.memory_space<vmem>>, vector<16xi32>,
    tpu.vector_store %arg10[%swap3A_89, %swap3A_90], %add3A_87 {strides = array<i32>} : memref<2x128xi32, #tpu.memory_space<vmem>>, vector<16xi32>,
    %get3A_92 = arith.constant 0 : i32
    %get3A_93 = arith.index_cast %get3A_92 : i32 to index
    %get3A_94 = arith.constant 32 : index
    %get3A_95 = tpu.vector_load %arg9[%get3A_93, %get3A_94] {strides = array<i32>} : memref<4x128xi32, #tpu.memory_space<vmem>>, vector<16xi32>,
    %shift_left3A_96 = arith.constant 1 : i32
    %shift_left3A_97 = vector.broadcast %shift_left3A_96 : i32 to vector<16xi32>
    %shift_left3A_98 = arith.shli %get3A_95, %shift_left3A_97 : vector<16xi32>
    %swap3A_99 = arith.constant 0 : i32
    %swap3A_100 = arith.index_cast %swap3A_99 : i32 to index
    %swap3A_101 = arith.constant 32 : index
    %swap3A_102 = tpu.vector_load %arg12[%swap3A_100, %swap3A_101] {strides = array<i32>} : memref<2x128xi32, #tpu.memory_space<vmem>>, vector<16xi32>,
    tpu.vector_store %arg12[%swap3A_100, %swap3A_101], %shift_left3A_98 {strides = array<i32>} : memref<2x128xi32, #tpu.memory_space<vmem>>, vector<16xi32>,
    %add3A_103 = arith.constant 1 : i32
    %add3A_104 = vector.broadcast %add3A_103 : i32 to vector<16xi32>
    %add3A_105 = arith.addi %shift_left3A_98, %add3A_104 : vector<16xi32>
    %swap3A_106 = arith.constant 1 : i32
    %swap3A_107 = arith.index_cast %swap3A_106 : i32 to index
    %swap3A_108 = arith.constant 32 : index
    %swap3A_109 = tpu.vector_load %arg12[%swap3A_107, %swap3A_108] {strides = array<i32>} : memref<2x128xi32, #tpu.memory_space<vmem>>, vector<16xi32>,
    tpu.vector_store %arg12[%swap3A_107, %swap3A_108], %add3A_105 {strides = array<i32>} : memref<2x128xi32, #tpu.memory_space<vmem>>, vector<16xi32>,
    %get3A_110 = arith.constant 0 : i32
    %get3A_111 = arith.index_cast %get3A_110 : i32 to index
    %get3A_112 = arith.constant 48 : index
    %get3A_113 = tpu.vector_load %arg8[%get3A_111, %get3A_112] {strides = array<i32>} : memref<4x128xi32, #tpu.memory_space<vmem>>, vector<16xi32>,
    %shift_left3A_114 = arith.constant 1 : i32
    %shift_left3A_115 = vector.broadcast %shift_left3A_114 : i32 to vector<16xi32>
    %shift_left3A_116 = arith.shli %get3A_113, %shift_left3A_115 : vector<16xi32>
    %swap3A_117 = arith.constant 0 : i32
    %swap3A_118 = arith.index_cast %swap3A_117 : i32 to index
    %swap3A_119 = arith.constant 48 : index
    %swap3A_120 = tpu.vector_load %arg10[%swap3A_118, %swap3A_119] {strides = array<i32>} : memref<2x128xi32, #tpu.memory_space<vmem>>, vector<16xi32>,
    tpu.vector_store %arg10[%swap3A_118, %swap3A_119], %shift_left3A_116 {strides = array<i32>} : memref<2x128xi32, #tpu.memory_space<vmem>>, vector<16xi32>,
    %add3A_121 = arith.constant 1 : i32
    %add3A_122 = vector.broadcast %add3A_121 : i32 to vector<16xi32>
    %add3A_123 = arith.addi %shift_left3A_116, %add3A_122 : vector<16xi32>
    %swap3A_124 = arith.constant 1 : i32
    %swap3A_125 = arith.index_cast %swap3A_124 : i32 to index
    %swap3A_126 = arith.constant 48 : index
    %swap3A_127 = tpu.vector_load %arg10[%swap3A_125, %swap3A_126] {strides = array<i32>} : memref<2x128xi32, #tpu.memory_space<vmem>>, vector<16xi32>,
    tpu.vector_store %arg10[%swap3A_125, %swap3A_126], %add3A_123 {strides = array<i32>} : memref<2x128xi32, #tpu.memory_space<vmem>>, vector<16xi32>,
    %get3A_128 = arith.constant 0 : i32
    %get3A_129 = arith.index_cast %get3A_128 : i32 to index
    %get3A_130 = arith.constant 48 : index
    %get3A_131 = tpu.vector_load %arg9[%get3A_129, %get3A_130] {strides = array<i32>} : memref<4x128xi32, #tpu.memory_space<vmem>>, vector<16xi32>,
    %shift_left3A_132 = arith.constant 1 : i32
    %shift_left3A_133 = vector.broadcast %shift_left3A_132 : i32 to vector<16xi32>
    %shift_left3A_134 = arith.shli %get3A_131, %shift_left3A_133 : vector<16xi32>
    %swap3A_135 = arith.constant 0 : i32
    %swap3A_136 = arith.index_cast %swap3A_135 : i32 to index
    %swap3A_137 = arith.constant 48 : index
    %swap3A_138 = tpu.vector_load %arg12[%swap3A_136, %swap3A_137] {strides = array<i32>} : memref<2x128xi32, #tpu.memory_space<vmem>>, vector<16xi32>,
    tpu.vector_store %arg12[%swap3A_136, %swap3A_137], %shift_left3A_134 {strides = array<i32>} : memref<2x128xi32, #tpu.memory_space<vmem>>, vector<16xi32>,
    %add3A_139 = arith.constant 1 : i32
    %add3A_140 = vector.broadcast %add3A_139 : i32 to vector<16xi32>
    %add3A_141 = arith.addi %shift_left3A_134, %add3A_140 : vector<16xi32>
    %swap3A_142 = arith.constant 1 : i32
    %swap3A_143 = arith.index_cast %swap3A_142 : i32 to index
    %swap3A_144 = arith.constant 48 : index
    %swap3A_145 = tpu.vector_load %arg12[%swap3A_143, %swap3A_144] {strides = array<i32>} : memref<2x128xi32, #tpu.memory_space<vmem>>, vector<16xi32>,
    tpu.vector_store %arg12[%swap3A_143, %swap3A_144], %add3A_141 {strides = array<i32>} : memref<2x128xi32, #tpu.memory_space<vmem>>, vector<16xi32>,
    %get3A_146 = arith.constant 0 : i32
    %get3A_147 = arith.index_cast %get3A_146 : i32 to index
    %get3A_148 = arith.constant 64 : index
    %get3A_149 = tpu.vector_load %arg8[%get3A_147, %get3A_148] {strides = array<i32>} : memref<4x128xi32, #tpu.memory_space<vmem>>, vector<16xi32>,
    %shift_left3A_150 = arith.constant 1 : i32
    %shift_left3A_151 = vector.broadcast %shift_left3A_150 : i32 to vector<16xi32>
    %shift_left3A_152 = arith.shli %get3A_149, %shift_left3A_151 : vector<16xi32>
    %swap3A_153 = arith.constant 0 : i32
    %swap3A_154 = arith.index_cast %swap3A_153 : i32 to index
    %swap3A_155 = arith.constant 64 : index
    %swap3A_156 = tpu.vector_load %arg10[%swap3A_154, %swap3A_155] {strides = array<i32>} : memref<2x128xi32, #tpu.memory_space<vmem>>, vector<16xi32>,
    tpu.vector_store %arg10[%swap3A_154, %swap3A_155], %shift_left3A_152 {strides = array<i32>} : memref<2x128xi32, #tpu.memory_space<vmem>>, vector<16xi32>,
    %add3A_157 = arith.constant 1 : i32
    %add3A_158 = vector.broadcast %add3A_157 : i32 to vector<16xi32>
    %add3A_159 = arith.addi %shift_left3A_152, %add3A_158 : vector<16xi32>
    %swap3A_160 = arith.constant 1 : i32
    %swap3A_161 = arith.index_cast %swap3A_160 : i32 to index
    %swap3A_162 = arith.constant 64 : index
    %swap3A_163 = tpu.vector_load %arg10[%swap3A_161, %swap3A_162] {strides = array<i32>} : memref<2x128xi32, #tpu.memory_space<vmem>>, vector<16xi32>,
    tpu.vector_store %arg10[%swap3A_161, %swap3A_162], %add3A_159 {strides = array<i32>} : memref<2x128xi32, #tpu.memory_space<vmem>>, vector<16xi32>,
    %get3A_164 = arith.constant 0 : i32
    %get3A_165 = arith.index_cast %get3A_164 : i32 to index
    %get3A_166 = arith.constant 64 : index
    %get3A_167 = tpu.vector_load %arg9[%get3A_165, %get3A_166] {strides = array<i32>} : memref<4x128xi32, #tpu.memory_space<vmem>>, vector<16xi32>,
    %shift_left3A_168 = arith.constant 1 : i32
    %shift_left3A_169 = vector.broadcast %shift_left3A_168 : i32 to vector<16xi32>
    %shift_left3A_170 = arith.shli %get3A_167, %shift_left3A_169 : vector<16xi32>
    %swap3A_171 = arith.constant 0 : i32
    %swap3A_172 = arith.index_cast %swap3A_171 : i32 to index
    %swap3A_173 = arith.constant 64 : index
    %swap3A_174 = tpu.vector_load %arg12[%swap3A_172, %swap3A_173] {strides = array<i32>} : memref<2x128xi32, #tpu.memory_space<vmem>>, vector<16xi32>,
    tpu.vector_store %arg12[%swap3A_172, %swap3A_173], %shift_left3A_170 {strides = array<i32>} : memref<2x128xi32, #tpu.memory_space<vmem>>, vector<16xi32>,
    %add3A_175 = arith.constant 1 : i32
    %add3A_176 = vector.broadcast %add3A_175 : i32 to vector<16xi32>
    %add3A_177 = arith.addi %shift_left3A_170, %add3A_176 : vector<16xi32>
    %swap3A_178 = arith.constant 1 : i32
    %swap3A_179 = arith.index_cast %swap3A_178 : i32 to index
    %swap3A_180 = arith.constant 64 : index
    %swap3A_181 = tpu.vector_load %arg12[%swap3A_179, %swap3A_180] {strides = array<i32>} : memref<2x128xi32, #tpu.memory_space<vmem>>, vector<16xi32>,
    tpu.vector_store %arg12[%swap3A_179, %swap3A_180], %add3A_177 {strides = array<i32>} : memref<2x128xi32, #tpu.memory_space<vmem>>, vector<16xi32>,
    %get3A_182 = arith.constant 0 : i32
    %get3A_183 = arith.index_cast %get3A_182 : i32 to index
    %get3A_184 = arith.constant 80 : index
    %get3A_185 = tpu.vector_load %arg8[%get3A_183, %get3A_184] {strides = array<i32>} : memref<4x128xi32, #tpu.memory_space<vmem>>, vector<16xi32>,
    %shift_left3A_186 = arith.constant 1 : i32
    %shift_left3A_187 = vector.broadcast %shift_left3A_186 : i32 to vector<16xi32>
    %shift_left3A_188 = arith.shli %get3A_185, %shift_left3A_187 : vector<16xi32>
    %swap3A_189 = arith.constant 0 : i32
    %swap3A_190 = arith.index_cast %swap3A_189 : i32 to index
    %swap3A_191 = arith.constant 80 : index
    %swap3A_192 = tpu.vector_load %arg10[%swap3A_190, %swap3A_191] {strides = array<i32>} : memref<2x128xi32, #tpu.memory_space<vmem>>, vector<16xi32>,
    tpu.vector_store %arg10[%swap3A_190, %swap3A_191], %shift_left3A_188 {strides = array<i32>} : memref<2x128xi32, #tpu.memory_space<vmem>>, vector<16xi32>,
    %add3A_193 = arith.constant 1 : i32
    %add3A_194 = vector.broadcast %add3A_193 : i32 to vector<16xi32>
    %add3A_195 = arith.addi %shift_left3A_188, %add3A_194 : vector<16xi32>
    %swap3A_196 = arith.constant 1 : i32
    %swap3A_197 = arith.index_cast %swap3A_196 : i32 to index
    %swap3A_198 = arith.constant 80 : index
    %swap3A_199 = tpu.vector_load %arg10[%swap3A_197, %swap3A_198] {strides = array<i32>} : memref<2x128xi32, #tpu.memory_space<vmem>>, vector<16xi32>,
    tpu.vector_store %arg10[%swap3A_197, %swap3A_198], %add3A_195 {strides = array<i32>} : memref<2x128xi32, #tpu.memory_space<vmem>>, vector<16xi32>,
    %get3A_200 = arith.constant 0 : i32
    %get3A_201 = arith.index_cast %get3A_200 : i32 to index
    %get3A_202 = arith.constant 80 : index
    %get3A_203 = tpu.vector_load %arg9[%get3A_201, %get3A_202] {strides = array<i32>} : memref<4x128xi32, #tpu.memory_space<vmem>>, vector<16xi32>,
    %shift_left3A_204 = arith.constant 1 : i32
    %shift_left3A_205 = vector.broadcast %shift_left3A_204 : i32 to vector<16xi32>
    %shift_left3A_206 = arith.shli %get3A_203, %shift_left3A_205 : vector<16xi32>
    %swap3A_207 = arith.constant 0 : i32
    %swap3A_208 = arith.index_cast %swap3A_207 : i32 to index
    %swap3A_209 = arith.constant 80 : index
    %swap3A_210 = tpu.vector_load %arg12[%swap3A_208, %swap3A_209] {strides = array<i32>} : memref<2x128xi32, #tpu.memory_space<vmem>>, vector<16xi32>,
    tpu.vector_store %arg12[%swap3A_208, %swap3A_209], %shift_left3A_206 {strides = array<i32>} : memref<2x128xi32, #tpu.memory_space<vmem>>, vector<16xi32>,
    %add3A_211 = arith.constant 1 : i32
    %add3A_212 = vector.broadcast %add3A_211 : i32 to vector<16xi32>
    %add3A_213 = arith.addi %shift_left3A_206, %add3A_212 : vector<16xi32>
    %swap3A_214 = arith.constant 1 : i32
    %swap3A_215 = arith.index_cast %swap3A_214 : i32 to index
    %swap3A_216 = arith.constant 80 : index
    %swap3A_217 = tpu.vector_load %arg12[%swap3A_215, %swap3A_216] {strides = array<i32>} : memref<2x128xi32, #tpu.memory_space<vmem>>, vector<16xi32>,
    tpu.vector_store %arg12[%swap3A_215, %swap3A_216], %add3A_213 {strides = array<i32>} : memref<2x128xi32, #tpu.memory_space<vmem>>, vector<16xi32>,
    %get3A_218 = arith.constant 0 : i32
    %get3A_219 = arith.index_cast %get3A_218 : i32 to index
    %get3A_220 = arith.constant 96 : index
    %get3A_221 = tpu.vector_load %arg8[%get3A_219, %get3A_220] {strides = array<i32>} : memref<4x128xi32, #tpu.memory_space<vmem>>, vector<16xi32>,
    %shift_left3A_222 = arith.constant 1 : i32
    %shift_left3A_223 = vector.broadcast %shift_left3A_222 : i32 to vector<16xi32>
    %shift_left3A_224 = arith.shli %get3A_221, %shift_left3A_223 : vector<16xi32>
    %swap3A_225 = arith.constant 0 : i32
    %swap3A_226 = arith.index_cast %swap3A_225 : i32 to index
    %swap3A_227 = arith.constant 96 : index
    %swap3A_228 = tpu.vector_load %arg10[%swap3A_226, %swap3A_227] {strides = array<i32>} : memref<2x128xi32, #tpu.memory_space<vmem>>, vector<16xi32>,
    tpu.vector_store %arg10[%swap3A_226, %swap3A_227], %shift_left3A_224 {strides = array<i32>} : memref<2x128xi32, #tpu.memory_space<vmem>>, vector<16xi32>,
    %add3A_229 = arith.constant 1 : i32
    %add3A_230 = vector.broadcast %add3A_229 : i32 to vector<16xi32>
    %add3A_231 = arith.addi %shift_left3A_224, %add3A_230 : vector<16xi32>
    %swap3A_232 = arith.constant 1 : i32
    %swap3A_233 = arith.index_cast %swap3A_232 : i32 to index
    %swap3A_234 = arith.constant 96 : index
    %swap3A_235 = tpu.vector_load %arg10[%swap3A_233, %swap3A_234] {strides = array<i32>} : memref<2x128xi32, #tpu.memory_space<vmem>>, vector<16xi32>,
    tpu.vector_store %arg10[%swap3A_233, %swap3A_234], %add3A_231 {strides = array<i32>} : memref<2x128xi32, #tpu.memory_space<vmem>>, vector<16xi32>,
    %get3A_236 = arith.constant 0 : i32
    %get3A_237 = arith.index_cast %get3A_236 : i32 to index
    %get3A_238 = arith.constant 96 : index
    %get3A_239 = tpu.vector_load %arg9[%get3A_237, %get3A_238] {strides = array<i32>} : memref<4x128xi32, #tpu.memory_space<vmem>>, vector<16xi32>,
    %shift_left3A_240 = arith.constant 1 : i32
    %shift_left3A_241 = vector.broadcast %shift_left3A_240 : i32 to vector<16xi32>
    %shift_left3A_242 = arith.shli %get3A_239, %shift_left3A_241 : vector<16xi32>
    %swap3A_243 = arith.constant 0 : i32
    %swap3A_244 = arith.index_cast %swap3A_243 : i32 to index
    %swap3A_245 = arith.constant 96 : index
    %swap3A_246 = tpu.vector_load %arg12[%swap3A_244, %swap3A_245] {strides = array<i32>} : memref<2x128xi32, #tpu.memory_space<vmem>>, vector<16xi32>,
    tpu.vector_store %arg12[%swap3A_244, %swap3A_245], %shift_left3A_242 {strides = array<i32>} : memref<2x128xi32, #tpu.memory_space<vmem>>, vector<16xi32>,
    %add3A_247 = arith.constant 1 : i32
    %add3A_248 = vector.broadcast %add3A_247 : i32 to vector<16xi32>
    %add3A_249 = arith.addi %shift_left3A_242, %add3A_248 : vector<16xi32>
    %swap3A_250 = arith.constant 1 : i32
    %swap3A_251 = arith.index_cast %swap3A_250 : i32 to index
    %swap3A_252 = arith.constant 96 : index
    %swap3A_253 = tpu.vector_load %arg12[%swap3A_251, %swap3A_252] {strides = array<i32>} : memref<2x128xi32, #tpu.memory_space<vmem>>, vector<16xi32>,
    tpu.vector_store %arg12[%swap3A_251, %swap3A_252], %add3A_249 {strides = array<i32>} : memref<2x128xi32, #tpu.memory_space<vmem>>, vector<16xi32>,
    %get3A_254 = arith.constant 0 : i32
    %get3A_255 = arith.index_cast %get3A_254 : i32 to index
    %get3A_256 = arith.constant 112 : index
    %get3A_257 = tpu.vector_load %arg8[%get3A_255, %get3A_256] {strides = array<i32>} : memref<4x128xi32, #tpu.memory_space<vmem>>, vector<16xi32>,
    %shift_left3A_258 = arith.constant 1 : i32
    %shift_left3A_259 = vector.broadcast %shift_left3A_258 : i32 to vector<16xi32>
    %shift_left3A_260 = arith.shli %get3A_257, %shift_left3A_259 : vector<16xi32>
    %swap3A_261 = arith.constant 0 : i32
    %swap3A_262 = arith.index_cast %swap3A_261 : i32 to index
    %swap3A_263 = arith.constant 112 : index
    %swap3A_264 = tpu.vector_load %arg10[%swap3A_262, %swap3A_263] {strides = array<i32>} : memref<2x128xi32, #tpu.memory_space<vmem>>, vector<16xi32>,
    tpu.vector_store %arg10[%swap3A_262, %swap3A_263], %shift_left3A_260 {strides = array<i32>} : memref<2x128xi32, #tpu.memory_space<vmem>>, vector<16xi32>,
    %add3A_265 = arith.constant 1 : i32
    %add3A_266 = vector.broadcast %add3A_265 : i32 to vector<16xi32>
    %add3A_267 = arith.addi %shift_left3A_260, %add3A_266 : vector<16xi32>
    %swap3A_268 = arith.constant 1 : i32
    %swap3A_269 = arith.index_cast %swap3A_268 : i32 to index
    %swap3A_270 = arith.constant 112 : index
    %swap3A_271 = tpu.vector_load %arg10[%swap3A_269, %swap3A_270] {strides = array<i32>} : memref<2x128xi32, #tpu.memory_space<vmem>>, vector<16xi32>,
    tpu.vector_store %arg10[%swap3A_269, %swap3A_270], %add3A_267 {strides = array<i32>} : memref<2x128xi32, #tpu.memory_space<vmem>>, vector<16xi32>,
    %get3A_272 = arith.constant 0 : i32
    %get3A_273 = arith.index_cast %get3A_272 : i32 to index
    %get3A_274 = arith.constant 112 : index
    %get3A_275 = tpu.vector_load %arg9[%get3A_273, %get3A_274] {strides = array<i32>} : memref<4x128xi32, #tpu.memory_space<vmem>>, vector<16xi32>,
    %shift_left3A_276 = arith.constant 1 : i32
    %shift_left3A_277 = vector.broadcast %shift_left3A_276 : i32 to vector<16xi32>
    %shift_left3A_278 = arith.shli %get3A_275, %shift_left3A_277 : vector<16xi32>
    %swap3A_279 = arith.constant 0 : i32
    %swap3A_280 = arith.index_cast %swap3A_279 : i32 to index
    %swap3A_281 = arith.constant 112 : index
    %swap3A_282 = tpu.vector_load %arg12[%swap3A_280, %swap3A_281] {strides = array<i32>} : memref<2x128xi32, #tpu.memory_space<vmem>>, vector<16xi32>,
    tpu.vector_store %arg12[%swap3A_280, %swap3A_281], %shift_left3A_278 {strides = array<i32>} : memref<2x128xi32, #tpu.memory_space<vmem>>, vector<16xi32>,
    %add3A_283 = arith.constant 1 : i32
    %add3A_284 = vector.broadcast %add3A_283 : i32 to vector<16xi32>
    %add3A_285 = arith.addi %shift_left3A_278, %add3A_284 : vector<16xi32>
    %swap3A_286 = arith.constant 1 : i32
    %swap3A_287 = arith.index_cast %swap3A_286 : i32 to index
    %swap3A_288 = arith.constant 112 : index
    %swap3A_289 = tpu.vector_load %arg12[%swap3A_287, %swap3A_288] {strides = array<i32>} : memref<2x128xi32, #tpu.memory_space<vmem>>, vector<16xi32>,
    tpu.vector_store %arg12[%swap3A_287, %swap3A_288], %add3A_285 {strides = array<i32>} : memref<2x128xi32, #tpu.memory_space<vmem>>, vector<16xi32>,
    %dma_start3A = arith.constant 0 : i32
    %dma_start3A_290 = arith.constant 0 : i32
    %dma_start3A_291 = arith.constant 0 : i32
    %dma_start3A_292 = tpu.memref_slice %arg14[%dma_start3A_290, %dma_start3A_291] : memref<256x16xf32, #tpu.memory_space<vmem>> -> memref<128x16xf32, #tpu.memory_space<vmem>>
    %dma_start3A_293 = arith.constant 0 : i32
    %dma_start3A_294 = tpu.memref_slice %arg10[%dma_start3A, %dma_start3A_293] : memref<2x128xi32, #tpu.memory_space<vmem>> -> memref<1x128xi32, #tpu.memory_space<vmem>>
    %dma_start3A_295 = tpu.memref_squeeze %dma_start3A_294 : memref<1x128xi32, #tpu.memory_space<vmem>> -> memref<128xi32, #tpu.memory_space<vmem>>
    %dma_start3A_296 = arith.constant 0 : i32
    %dma_start3A_297 = arith.constant 0 : i32
    %dma_start3A_298 = tpu.memref_slice %arg4[%dma_start3A_296, %dma_start3A_297] : memref<2000000x16xf32, #tpu.memory_space<hbm>> -> memref<2000000x16xf32, #tpu.memory_space<hbm>>
    tpu.enqueue_indirect_dma source(%dma_start3A_298 : memref<2000000x16xf32, #tpu.memory_space<hbm>>) target(%dma_start3A_292 : memref<128x16xf32, #tpu.memory_space<vmem>>) offsets(%dma_start3A_295 : memref<128xi32, #tpu.memory_space<vmem>>) semaphore(%arg21 : memref<!tpu.dma_semaphore, #tpu.memory_space<semaphore_mem>>)
    %dma_start3A_299 = arith.constant 0 : i32
    %dma_start3A_300 = arith.constant 0 : i32
    %dma_start3A_301 = arith.constant 0 : i32
    %dma_start3A_302 = tpu.memref_slice %arg16[%dma_start3A_300, %dma_start3A_301] : memref<256x16xf32, #tpu.memory_space<vmem>> -> memref<128x16xf32, #tpu.memory_space<vmem>>
    %dma_start3A_303 = arith.constant 0 : i32
    %dma_start3A_304 = tpu.memref_slice %arg12[%dma_start3A_299, %dma_start3A_303] : memref<2x128xi32, #tpu.memory_space<vmem>> -> memref<1x128xi32, #tpu.memory_space<vmem>>
    %dma_start3A_305 = tpu.memref_squeeze %dma_start3A_304 : memref<1x128xi32, #tpu.memory_space<vmem>> -> memref<128xi32, #tpu.memory_space<vmem>>
    %dma_start3A_306 = arith.constant 0 : i32
    %dma_start3A_307 = arith.constant 0 : i32
    %dma_start3A_308 = tpu.memref_slice %arg5[%dma_start3A_306, %dma_start3A_307] : memref<2000000x16xf32, #tpu.memory_space<hbm>> -> memref<2000000x16xf32, #tpu.memory_space<hbm>>
    tpu.enqueue_indirect_dma source(%dma_start3A_308 : memref<2000000x16xf32, #tpu.memory_space<hbm>>) target(%dma_start3A_302 : memref<128x16xf32, #tpu.memory_space<vmem>>) offsets(%dma_start3A_305 : memref<128xi32, #tpu.memory_space<vmem>>) semaphore(%arg23 : memref<!tpu.dma_semaphore, #tpu.memory_space<semaphore_mem>>)
    %dma_start3A_309 = arith.constant 1 : i32
    %dma_start3A_310 = arith.constant 128 : i32
    %dma_start3A_311 = arith.constant 0 : i32
    %dma_start3A_312 = tpu.memref_slice %arg14[%dma_start3A_310, %dma_start3A_311] : memref<256x16xf32, #tpu.memory_space<vmem>> -> memref<128x16xf32, #tpu.memory_space<vmem>>
    %dma_start3A_313 = arith.constant 0 : i32
    %dma_start3A_314 = tpu.memref_slice %arg10[%dma_start3A_309, %dma_start3A_313] : memref<2x128xi32, #tpu.memory_space<vmem>> -> memref<1x128xi32, #tpu.memory_space<vmem>>
    %dma_start3A_315 = tpu.memref_squeeze %dma_start3A_314 : memref<1x128xi32, #tpu.memory_space<vmem>> -> memref<128xi32, #tpu.memory_space<vmem>>
    %dma_start3A_316 = arith.constant 0 : i32
    %dma_start3A_317 = arith.constant 0 : i32
    %dma_start3A_318 = tpu.memref_slice %arg4[%dma_start3A_316, %dma_start3A_317] : memref<2000000x16xf32, #tpu.memory_space<hbm>> -> memref<2000000x16xf32, #tpu.memory_space<hbm>>
    tpu.enqueue_indirect_dma source(%dma_start3A_318 : memref<2000000x16xf32, #tpu.memory_space<hbm>>) target(%dma_start3A_312 : memref<128x16xf32, #tpu.memory_space<vmem>>) offsets(%dma_start3A_315 : memref<128xi32, #tpu.memory_space<vmem>>) semaphore(%arg21 : memref<!tpu.dma_semaphore, #tpu.memory_space<semaphore_mem>>)
    %dma_start3A_319 = arith.constant 1 : i32
    %dma_start3A_320 = arith.constant 128 : i32
    %dma_start3A_321 = arith.constant 0 : i32
    %dma_start3A_322 = tpu.memref_slice %arg16[%dma_start3A_320, %dma_start3A_321] : memref<256x16xf32, #tpu.memory_space<vmem>> -> memref<128x16xf32, #tpu.memory_space<vmem>>
    %dma_start3A_323 = arith.constant 0 : i32
    %dma_start3A_324 = tpu.memref_slice %arg12[%dma_start3A_319, %dma_start3A_323] : memref<2x128xi32, #tpu.memory_space<vmem>> -> memref<1x128xi32, #tpu.memory_space<vmem>>
    %dma_start3A_325 = tpu.memref_squeeze %dma_start3A_324 : memref<1x128xi32, #tpu.memory_space<vmem>> -> memref<128xi32, #tpu.memory_space<vmem>>
    %dma_start3A_326 = arith.constant 0 : i32
    %dma_start3A_327 = arith.constant 0 : i32
    %dma_start3A_328 = tpu.memref_slice %arg5[%dma_start3A_326, %dma_start3A_327] : memref<2000000x16xf32, #tpu.memory_space<hbm>> -> memref<2000000x16xf32, #tpu.memory_space<hbm>>
    tpu.enqueue_indirect_dma source(%dma_start3A_328 : memref<2000000x16xf32, #tpu.memory_space<hbm>>) target(%dma_start3A_322 : memref<128x16xf32, #tpu.memory_space<vmem>>) offsets(%dma_start3A_325 : memref<128xi32, #tpu.memory_space<vmem>>) semaphore(%arg23 : memref<!tpu.dma_semaphore, #tpu.memory_space<semaphore_mem>>)
    %get3A_329 = arith.constant 1 : i32
    %get3A_330 = arith.index_cast %get3A_329 : i32 to index
    %get3A_331 = arith.constant 0 : index
    %get3A_332 = tpu.vector_load %arg8[%get3A_330, %get3A_331] {strides = array<i32>} : memref<4x128xi32, #tpu.memory_space<vmem>>, vector<16xi32>,
    %shift_left3A_333 = arith.constant 1 : i32
    %shift_left3A_334 = vector.broadcast %shift_left3A_333 : i32 to vector<16xi32>
    %shift_left3A_335 = arith.shli %get3A_332, %shift_left3A_334 : vector<16xi32>
    %swap3A_336 = arith.constant 0 : i32
    %swap3A_337 = arith.index_cast %swap3A_336 : i32 to index
    %swap3A_338 = arith.constant 0 : index
    %swap3A_339 = tpu.vector_load %arg11[%swap3A_337, %swap3A_338] {strides = array<i32>} : memref<2x128xi32, #tpu.memory_space<vmem>>, vector<16xi32>,
    tpu.vector_store %arg11[%swap3A_337, %swap3A_338], %shift_left3A_335 {strides = array<i32>} : memref<2x128xi32, #tpu.memory_space<vmem>>, vector<16xi32>,
    %add3A_340 = arith.constant 1 : i32
    %add3A_341 = vector.broadcast %add3A_340 : i32 to vector<16xi32>
    %add3A_342 = arith.addi %shift_left3A_335, %add3A_341 : vector<16xi32>
    %swap3A_343 = arith.constant 1 : i32
    %swap3A_344 = arith.index_cast %swap3A_343 : i32 to index
    %swap3A_345 = arith.constant 0 : index
    %swap3A_346 = tpu.vector_load %arg11[%swap3A_344, %swap3A_345] {strides = array<i32>} : memref<2x128xi32, #tpu.memory_space<vmem>>, vector<16xi32>,
    tpu.vector_store %arg11[%swap3A_344, %swap3A_345], %add3A_342 {strides = array<i32>} : memref<2x128xi32, #tpu.memory_space<vmem>>, vector<16xi32>,
    %get3A_347 = arith.constant 1 : i32
    %get3A_348 = arith.index_cast %get3A_347 : i32 to index
    %get3A_349 = arith.constant 0 : index
    %get3A_350 = tpu.vector_load %arg9[%get3A_348, %get3A_349] {strides = array<i32>} : memref<4x128xi32, #tpu.memory_space<vmem>>, vector<16xi32>,
    %shift_left3A_351 = arith.constant 1 : i32
    %shift_left3A_352 = vector.broadcast %shift_left3A_351 : i32 to vector<16xi32>
    %shift_left3A_353 = arith.shli %get3A_350, %shift_left3A_352 : vector<16xi32>
    %swap3A_354 = arith.constant 0 : i32
    %swap3A_355 = arith.index_cast %swap3A_354 : i32 to index
    %swap3A_356 = arith.constant 0 : index
    %swap3A_357 = tpu.vector_load %arg13[%swap3A_355, %swap3A_356] {strides = array<i32>} : memref<2x128xi32, #tpu.memory_space<vmem>>, vector<16xi32>,
    tpu.vector_store %arg13[%swap3A_355, %swap3A_356], %shift_left3A_353 {strides = array<i32>} : memref<2x128xi32, #tpu.memory_space<vmem>>, vector<16xi32>,
    %add3A_358 = arith.constant 1 : i32
    %add3A_359 = vector.broadcast %add3A_358 : i32 to vector<16xi32>
    %add3A_360 = arith.addi %shift_left3A_353, %add3A_359 : vector<16xi32>
    %swap3A_361 = arith.constant 1 : i32
    %swap3A_362 = arith.index_cast %swap3A_361 : i32 to index
    %swap3A_363 = arith.constant 0 : index
    %swap3A_364 = tpu.vector_load %arg13[%swap3A_362, %swap3A_363] {strides = array<i32>} : memref<2x128xi32, #tpu.memory_space<vmem>>, vector<16xi32>,
    tpu.vector_store %arg13[%swap3A_362, %swap3A_363], %add3A_360 {strides = array<i32>} : memref<2x128xi32, #tpu.memory_space<vmem>>, vector<16xi32>,
    %get3A_365 = arith.constant 1 : i32
    %get3A_366 = arith.index_cast %get3A_365 : i32 to index
    %get3A_367 = arith.constant 16 : index
    %get3A_368 = tpu.vector_load %arg8[%get3A_366, %get3A_367] {strides = array<i32>} : memref<4x128xi32, #tpu.memory_space<vmem>>, vector<16xi32>,
    %shift_left3A_369 = arith.constant 1 : i32
    %shift_left3A_370 = vector.broadcast %shift_left3A_369 : i32 to vector<16xi32>
    %shift_left3A_371 = arith.shli %get3A_368, %shift_left3A_370 : vector<16xi32>
    %swap3A_372 = arith.constant 0 : i32
    %swap3A_373 = arith.index_cast %swap3A_372 : i32 to index
    %swap3A_374 = arith.constant 16 : index
    %swap3A_375 = tpu.vector_load %arg11[%swap3A_373, %swap3A_374] {strides = array<i32>} : memref<2x128xi32, #tpu.memory_space<vmem>>, vector<16xi32>,
    tpu.vector_store %arg11[%swap3A_373, %swap3A_374], %shift_left3A_371 {strides = array<i32>} : memref<2x128xi32, #tpu.memory_space<vmem>>, vector<16xi32>,
    %add3A_376 = arith.constant 1 : i32
    %add3A_377 = vector.broadcast %add3A_376 : i32 to vector<16xi32>
    %add3A_378 = arith.addi %shift_left3A_371, %add3A_377 : vector<16xi32>
    %swap3A_379 = arith.constant 1 : i32
    %swap3A_380 = arith.index_cast %swap3A_379 : i32 to index
    %swap3A_381 = arith.constant 16 : index
    %swap3A_382 = tpu.vector_load %arg11[%swap3A_380, %swap3A_381] {strides = array<i32>} : memref<2x128xi32, #tpu.memory_space<vmem>>, vector<16xi32>,
    tpu.vector_store %arg11[%swap3A_380, %swap3A_381], %add3A_378 {strides = array<i32>} : memref<2x128xi32, #tpu.memory_space<vmem>>, vector<16xi32>,
    %get3A_383 = arith.constant 1 : i32
    %get3A_384 = arith.index_cast %get3A_383 : i32 to index
    %get3A_385 = arith.constant 16 : index
    %get3A_386 = tpu.vector_load %arg9[%get3A_384, %get3A_385] {strides = array<i32>} : memref<4x128xi32, #tpu.memory_space<vmem>>, vector<16xi32>,
    %shift_left3A_387 = arith.constant 1 : i32
    %shift_left3A_388 = vector.broadcast %shift_left3A_387 : i32 to vector<16xi32>
    %shift_left3A_389 = arith.shli %get3A_386, %shift_left3A_388 : vector<16xi32>
    %swap3A_390 = arith.constant 0 : i32
    %swap3A_391 = arith.index_cast %swap3A_390 : i32 to index
    %swap3A_392 = arith.constant 16 : index
    %swap3A_393 = tpu.vector_load %arg13[%swap3A_391, %swap3A_392] {strides = array<i32>} : memref<2x128xi32, #tpu.memory_space<vmem>>, vector<16xi32>,
    tpu.vector_store %arg13[%swap3A_391, %swap3A_392], %shift_left3A_389 {strides = array<i32>} : memref<2x128xi32, #tpu.memory_space<vmem>>, vector<16xi32>,
    %add3A_394 = arith.constant 1 : i32
    %add3A_395 = vector.broadcast %add3A_394 : i32 to vector<16xi32>
    %add3A_396 = arith.addi %shift_left3A_389, %add3A_395 : vector<16xi32>
    %swap3A_397 = arith.constant 1 : i32
    %swap3A_398 = arith.index_cast %swap3A_397 : i32 to index
    %swap3A_399 = arith.constant 16 : index
    %swap3A_400 = tpu.vector_load %arg13[%swap3A_398, %swap3A_399] {strides = array<i32>} : memref<2x128xi32, #tpu.memory_space<vmem>>, vector<16xi32>,
    tpu.vector_store %arg13[%swap3A_398, %swap3A_399], %add3A_396 {strides = array<i32>} : memref<2x128xi32, #tpu.memory_space<vmem>>, vector<16xi32>,
    %get3A_401 = arith.constant 1 : i32
    %get3A_402 = arith.index_cast %get3A_401 : i32 to index
    %get3A_403 = arith.constant 32 : index
    %get3A_404 = tpu.vector_load %arg8[%get3A_402, %get3A_403] {strides = array<i32>} : memref<4x128xi32, #tpu.memory_space<vmem>>, vector<16xi32>,
    %shift_left3A_405 = arith.constant 1 : i32
    %shift_left3A_406 = vector.broadcast %shift_left3A_405 : i32 to vector<16xi32>
    %shift_left3A_407 = arith.shli %get3A_404, %shift_left3A_406 : vector<16xi32>
    %swap3A_408 = arith.constant 0 : i32
    %swap3A_409 = arith.index_cast %swap3A_408 : i32 to index
    %swap3A_410 = arith.constant 32 : index
    %swap3A_411 = tpu.vector_load %arg11[%swap3A_409, %swap3A_410] {strides = array<i32>} : memref<2x128xi32, #tpu.memory_space<vmem>>, vector<16xi32>,
    tpu.vector_store %arg11[%swap3A_409, %swap3A_410], %shift_left3A_407 {strides = array<i32>} : memref<2x128xi32, #tpu.memory_space<vmem>>, vector<16xi32>,
    %add3A_412 = arith.constant 1 : i32
    %add3A_413 = vector.broadcast %add3A_412 : i32 to vector<16xi32>
    %add3A_414 = arith.addi %shift_left3A_407, %add3A_413 : vector<16xi32>
    %swap3A_415 = arith.constant 1 : i32
    %swap3A_416 = arith.index_cast %swap3A_415 : i32 to index
    %swap3A_417 = arith.constant 32 : index
    %swap3A_418 = tpu.vector_load %arg11[%swap3A_416, %swap3A_417] {strides = array<i32>} : memref<2x128xi32, #tpu.memory_space<vmem>>, vector<16xi32>,
    tpu.vector_store %arg11[%swap3A_416, %swap3A_417], %add3A_414 {strides = array<i32>} : memref<2x128xi32, #tpu.memory_space<vmem>>, vector<16xi32>,
    %get3A_419 = arith.constant 1 : i32
    %get3A_420 = arith.index_cast %get3A_419 : i32 to index
    %get3A_421 = arith.constant 32 : index
    %get3A_422 = tpu.vector_load %arg9[%get3A_420, %get3A_421] {strides = array<i32>} : memref<4x128xi32, #tpu.memory_space<vmem>>, vector<16xi32>,
    %shift_left3A_423 = arith.constant 1 : i32
    %shift_left3A_424 = vector.broadcast %shift_left3A_423 : i32 to vector<16xi32>
    %shift_left3A_425 = arith.shli %get3A_422, %shift_left3A_424 : vector<16xi32>
    %swap3A_426 = arith.constant 0 : i32
    %swap3A_427 = arith.index_cast %swap3A_426 : i32 to index
    %swap3A_428 = arith.constant 32 : index
    %swap3A_429 = tpu.vector_load %arg13[%swap3A_427, %swap3A_428] {strides = array<i32>} : memref<2x128xi32, #tpu.memory_space<vmem>>, vector<16xi32>,
    tpu.vector_store %arg13[%swap3A_427, %swap3A_428], %shift_left3A_425 {strides = array<i32>} : memref<2x128xi32, #tpu.memory_space<vmem>>, vector<16xi32>,
    %add3A_430 = arith.constant 1 : i32
    %add3A_431 = vector.broadcast %add3A_430 : i32 to vector<16xi32>
    %add3A_432 = arith.addi %shift_left3A_425, %add3A_431 : vector<16xi32>
    %swap3A_433 = arith.constant 1 : i32
    %swap3A_434 = arith.index_cast %swap3A_433 : i32 to index
    %swap3A_435 = arith.constant 32 : index
    %swap3A_436 = tpu.vector_load %arg13[%swap3A_434, %swap3A_435] {strides = array<i32>} : memref<2x128xi32, #tpu.memory_space<vmem>>, vector<16xi32>,
    tpu.vector_store %arg13[%swap3A_434, %swap3A_435], %add3A_432 {strides = array<i32>} : memref<2x128xi32, #tpu.memory_space<vmem>>, vector<16xi32>,
    %get3A_437 = arith.constant 1 : i32
    %get3A_438 = arith.index_cast %get3A_437 : i32 to index
    %get3A_439 = arith.constant 48 : index
    %get3A_440 = tpu.vector_load %arg8[%get3A_438, %get3A_439] {strides = array<i32>} : memref<4x128xi32, #tpu.memory_space<vmem>>, vector<16xi32>,
    %shift_left3A_441 = arith.constant 1 : i32
    %shift_left3A_442 = vector.broadcast %shift_left3A_441 : i32 to vector<16xi32>
    %shift_left3A_443 = arith.shli %get3A_440, %shift_left3A_442 : vector<16xi32>
    %swap3A_444 = arith.constant 0 : i32
    %swap3A_445 = arith.index_cast %swap3A_444 : i32 to index
    %swap3A_446 = arith.constant 48 : index
    %swap3A_447 = tpu.vector_load %arg11[%swap3A_445, %swap3A_446] {strides = array<i32>} : memref<2x128xi32, #tpu.memory_space<vmem>>, vector<16xi32>,
    tpu.vector_store %arg11[%swap3A_445, %swap3A_446], %shift_left3A_443 {strides = array<i32>} : memref<2x128xi32, #tpu.memory_space<vmem>>, vector<16xi32>,
    %add3A_448 = arith.constant 1 : i32
    %add3A_449 = vector.broadcast %add3A_448 : i32 to vector<16xi32>
    %add3A_450 = arith.addi %shift_left3A_443, %add3A_449 : vector<16xi32>
    %swap3A_451 = arith.constant 1 : i32
    %swap3A_452 = arith.index_cast %swap3A_451 : i32 to index
    %swap3A_453 = arith.constant 48 : index
    %swap3A_454 = tpu.vector_load %arg11[%swap3A_452, %swap3A_453] {strides = array<i32>} : memref<2x128xi32, #tpu.memory_space<vmem>>, vector<16xi32>,
    tpu.vector_store %arg11[%swap3A_452, %swap3A_453], %add3A_450 {strides = array<i32>} : memref<2x128xi32, #tpu.memory_space<vmem>>, vector<16xi32>,
    %get3A_455 = arith.constant 1 : i32
    %get3A_456 = arith.index_cast %get3A_455 : i32 to index
    %get3A_457 = arith.constant 48 : index
    %get3A_458 = tpu.vector_load %arg9[%get3A_456, %get3A_457] {strides = array<i32>} : memref<4x128xi32, #tpu.memory_space<vmem>>, vector<16xi32>,
    %shift_left3A_459 = arith.constant 1 : i32
    %shift_left3A_460 = vector.broadcast %shift_left3A_459 : i32 to vector<16xi32>
    %shift_left3A_461 = arith.shli %get3A_458, %shift_left3A_460 : vector<16xi32>
    %swap3A_462 = arith.constant 0 : i32
    %swap3A_463 = arith.index_cast %swap3A_462 : i32 to index
    %swap3A_464 = arith.constant 48 : index
    %swap3A_465 = tpu.vector_load %arg13[%swap3A_463, %swap3A_464] {strides = array<i32>} : memref<2x128xi32, #tpu.memory_space<vmem>>, vector<16xi32>,
    tpu.vector_store %arg13[%swap3A_463, %swap3A_464], %shift_left3A_461 {strides = array<i32>} : memref<2x128xi32, #tpu.memory_space<vmem>>, vector<16xi32>,
    %add3A_466 = arith.constant 1 : i32
    %add3A_467 = vector.broadcast %add3A_466 : i32 to vector<16xi32>
    %add3A_468 = arith.addi %shift_left3A_461, %add3A_467 : vector<16xi32>
    %swap3A_469 = arith.constant 1 : i32
    %swap3A_470 = arith.index_cast %swap3A_469 : i32 to index
    %swap3A_471 = arith.constant 48 : index
    %swap3A_472 = tpu.vector_load %arg13[%swap3A_470, %swap3A_471] {strides = array<i32>} : memref<2x128xi32, #tpu.memory_space<vmem>>, vector<16xi32>,
    tpu.vector_store %arg13[%swap3A_470, %swap3A_471], %add3A_468 {strides = array<i32>} : memref<2x128xi32, #tpu.memory_space<vmem>>, vector<16xi32>,
    %get3A_473 = arith.constant 1 : i32
    %get3A_474 = arith.index_cast %get3A_473 : i32 to index
    %get3A_475 = arith.constant 64 : index
    %get3A_476 = tpu.vector_load %arg8[%get3A_474, %get3A_475] {strides = array<i32>} : memref<4x128xi32, #tpu.memory_space<vmem>>, vector<16xi32>,
    %shift_left3A_477 = arith.constant 1 : i32
    %shift_left3A_478 = vector.broadcast %shift_left3A_477 : i32 to vector<16xi32>
    %shift_left3A_479 = arith.shli %get3A_476, %shift_left3A_478 : vector<16xi32>
    %swap3A_480 = arith.constant 0 : i32
    %swap3A_481 = arith.index_cast %swap3A_480 : i32 to index
    %swap3A_482 = arith.constant 64 : index
    %swap3A_483 = tpu.vector_load %arg11[%swap3A_481, %swap3A_482] {strides = array<i32>} : memref<2x128xi32, #tpu.memory_space<vmem>>, vector<16xi32>,
    tpu.vector_store %arg11[%swap3A_481, %swap3A_482], %shift_left3A_479 {strides = array<i32>} : memref<2x128xi32, #tpu.memory_space<vmem>>, vector<16xi32>,
    %add3A_484 = arith.constant 1 : i32
    %add3A_485 = vector.broadcast %add3A_484 : i32 to vector<16xi32>
    %add3A_486 = arith.addi %shift_left3A_479, %add3A_485 : vector<16xi32>
    %swap3A_487 = arith.constant 1 : i32
    %swap3A_488 = arith.index_cast %swap3A_487 : i32 to index
    %swap3A_489 = arith.constant 64 : index
    %swap3A_490 = tpu.vector_load %arg11[%swap3A_488, %swap3A_489] {strides = array<i32>} : memref<2x128xi32, #tpu.memory_space<vmem>>, vector<16xi32>,
    tpu.vector_store %arg11[%swap3A_488, %swap3A_489], %add3A_486 {strides = array<i32>} : memref<2x128xi32, #tpu.memory_space<vmem>>, vector<16xi32>,
    %get3A_491 = arith.constant 1 : i32
    %get3A_492 = arith.index_cast %get3A_491 : i32 to index
    %get3A_493 = arith.constant 64 : index
    %get3A_494 = tpu.vector_load %arg9[%get3A_492, %get3A_493] {strides = array<i32>} : memref<4x128xi32, #tpu.memory_space<vmem>>, vector<16xi32>,
    %shift_left3A_495 = arith.constant 1 : i32
    %shift_left3A_496 = vector.broadcast %shift_left3A_495 : i32 to vector<16xi32>
    %shift_left3A_497 = arith.shli %get3A_494, %shift_left3A_496 : vector<16xi32>
    %swap3A_498 = arith.constant 0 : i32
    %swap3A_499 = arith.index_cast %swap3A_498 : i32 to index
    %swap3A_500 = arith.constant 64 : index
    %swap3A_501 = tpu.vector_load %arg13[%swap3A_499, %swap3A_500] {strides = array<i32>} : memref<2x128xi32, #tpu.memory_space<vmem>>, vector<16xi32>,
    tpu.vector_store %arg13[%swap3A_499, %swap3A_500], %shift_left3A_497 {strides = array<i32>} : memref<2x128xi32, #tpu.memory_space<vmem>>, vector<16xi32>,
    %add3A_502 = arith.constant 1 : i32
    %add3A_503 = vector.broadcast %add3A_502 : i32 to vector<16xi32>
    %add3A_504 = arith.addi %shift_left3A_497, %add3A_503 : vector<16xi32>
    %swap3A_505 = arith.constant 1 : i32
    %swap3A_506 = arith.index_cast %swap3A_505 : i32 to index
    %swap3A_507 = arith.constant 64 : index
    %swap3A_508 = tpu.vector_load %arg13[%swap3A_506, %swap3A_507] {strides = array<i32>} : memref<2x128xi32, #tpu.memory_space<vmem>>, vector<16xi32>,
    tpu.vector_store %arg13[%swap3A_506, %swap3A_507], %add3A_504 {strides = array<i32>} : memref<2x128xi32, #tpu.memory_space<vmem>>, vector<16xi32>,
    %get3A_509 = arith.constant 1 : i32
    %get3A_510 = arith.index_cast %get3A_509 : i32 to index
    %get3A_511 = arith.constant 80 : index
    %get3A_512 = tpu.vector_load %arg8[%get3A_510, %get3A_511] {strides = array<i32>} : memref<4x128xi32, #tpu.memory_space<vmem>>, vector<16xi32>,
    %shift_left3A_513 = arith.constant 1 : i32
    %shift_left3A_514 = vector.broadcast %shift_left3A_513 : i32 to vector<16xi32>
    %shift_left3A_515 = arith.shli %get3A_512, %shift_left3A_514 : vector<16xi32>
    %swap3A_516 = arith.constant 0 : i32
    %swap3A_517 = arith.index_cast %swap3A_516 : i32 to index
    %swap3A_518 = arith.constant 80 : index
    %swap3A_519 = tpu.vector_load %arg11[%swap3A_517, %swap3A_518] {strides = array<i32>} : memref<2x128xi32, #tpu.memory_space<vmem>>, vector<16xi32>,
    tpu.vector_store %arg11[%swap3A_517, %swap3A_518], %shift_left3A_515 {strides = array<i32>} : memref<2x128xi32, #tpu.memory_space<vmem>>, vector<16xi32>,
    %add3A_520 = arith.constant 1 : i32
    %add3A_521 = vector.broadcast %add3A_520 : i32 to vector<16xi32>
    %add3A_522 = arith.addi %shift_left3A_515, %add3A_521 : vector<16xi32>
    %swap3A_523 = arith.constant 1 : i32
    %swap3A_524 = arith.index_cast %swap3A_523 : i32 to index
    %swap3A_525 = arith.constant 80 : index
    %swap3A_526 = tpu.vector_load %arg11[%swap3A_524, %swap3A_525] {strides = array<i32>} : memref<2x128xi32, #tpu.memory_space<vmem>>, vector<16xi32>,
    tpu.vector_store %arg11[%swap3A_524, %swap3A_525], %add3A_522 {strides = array<i32>} : memref<2x128xi32, #tpu.memory_space<vmem>>, vector<16xi32>,
    %get3A_527 = arith.constant 1 : i32
    %get3A_528 = arith.index_cast %get3A_527 : i32 to index
    %get3A_529 = arith.constant 80 : index
    %get3A_530 = tpu.vector_load %arg9[%get3A_528, %get3A_529] {strides = array<i32>} : memref<4x128xi32, #tpu.memory_space<vmem>>, vector<16xi32>,
    %shift_left3A_531 = arith.constant 1 : i32
    %shift_left3A_532 = vector.broadcast %shift_left3A_531 : i32 to vector<16xi32>
    %shift_left3A_533 = arith.shli %get3A_530, %shift_left3A_532 : vector<16xi32>
    %swap3A_534 = arith.constant 0 : i32
    %swap3A_535 = arith.index_cast %swap3A_534 : i32 to index
    %swap3A_536 = arith.constant 80 : index
    %swap3A_537 = tpu.vector_load %arg13[%swap3A_535, %swap3A_536] {strides = array<i32>} : memref<2x128xi32, #tpu.memory_space<vmem>>, vector<16xi32>,
    tpu.vector_store %arg13[%swap3A_535, %swap3A_536], %shift_left3A_533 {strides = array<i32>} : memref<2x128xi32, #tpu.memory_space<vmem>>, vector<16xi32>,
    %add3A_538 = arith.constant 1 : i32
    %add3A_539 = vector.broadcast %add3A_538 : i32 to vector<16xi32>
    %add3A_540 = arith.addi %shift_left3A_533, %add3A_539 : vector<16xi32>
    %swap3A_541 = arith.constant 1 : i32
    %swap3A_542 = arith.index_cast %swap3A_541 : i32 to index
    %swap3A_543 = arith.constant 80 : index
    %swap3A_544 = tpu.vector_load %arg13[%swap3A_542, %swap3A_543] {strides = array<i32>} : memref<2x128xi32, #tpu.memory_space<vmem>>, vector<16xi32>,
    tpu.vector_store %arg13[%swap3A_542, %swap3A_543], %add3A_540 {strides = array<i32>} : memref<2x128xi32, #tpu.memory_space<vmem>>, vector<16xi32>,
    %get3A_545 = arith.constant 1 : i32
    %get3A_546 = arith.index_cast %get3A_545 : i32 to index
    %get3A_547 = arith.constant 96 : index
    %get3A_548 = tpu.vector_load %arg8[%get3A_546, %get3A_547] {strides = array<i32>} : memref<4x128xi32, #tpu.memory_space<vmem>>, vector<16xi32>,
    %shift_left3A_549 = arith.constant 1 : i32
    %shift_left3A_550 = vector.broadcast %shift_left3A_549 : i32 to vector<16xi32>
    %shift_left3A_551 = arith.shli %get3A_548, %shift_left3A_550 : vector<16xi32>
    %swap3A_552 = arith.constant 0 : i32
    %swap3A_553 = arith.index_cast %swap3A_552 : i32 to index
    %swap3A_554 = arith.constant 96 : index
    %swap3A_555 = tpu.vector_load %arg11[%swap3A_553, %swap3A_554] {strides = array<i32>} : memref<2x128xi32, #tpu.memory_space<vmem>>, vector<16xi32>,
    tpu.vector_store %arg11[%swap3A_553, %swap3A_554], %shift_left3A_551 {strides = array<i32>} : memref<2x128xi32, #tpu.memory_space<vmem>>, vector<16xi32>,
    %add3A_556 = arith.constant 1 : i32
    %add3A_557 = vector.broadcast %add3A_556 : i32 to vector<16xi32>
    %add3A_558 = arith.addi %shift_left3A_551, %add3A_557 : vector<16xi32>
    %swap3A_559 = arith.constant 1 : i32
    %swap3A_560 = arith.index_cast %swap3A_559 : i32 to index
    %swap3A_561 = arith.constant 96 : index
    %swap3A_562 = tpu.vector_load %arg11[%swap3A_560, %swap3A_561] {strides = array<i32>} : memref<2x128xi32, #tpu.memory_space<vmem>>, vector<16xi32>,
    tpu.vector_store %arg11[%swap3A_560, %swap3A_561], %add3A_558 {strides = array<i32>} : memref<2x128xi32, #tpu.memory_space<vmem>>, vector<16xi32>,
    %get3A_563 = arith.constant 1 : i32
    %get3A_564 = arith.index_cast %get3A_563 : i32 to index
    %get3A_565 = arith.constant 96 : index
    %get3A_566 = tpu.vector_load %arg9[%get3A_564, %get3A_565] {strides = array<i32>} : memref<4x128xi32, #tpu.memory_space<vmem>>, vector<16xi32>,
    %shift_left3A_567 = arith.constant 1 : i32
    %shift_left3A_568 = vector.broadcast %shift_left3A_567 : i32 to vector<16xi32>
    %shift_left3A_569 = arith.shli %get3A_566, %shift_left3A_568 : vector<16xi32>
    %swap3A_570 = arith.constant 0 : i32
    %swap3A_571 = arith.index_cast %swap3A_570 : i32 to index
    %swap3A_572 = arith.constant 96 : index
    %swap3A_573 = tpu.vector_load %arg13[%swap3A_571, %swap3A_572] {strides = array<i32>} : memref<2x128xi32, #tpu.memory_space<vmem>>, vector<16xi32>,
    tpu.vector_store %arg13[%swap3A_571, %swap3A_572], %shift_left3A_569 {strides = array<i32>} : memref<2x128xi32, #tpu.memory_space<vmem>>, vector<16xi32>,
    %add3A_574 = arith.constant 1 : i32
    %add3A_575 = vector.broadcast %add3A_574 : i32 to vector<16xi32>
    %add3A_576 = arith.addi %shift_left3A_569, %add3A_575 : vector<16xi32>
    %swap3A_577 = arith.constant 1 : i32
    %swap3A_578 = arith.index_cast %swap3A_577 : i32 to index
    %swap3A_579 = arith.constant 96 : index
    %swap3A_580 = tpu.vector_load %arg13[%swap3A_578, %swap3A_579] {strides = array<i32>} : memref<2x128xi32, #tpu.memory_space<vmem>>, vector<16xi32>,
    tpu.vector_store %arg13[%swap3A_578, %swap3A_579], %add3A_576 {strides = array<i32>} : memref<2x128xi32, #tpu.memory_space<vmem>>, vector<16xi32>,
    %get3A_581 = arith.constant 1 : i32
    %get3A_582 = arith.index_cast %get3A_581 : i32 to index
    %get3A_583 = arith.constant 112 : index
    %get3A_584 = tpu.vector_load %arg8[%get3A_582, %get3A_583] {strides = array<i32>} : memref<4x128xi32, #tpu.memory_space<vmem>>, vector<16xi32>,
    %shift_left3A_585 = arith.constant 1 : i32
    %shift_left3A_586 = vector.broadcast %shift_left3A_585 : i32 to vector<16xi32>
    %shift_left3A_587 = arith.shli %get3A_584, %shift_left3A_586 : vector<16xi32>
    %swap3A_588 = arith.constant 0 : i32
    %swap3A_589 = arith.index_cast %swap3A_588 : i32 to index
    %swap3A_590 = arith.constant 112 : index
    %swap3A_591 = tpu.vector_load %arg11[%swap3A_589, %swap3A_590] {strides = array<i32>} : memref<2x128xi32, #tpu.memory_space<vmem>>, vector<16xi32>,
    tpu.vector_store %arg11[%swap3A_589, %swap3A_590], %shift_left3A_587 {strides = array<i32>} : memref<2x128xi32, #tpu.memory_space<vmem>>, vector<16xi32>,
    %add3A_592 = arith.constant 1 : i32
    %add3A_593 = vector.broadcast %add3A_592 : i32 to vector<16xi32>
    %add3A_594 = arith.addi %shift_left3A_587, %add3A_593 : vector<16xi32>
    %swap3A_595 = arith.constant 1 : i32
    %swap3A_596 = arith.index_cast %swap3A_595 : i32 to index
    %swap3A_597 = arith.constant 112 : index
    %swap3A_598 = tpu.vector_load %arg11[%swap3A_596, %swap3A_597] {strides = array<i32>} : memref<2x128xi32, #tpu.memory_space<vmem>>, vector<16xi32>,
    tpu.vector_store %arg11[%swap3A_596, %swap3A_597], %add3A_594 {strides = array<i32>} : memref<2x128xi32, #tpu.memory_space<vmem>>, vector<16xi32>,
    %get3A_599 = arith.constant 1 : i32
    %get3A_600 = arith.index_cast %get3A_599 : i32 to index
    %get3A_601 = arith.constant 112 : index
    %get3A_602 = tpu.vector_load %arg9[%get3A_600, %get3A_601] {strides = array<i32>} : memref<4x128xi32, #tpu.memory_space<vmem>>, vector<16xi32>,
    %shift_left3A_603 = arith.constant 1 : i32
    %shift_left3A_604 = vector.broadcast %shift_left3A_603 : i32 to vector<16xi32>
    %shift_left3A_605 = arith.shli %get3A_602, %shift_left3A_604 : vector<16xi32>
    %swap3A_606 = arith.constant 0 : i32
    %swap3A_607 = arith.index_cast %swap3A_606 : i32 to index
    %swap3A_608 = arith.constant 112 : index
    %swap3A_609 = tpu.vector_load %arg13[%swap3A_607, %swap3A_608] {strides = array<i32>} : memref<2x128xi32, #tpu.memory_space<vmem>>, vector<16xi32>,
    tpu.vector_store %arg13[%swap3A_607, %swap3A_608], %shift_left3A_605 {strides = array<i32>} : memref<2x128xi32, #tpu.memory_space<vmem>>, vector<16xi32>,
    %add3A_610 = arith.constant 1 : i32
    %add3A_611 = vector.broadcast %add3A_610 : i32 to vector<16xi32>
    %add3A_612 = arith.addi %shift_left3A_605, %add3A_611 : vector<16xi32>
    %swap3A_613 = arith.constant 1 : i32
    %swap3A_614 = arith.index_cast %swap3A_613 : i32 to index
    %swap3A_615 = arith.constant 112 : index
    %swap3A_616 = tpu.vector_load %arg13[%swap3A_614, %swap3A_615] {strides = array<i32>} : memref<2x128xi32, #tpu.memory_space<vmem>>, vector<16xi32>,
    tpu.vector_store %arg13[%swap3A_614, %swap3A_615], %add3A_612 {strides = array<i32>} : memref<2x128xi32, #tpu.memory_space<vmem>>, vector<16xi32>,
    %dma_start3A_617 = arith.constant 0 : i32
    %dma_start3A_618 = arith.constant 0 : i32
    %dma_start3A_619 = arith.constant 0 : i32
    %dma_start3A_620 = tpu.memref_slice %arg15[%dma_start3A_618, %dma_start3A_619] : memref<256x16xf32, #tpu.memory_space<vmem>> -> memref<128x16xf32, #tpu.memory_space<vmem>>
    %dma_start3A_621 = arith.constant 0 : i32
    %dma_start3A_622 = tpu.memref_slice %arg11[%dma_start3A_617, %dma_start3A_621] : memref<2x128xi32, #tpu.memory_space<vmem>> -> memref<1x128xi32, #tpu.memory_space<vmem>>
    %dma_start3A_623 = tpu.memref_squeeze %dma_start3A_622 : memref<1x128xi32, #tpu.memory_space<vmem>> -> memref<128xi32, #tpu.memory_space<vmem>>
    %dma_start3A_624 = arith.constant 0 : i32
    %dma_start3A_625 = arith.constant 0 : i32
    %dma_start3A_626 = tpu.memref_slice %arg4[%dma_start3A_624, %dma_start3A_625] : memref<2000000x16xf32, #tpu.memory_space<hbm>> -> memref<2000000x16xf32, #tpu.memory_space<hbm>>
    tpu.enqueue_indirect_dma source(%dma_start3A_626 : memref<2000000x16xf32, #tpu.memory_space<hbm>>) target(%dma_start3A_620 : memref<128x16xf32, #tpu.memory_space<vmem>>) offsets(%dma_start3A_623 : memref<128xi32, #tpu.memory_space<vmem>>) semaphore(%arg22 : memref<!tpu.dma_semaphore, #tpu.memory_space<semaphore_mem>>)
    %dma_start3A_627 = arith.constant 0 : i32
    %dma_start3A_628 = arith.constant 0 : i32
    %dma_start3A_629 = arith.constant 0 : i32
    %dma_start3A_630 = tpu.memref_slice %arg17[%dma_start3A_628, %dma_start3A_629] : memref<256x16xf32, #tpu.memory_space<vmem>> -> memref<128x16xf32, #tpu.memory_space<vmem>>
    %dma_start3A_631 = arith.constant 0 : i32
    %dma_start3A_632 = tpu.memref_slice %arg13[%dma_start3A_627, %dma_start3A_631] : memref<2x128xi32, #tpu.memory_space<vmem>> -> memref<1x128xi32, #tpu.memory_space<vmem>>
    %dma_start3A_633 = tpu.memref_squeeze %dma_start3A_632 : memref<1x128xi32, #tpu.memory_space<vmem>> -> memref<128xi32, #tpu.memory_space<vmem>>
    %dma_start3A_634 = arith.constant 0 : i32
    %dma_start3A_635 = arith.constant 0 : i32
    %dma_start3A_636 = tpu.memref_slice %arg5[%dma_start3A_634, %dma_start3A_635] : memref<2000000x16xf32, #tpu.memory_space<hbm>> -> memref<2000000x16xf32, #tpu.memory_space<hbm>>
    tpu.enqueue_indirect_dma source(%dma_start3A_636 : memref<2000000x16xf32, #tpu.memory_space<hbm>>) target(%dma_start3A_630 : memref<128x16xf32, #tpu.memory_space<vmem>>) offsets(%dma_start3A_633 : memref<128xi32, #tpu.memory_space<vmem>>) semaphore(%arg24 : memref<!tpu.dma_semaphore, #tpu.memory_space<semaphore_mem>>)
    %dma_start3A_637 = arith.constant 1 : i32
    %dma_start3A_638 = arith.constant 128 : i32
    %dma_start3A_639 = arith.constant 0 : i32
    %dma_start3A_640 = tpu.memref_slice %arg15[%dma_start3A_638, %dma_start3A_639] : memref<256x16xf32, #tpu.memory_space<vmem>> -> memref<128x16xf32, #tpu.memory_space<vmem>>
    %dma_start3A_641 = arith.constant 0 : i32
    %dma_start3A_642 = tpu.memref_slice %arg11[%dma_start3A_637, %dma_start3A_641] : memref<2x128xi32, #tpu.memory_space<vmem>> -> memref<1x128xi32, #tpu.memory_space<vmem>>
    %dma_start3A_643 = tpu.memref_squeeze %dma_start3A_642 : memref<1x128xi32, #tpu.memory_space<vmem>> -> memref<128xi32, #tpu.memory_space<vmem>>
    %dma_start3A_644 = arith.constant 0 : i32
    %dma_start3A_645 = arith.constant 0 : i32
    %dma_start3A_646 = tpu.memref_slice %arg4[%dma_start3A_644, %dma_start3A_645] : memref<2000000x16xf32, #tpu.memory_space<hbm>> -> memref<2000000x16xf32, #tpu.memory_space<hbm>>
    tpu.enqueue_indirect_dma source(%dma_start3A_646 : memref<2000000x16xf32, #tpu.memory_space<hbm>>) target(%dma_start3A_640 : memref<128x16xf32, #tpu.memory_space<vmem>>) offsets(%dma_start3A_643 : memref<128xi32, #tpu.memory_space<vmem>>) semaphore(%arg22 : memref<!tpu.dma_semaphore, #tpu.memory_space<semaphore_mem>>)
    %dma_start3A_647 = arith.constant 1 : i32
    %dma_start3A_648 = arith.constant 128 : i32
    %dma_start3A_649 = arith.constant 0 : i32
    %dma_start3A_650 = tpu.memref_slice %arg17[%dma_start3A_648, %dma_start3A_649] : memref<256x16xf32, #tpu.memory_space<vmem>> -> memref<128x16xf32, #tpu.memory_space<vmem>>
    %dma_start3A_651 = arith.constant 0 : i32
    %dma_start3A_652 = tpu.memref_slice %arg13[%dma_start3A_647, %dma_start3A_651] : memref<2x128xi32, #tpu.memory_space<vmem>> -> memref<1x128xi32, #tpu.memory_space<vmem>>
    %dma_start3A_653 = tpu.memref_squeeze %dma_start3A_652 : memref<1x128xi32, #tpu.memory_space<vmem>> -> memref<128xi32, #tpu.memory_space<vmem>>
    %dma_start3A_654 = arith.constant 0 : i32
    %dma_start3A_655 = arith.constant 0 : i32
    %dma_start3A_656 = tpu.memref_slice %arg5[%dma_start3A_654, %dma_start3A_655] : memref<2000000x16xf32, #tpu.memory_space<hbm>> -> memref<2000000x16xf32, #tpu.memory_space<hbm>>
    tpu.enqueue_indirect_dma source(%dma_start3A_656 : memref<2000000x16xf32, #tpu.memory_space<hbm>>) target(%dma_start3A_650 : memref<128x16xf32, #tpu.memory_space<vmem>>) offsets(%dma_start3A_653 : memref<128xi32, #tpu.memory_space<vmem>>) semaphore(%arg24 : memref<!tpu.dma_semaphore, #tpu.memory_space<semaphore_mem>>)
    %scan3A = arith.constant 0 : i32
    %scan3A_657 = arith.constant 2 : i32
    %scan3A_658 = arith.addi %scan3A, %scan3A_657 : i32
    %scan3A_659 = arith.constant 1 : i32
    scf.for %scan3A_661 = %scan3A to %scan3A_658 step %scan3A_659  : i32 {
      %mul3A_662 = arith.constant 2 : i32
      %mul3A_663 = arith.muli %scan3A_661, %mul3A_662 : i32
      %add3A_664 = arith.constant 0 : i32
      %add3A_665 = arith.addi %add3A_664, %mul3A_663 : i32
      %add3A_666 = arith.constant 0 : i32
      %add3A_667 = arith.addi %add3A_665, %add3A_666 : i32
      %dma_wait3A = arith.constant 0 : i32
      %dma_wait3A_668 = arith.constant 0 : i32
      %dma_wait3A_669 = tpu.memref_slice %arg4[%dma_wait3A, %dma_wait3A_668] : memref<2000000x16xf32, #tpu.memory_space<hbm>> -> memref<256x16xf32, #tpu.memory_space<hbm>>
      %dma_wait3A_670 = arith.constant 0 : i32
      %dma_wait3A_671 = arith.constant 0 : i32
      %dma_wait3A_672 = tpu.memref_slice %arg4[%dma_wait3A_670, %dma_wait3A_671] : memref<2000000x16xf32, #tpu.memory_space<hbm>> -> memref<256x16xf32, #tpu.memory_space<hbm>>
      tpu.wait_dma2 semaphore(%arg21 : memref<!tpu.dma_semaphore, #tpu.memory_space<semaphore_mem>>) src(%dma_wait3A_672 : memref<256x16xf32, #tpu.memory_space<hbm>>) dst(%arg14 : memref<256x16xf32, #tpu.memory_space<vmem>>)
      %dma_wait3A_673 = arith.constant 0 : i32
      %dma_wait3A_674 = arith.constant 0 : i32
      %dma_wait3A_675 = tpu.memref_slice %arg5[%dma_wait3A_673, %dma_wait3A_674] : memref<2000000x16xf32, #tpu.memory_space<hbm>> -> memref<256x16xf32, #tpu.memory_space<hbm>>
      %dma_wait3A_676 = arith.constant 0 : i32
      %dma_wait3A_677 = arith.constant 0 : i32
      %dma_wait3A_678 = tpu.memref_slice %arg5[%dma_wait3A_676, %dma_wait3A_677] : memref<2000000x16xf32, #tpu.memory_space<hbm>> -> memref<256x16xf32, #tpu.memory_space<hbm>>
      tpu.wait_dma2 semaphore(%arg23 : memref<!tpu.dma_semaphore, #tpu.memory_space<semaphore_mem>>) src(%dma_wait3A_678 : memref<256x16xf32, #tpu.memory_space<hbm>>) dst(%arg16 : memref<256x16xf32, #tpu.memory_space<vmem>>)
      %swap3A_679 = arith.constant 0 : index
      %swap3A_680 = tpu.vector_load %arg19[%swap3A_679] {strides = array<i32>} : memref<128xf32, #tpu.memory_space<vmem>>, vector<16xf32>,
      tpu.vector_store %arg19[%swap3A_679], %get3A_3 {strides = array<i32>} : memref<128xf32, #tpu.memory_space<vmem>>, vector<16xf32>,
      %swap3A_681 = arith.constant 16 : index
      %swap3A_682 = tpu.vector_load %arg19[%swap3A_681] {strides = array<i32>} : memref<128xf32, #tpu.memory_space<vmem>>, vector<16xf32>,
      tpu.vector_store %arg19[%swap3A_681], %get3A_3 {strides = array<i32>} : memref<128xf32, #tpu.memory_space<vmem>>, vector<16xf32>,
      %swap3A_683 = arith.constant 32 : index
      %swap3A_684 = tpu.vector_load %arg19[%swap3A_683] {strides = array<i32>} : memref<128xf32, #tpu.memory_space<vmem>>, vector<16xf32>,
      tpu.vector_store %arg19[%swap3A_683], %get3A_3 {strides = array<i32>} : memref<128xf32, #tpu.memory_space<vmem>>, vector<16xf32>,
      %swap3A_685 = arith.constant 48 : index
      %swap3A_686 = tpu.vector_load %arg19[%swap3A_685] {strides = array<i32>} : memref<128xf32, #tpu.memory_space<vmem>>, vector<16xf32>,
      tpu.vector_store %arg19[%swap3A_685], %get3A_3 {strides = array<i32>} : memref<128xf32, #tpu.memory_space<vmem>>, vector<16xf32>,
      %swap3A_687 = arith.constant 64 : index
      %swap3A_688 = tpu.vector_load %arg19[%swap3A_687] {strides = array<i32>} : memref<128xf32, #tpu.memory_space<vmem>>, vector<16xf32>,
      tpu.vector_store %arg19[%swap3A_687], %get3A_3 {strides = array<i32>} : memref<128xf32, #tpu.memory_space<vmem>>, vector<16xf32>,
      %swap3A_689 = arith.constant 80 : index
      %swap3A_690 = tpu.vector_load %arg19[%swap3A_689] {strides = array<i32>} : memref<128xf32, #tpu.memory_space<vmem>>, vector<16xf32>,
      tpu.vector_store %arg19[%swap3A_689], %get3A_3 {strides = array<i32>} : memref<128xf32, #tpu.memory_space<vmem>>, vector<16xf32>,
      %swap3A_691 = arith.constant 96 : index
      %swap3A_692 = tpu.vector_load %arg19[%swap3A_691] {strides = array<i32>} : memref<128xf32, #tpu.memory_space<vmem>>, vector<16xf32>,
      tpu.vector_store %arg19[%swap3A_691], %get3A_3 {strides = array<i32>} : memref<128xf32, #tpu.memory_space<vmem>>, vector<16xf32>,
      %swap3A_693 = arith.constant 112 : index
      %swap3A_694 = tpu.vector_load %arg19[%swap3A_693] {strides = array<i32>} : memref<128xf32, #tpu.memory_space<vmem>>, vector<16xf32>,
      tpu.vector_store %arg19[%swap3A_693], %get3A_3 {strides = array<i32>} : memref<128xf32, #tpu.memory_space<vmem>>, vector<16xf32>,
      %scan3A_695 = arith.constant 0 : i32
      %scan3A_696 = arith.constant 0 : i32
      %scan3A_697 = arith.constant 16 : i32
      %scan3A_698 = arith.addi %scan3A_696, %scan3A_697 : i32
      %scan3A_699 = arith.constant 1 : i32
      scf.for %scan3A_1033 = %scan3A_696 to %scan3A_698 step %scan3A_699  : i32 {
        %get3A_1034 = arith.index_cast %scan3A_1033 : i32 to index
        %get3A_1035 = arith.constant 0 : index
        %get3A_1036 = tpu.vector_load %arg18[%get3A_1034, %get3A_1035] {strides = array<i32>} : memref<65x16xf32, #tpu.memory_space<vmem>>, vector<16xf32>,
        %add3A_1037 = arith.constant 16 : i32
        %add3A_1038 = arith.addi %add3A_1037, %scan3A_1033 : i32
        %get3A_1039 = arith.index_cast %add3A_1038 : i32 to index
        %get3A_1040 = arith.constant 0 : index
        %get3A_1041 = tpu.vector_load %arg18[%get3A_1039, %get3A_1040] {strides = array<i32>} : memref<65x16xf32, #tpu.memory_space<vmem>>, vector<16xf32>,
        %add3A_1042 = arith.constant 32 : i32
        %add3A_1043 = arith.addi %add3A_1042, %scan3A_1033 : i32
        %get3A_1044 = arith.index_cast %add3A_1043 : i32 to index
        %get3A_1045 = arith.constant 0 : index
        %get3A_1046 = tpu.vector_load %arg18[%get3A_1044, %get3A_1045] {strides = array<i32>} : memref<65x16xf32, #tpu.memory_space<vmem>>, vector<16xf32>,
        %add3A_1047 = arith.constant 48 : i32
        %add3A_1048 = arith.addi %add3A_1047, %scan3A_1033 : i32
        %get3A_1049 = arith.index_cast %add3A_1048 : i32 to index
        %get3A_1050 = arith.constant 0 : index
        %get3A_1051 = tpu.vector_load %arg18[%get3A_1049, %get3A_1050] {strides = array<i32>} : memref<65x16xf32, #tpu.memory_space<vmem>>, vector<16xf32>,
        %broadcast_in_dim3A = arith.constant 0 : i32
        %broadcast_in_dim3A_1052 = vector.broadcast %broadcast_in_dim3A : i32 to vector<16xi32>
        %add3A_1053 = vector.broadcast %scan3A_1033 : i32 to vector<16xi32>
        %add3A_1054 = arith.addi %broadcast_in_dim3A_1052, %add3A_1053 : vector<16xi32>
        %add3A_1055 = arith.constant 0 : i32
        %add3A_1056 = vector.broadcast %add3A_1055 : i32 to vector<16xi32>
        %add3A_1057 = arith.addi %add3A_1056, %iota3A : vector<16xi32>
        %add3A_1058 = arith.constant 128 : i32
        %add3A_1059 = vector.broadcast %add3A_1058 : i32 to vector<16xi32>
        %add3A_1060 = arith.addi %add3A_1059, %iota3A : vector<16xi32>
        %gather3A = tpu.vector_load_idx %arg14[%add3A_1057, %add3A_1054] : memref<256x16xf32, #tpu.memory_space<vmem>>[vector<16xi32>, vector<16xi32>], vector<16xf32>,
        %gather3A_1061 = tpu.vector_load_idx %arg14[%add3A_1060, %add3A_1054] : memref<256x16xf32, #tpu.memory_space<vmem>>[vector<16xi32>, vector<16xi32>], vector<16xf32>,
        %gather3A_1062 = tpu.vector_load_idx %arg16[%add3A_1057, %add3A_1054] : memref<256x16xf32, #tpu.memory_space<vmem>>[vector<16xi32>, vector<16xi32>], vector<16xf32>,
        %gather3A_1063 = tpu.vector_load_idx %arg16[%add3A_1060, %add3A_1054] : memref<256x16xf32, #tpu.memory_space<vmem>>[vector<16xi32>, vector<16xi32>], vector<16xf32>,
        %get3A_1064 = arith.constant 0 : index
        %get3A_1065 = tpu.vector_load %arg19[%get3A_1064] {strides = array<i32>} : memref<128xf32, #tpu.memory_space<vmem>>, vector<16xf32>,
        %mul3A_1066 = arith.mulf %gather3A, %get3A_1036 : vector<16xf32>
        %add3A_1067 = arith.addf %get3A_1065, %mul3A_1066 : vector<16xf32>
        %mul3A_1068 = arith.mulf %gather3A_1061, %get3A_1041 : vector<16xf32>
        %add3A_1069 = arith.addf %add3A_1067, %mul3A_1068 : vector<16xf32>
        %mul3A_1070 = arith.mulf %gather3A_1062, %get3A_1046 : vector<16xf32>
        %add3A_1071 = arith.addf %add3A_1069, %mul3A_1070 : vector<16xf32>
        %mul3A_1072 = arith.mulf %gather3A_1063, %get3A_1051 : vector<16xf32>
        %add3A_1073 = arith.addf %add3A_1071, %mul3A_1072 : vector<16xf32>
        %swap3A_1074 = arith.constant 0 : index
        %swap3A_1075 = tpu.vector_load %arg19[%swap3A_1074] {strides = array<i32>} : memref<128xf32, #tpu.memory_space<vmem>>, vector<16xf32>,
        tpu.vector_store %arg19[%swap3A_1074], %add3A_1073 {strides = array<i32>} : memref<128xf32, #tpu.memory_space<vmem>>, vector<16xf32>,
        %add3A_1076 = arith.constant 16 : i32
        %add3A_1077 = vector.broadcast %add3A_1076 : i32 to vector<16xi32>
        %add3A_1078 = arith.addi %add3A_1077, %iota3A : vector<16xi32>
        %add3A_1079 = arith.constant 144 : i32
        %add3A_1080 = vector.broadcast %add3A_1079 : i32 to vector<16xi32>
        %add3A_1081 = arith.addi %add3A_1080, %iota3A : vector<16xi32>
        %gather3A_1082 = tpu.vector_load_idx %arg14[%add3A_1078, %add3A_1054] : memref<256x16xf32, #tpu.memory_space<vmem>>[vector<16xi32>, vector<16xi32>], vector<16xf32>,
        %gather3A_1083 = tpu.vector_load_idx %arg14[%add3A_1081, %add3A_1054] : memref<256x16xf32, #tpu.memory_space<vmem>>[vector<16xi32>, vector<16xi32>], vector<16xf32>,
        %gather3A_1084 = tpu.vector_load_idx %arg16[%add3A_1078, %add3A_1054] : memref<256x16xf32, #tpu.memory_space<vmem>>[vector<16xi32>, vector<16xi32>], vector<16xf32>,
        %gather3A_1085 = tpu.vector_load_idx %arg16[%add3A_1081, %add3A_1054] : memref<256x16xf32, #tpu.memory_space<vmem>>[vector<16xi32>, vector<16xi32>], vector<16xf32>,
        %get3A_1086 = arith.constant 16 : index
        %get3A_1087 = tpu.vector_load %arg19[%get3A_1086] {strides = array<i32>} : memref<128xf32, #tpu.memory_space<vmem>>, vector<16xf32>,
        %mul3A_1088 = arith.mulf %gather3A_1082, %get3A_1036 : vector<16xf32>
        %add3A_1089 = arith.addf %get3A_1087, %mul3A_1088 : vector<16xf32>
        %mul3A_1090 = arith.mulf %gather3A_1083, %get3A_1041 : vector<16xf32>
        %add3A_1091 = arith.addf %add3A_1089, %mul3A_1090 : vector<16xf32>
        %mul3A_1092 = arith.mulf %gather3A_1084, %get3A_1046 : vector<16xf32>
        %add3A_1093 = arith.addf %add3A_1091, %mul3A_1092 : vector<16xf32>
        %mul3A_1094 = arith.mulf %gather3A_1085, %get3A_1051 : vector<16xf32>
        %add3A_1095 = arith.addf %add3A_1093, %mul3A_1094 : vector<16xf32>
        %swap3A_1096 = arith.constant 16 : index
        %swap3A_1097 = tpu.vector_load %arg19[%swap3A_1096] {strides = array<i32>} : memref<128xf32, #tpu.memory_space<vmem>>, vector<16xf32>,
        tpu.vector_store %arg19[%swap3A_1096], %add3A_1095 {strides = array<i32>} : memref<128xf32, #tpu.memory_space<vmem>>, vector<16xf32>,
        %add3A_1098 = arith.constant 32 : i32
        %add3A_1099 = vector.broadcast %add3A_1098 : i32 to vector<16xi32>
        %add3A_1100 = arith.addi %add3A_1099, %iota3A : vector<16xi32>
        %add3A_1101 = arith.constant 160 : i32
        %add3A_1102 = vector.broadcast %add3A_1101 : i32 to vector<16xi32>
        %add3A_1103 = arith.addi %add3A_1102, %iota3A : vector<16xi32>
        %gather3A_1104 = tpu.vector_load_idx %arg14[%add3A_1100, %add3A_1054] : memref<256x16xf32, #tpu.memory_space<vmem>>[vector<16xi32>, vector<16xi32>], vector<16xf32>,
        %gather3A_1105 = tpu.vector_load_idx %arg14[%add3A_1103, %add3A_1054] : memref<256x16xf32, #tpu.memory_space<vmem>>[vector<16xi32>, vector<16xi32>], vector<16xf32>,
        %gather3A_1106 = tpu.vector_load_idx %arg16[%add3A_1100, %add3A_1054] : memref<256x16xf32, #tpu.memory_space<vmem>>[vector<16xi32>, vector<16xi32>], vector<16xf32>,
        %gather3A_1107 = tpu.vector_load_idx %arg16[%add3A_1103, %add3A_1054] : memref<256x16xf32, #tpu.memory_space<vmem>>[vector<16xi32>, vector<16xi32>], vector<16xf32>,
        %get3A_1108 = arith.constant 32 : index
        %get3A_1109 = tpu.vector_load %arg19[%get3A_1108] {strides = array<i32>} : memref<128xf32, #tpu.memory_space<vmem>>, vector<16xf32>,
        %mul3A_1110 = arith.mulf %gather3A_1104, %get3A_1036 : vector<16xf32>
        %add3A_1111 = arith.addf %get3A_1109, %mul3A_1110 : vector<16xf32>
        %mul3A_1112 = arith.mulf %gather3A_1105, %get3A_1041 : vector<16xf32>
        %add3A_1113 = arith.addf %add3A_1111, %mul3A_1112 : vector<16xf32>
        %mul3A_1114 = arith.mulf %gather3A_1106, %get3A_1046 : vector<16xf32>
        %add3A_1115 = arith.addf %add3A_1113, %mul3A_1114 : vector<16xf32>
        %mul3A_1116 = arith.mulf %gather3A_1107, %get3A_1051 : vector<16xf32>
        %add3A_1117 = arith.addf %add3A_1115, %mul3A_1116 : vector<16xf32>
        %swap3A_1118 = arith.constant 32 : index
        %swap3A_1119 = tpu.vector_load %arg19[%swap3A_1118] {strides = array<i32>} : memref<128xf32, #tpu.memory_space<vmem>>, vector<16xf32>,
        tpu.vector_store %arg19[%swap3A_1118], %add3A_1117 {strides = array<i32>} : memref<128xf32, #tpu.memory_space<vmem>>, vector<16xf32>,
        %add3A_1120 = arith.constant 48 : i32
        %add3A_1121 = vector.broadcast %add3A_1120 : i32 to vector<16xi32>
        %add3A_1122 = arith.addi %add3A_1121, %iota3A : vector<16xi32>
        %add3A_1123 = arith.constant 176 : i32
        %add3A_1124 = vector.broadcast %add3A_1123 : i32 to vector<16xi32>
        %add3A_1125 = arith.addi %add3A_1124, %iota3A : vector<16xi32>
        %gather3A_1126 = tpu.vector_load_idx %arg14[%add3A_1122, %add3A_1054] : memref<256x16xf32, #tpu.memory_space<vmem>>[vector<16xi32>, vector<16xi32>], vector<16xf32>,
        %gather3A_1127 = tpu.vector_load_idx %arg14[%add3A_1125, %add3A_1054] : memref<256x16xf32, #tpu.memory_space<vmem>>[vector<16xi32>, vector<16xi32>], vector<16xf32>,
        %gather3A_1128 = tpu.vector_load_idx %arg16[%add3A_1122, %add3A_1054] : memref<256x16xf32, #tpu.memory_space<vmem>>[vector<16xi32>, vector<16xi32>], vector<16xf32>,
        %gather3A_1129 = tpu.vector_load_idx %arg16[%add3A_1125, %add3A_1054] : memref<256x16xf32, #tpu.memory_space<vmem>>[vector<16xi32>, vector<16xi32>], vector<16xf32>,
        %get3A_1130 = arith.constant 48 : index
        %get3A_1131 = tpu.vector_load %arg19[%get3A_1130] {strides = array<i32>} : memref<128xf32, #tpu.memory_space<vmem>>, vector<16xf32>,
        %mul3A_1132 = arith.mulf %gather3A_1126, %get3A_1036 : vector<16xf32>
        %add3A_1133 = arith.addf %get3A_1131, %mul3A_1132 : vector<16xf32>
        %mul3A_1134 = arith.mulf %gather3A_1127, %get3A_1041 : vector<16xf32>
        %add3A_1135 = arith.addf %add3A_1133, %mul3A_1134 : vector<16xf32>
        %mul3A_1136 = arith.mulf %gather3A_1128, %get3A_1046 : vector<16xf32>
        %add3A_1137 = arith.addf %add3A_1135, %mul3A_1136 : vector<16xf32>
        %mul3A_1138 = arith.mulf %gather3A_1129, %get3A_1051 : vector<16xf32>
        %add3A_1139 = arith.addf %add3A_1137, %mul3A_1138 : vector<16xf32>
        %swap3A_1140 = arith.constant 48 : index
        %swap3A_1141 = tpu.vector_load %arg19[%swap3A_1140] {strides = array<i32>} : memref<128xf32, #tpu.memory_space<vmem>>, vector<16xf32>,
        tpu.vector_store %arg19[%swap3A_1140], %add3A_1139 {strides = array<i32>} : memref<128xf32, #tpu.memory_space<vmem>>, vector<16xf32>,
        %add3A_1142 = arith.constant 64 : i32
        %add3A_1143 = vector.broadcast %add3A_1142 : i32 to vector<16xi32>
        %add3A_1144 = arith.addi %add3A_1143, %iota3A : vector<16xi32>
        %add3A_1145 = arith.constant 192 : i32
        %add3A_1146 = vector.broadcast %add3A_1145 : i32 to vector<16xi32>
        %add3A_1147 = arith.addi %add3A_1146, %iota3A : vector<16xi32>
        %gather3A_1148 = tpu.vector_load_idx %arg14[%add3A_1144, %add3A_1054] : memref<256x16xf32, #tpu.memory_space<vmem>>[vector<16xi32>, vector<16xi32>], vector<16xf32>,
        %gather3A_1149 = tpu.vector_load_idx %arg14[%add3A_1147, %add3A_1054] : memref<256x16xf32, #tpu.memory_space<vmem>>[vector<16xi32>, vector<16xi32>], vector<16xf32>,
        %gather3A_1150 = tpu.vector_load_idx %arg16[%add3A_1144, %add3A_1054] : memref<256x16xf32, #tpu.memory_space<vmem>>[vector<16xi32>, vector<16xi32>], vector<16xf32>,
        %gather3A_1151 = tpu.vector_load_idx %arg16[%add3A_1147, %add3A_1054] : memref<256x16xf32, #tpu.memory_space<vmem>>[vector<16xi32>, vector<16xi32>], vector<16xf32>,
        %get3A_1152 = arith.constant 64 : index
        %get3A_1153 = tpu.vector_load %arg19[%get3A_1152] {strides = array<i32>} : memref<128xf32, #tpu.memory_space<vmem>>, vector<16xf32>,
        %mul3A_1154 = arith.mulf %gather3A_1148, %get3A_1036 : vector<16xf32>
        %add3A_1155 = arith.addf %get3A_1153, %mul3A_1154 : vector<16xf32>
        %mul3A_1156 = arith.mulf %gather3A_1149, %get3A_1041 : vector<16xf32>
        %add3A_1157 = arith.addf %add3A_1155, %mul3A_1156 : vector<16xf32>
        %mul3A_1158 = arith.mulf %gather3A_1150, %get3A_1046 : vector<16xf32>
        %add3A_1159 = arith.addf %add3A_1157, %mul3A_1158 : vector<16xf32>
        %mul3A_1160 = arith.mulf %gather3A_1151, %get3A_1051 : vector<16xf32>
        %add3A_1161 = arith.addf %add3A_1159, %mul3A_1160 : vector<16xf32>
        %swap3A_1162 = arith.constant 64 : index
        %swap3A_1163 = tpu.vector_load %arg19[%swap3A_1162] {strides = array<i32>} : memref<128xf32, #tpu.memory_space<vmem>>, vector<16xf32>,
        tpu.vector_store %arg19[%swap3A_1162], %add3A_1161 {strides = array<i32>} : memref<128xf32, #tpu.memory_space<vmem>>, vector<16xf32>,
        %add3A_1164 = arith.constant 80 : i32
        %add3A_1165 = vector.broadcast %add3A_1164 : i32 to vector<16xi32>
        %add3A_1166 = arith.addi %add3A_1165, %iota3A : vector<16xi32>
        %add3A_1167 = arith.constant 208 : i32
        %add3A_1168 = vector.broadcast %add3A_1167 : i32 to vector<16xi32>
        %add3A_1169 = arith.addi %add3A_1168, %iota3A : vector<16xi32>
        %gather3A_1170 = tpu.vector_load_idx %arg14[%add3A_1166, %add3A_1054] : memref<256x16xf32, #tpu.memory_space<vmem>>[vector<16xi32>, vector<16xi32>], vector<16xf32>,
        %gather3A_1171 = tpu.vector_load_idx %arg14[%add3A_1169, %add3A_1054] : memref<256x16xf32, #tpu.memory_space<vmem>>[vector<16xi32>, vector<16xi32>], vector<16xf32>,
        %gather3A_1172 = tpu.vector_load_idx %arg16[%add3A_1166, %add3A_1054] : memref<256x16xf32, #tpu.memory_space<vmem>>[vector<16xi32>, vector<16xi32>], vector<16xf32>,
        %gather3A_1173 = tpu.vector_load_idx %arg16[%add3A_1169, %add3A_1054] : memref<256x16xf32, #tpu.memory_space<vmem>>[vector<16xi32>, vector<16xi32>], vector<16xf32>,
        %get3A_1174 = arith.constant 80 : index
        %get3A_1175 = tpu.vector_load %arg19[%get3A_1174] {strides = array<i32>} : memref<128xf32, #tpu.memory_space<vmem>>, vector<16xf32>,
        %mul3A_1176 = arith.mulf %gather3A_1170, %get3A_1036 : vector<16xf32>
        %add3A_1177 = arith.addf %get3A_1175, %mul3A_1176 : vector<16xf32>
        %mul3A_1178 = arith.mulf %gather3A_1171, %get3A_1041 : vector<16xf32>
        %add3A_1179 = arith.addf %add3A_1177, %mul3A_1178 : vector<16xf32>
        %mul3A_1180 = arith.mulf %gather3A_1172, %get3A_1046 : vector<16xf32>
        %add3A_1181 = arith.addf %add3A_1179, %mul3A_1180 : vector<16xf32>
        %mul3A_1182 = arith.mulf %gather3A_1173, %get3A_1051 : vector<16xf32>
        %add3A_1183 = arith.addf %add3A_1181, %mul3A_1182 : vector<16xf32>
        %swap3A_1184 = arith.constant 80 : index
        %swap3A_1185 = tpu.vector_load %arg19[%swap3A_1184] {strides = array<i32>} : memref<128xf32, #tpu.memory_space<vmem>>, vector<16xf32>,
        tpu.vector_store %arg19[%swap3A_1184], %add3A_1183 {strides = array<i32>} : memref<128xf32, #tpu.memory_space<vmem>>, vector<16xf32>,
        %add3A_1186 = arith.constant 96 : i32
        %add3A_1187 = vector.broadcast %add3A_1186 : i32 to vector<16xi32>
        %add3A_1188 = arith.addi %add3A_1187, %iota3A : vector<16xi32>
        %add3A_1189 = arith.constant 224 : i32
        %add3A_1190 = vector.broadcast %add3A_1189 : i32 to vector<16xi32>
        %add3A_1191 = arith.addi %add3A_1190, %iota3A : vector<16xi32>
        %gather3A_1192 = tpu.vector_load_idx %arg14[%add3A_1188, %add3A_1054] : memref<256x16xf32, #tpu.memory_space<vmem>>[vector<16xi32>, vector<16xi32>], vector<16xf32>,
        %gather3A_1193 = tpu.vector_load_idx %arg14[%add3A_1191, %add3A_1054] : memref<256x16xf32, #tpu.memory_space<vmem>>[vector<16xi32>, vector<16xi32>], vector<16xf32>,
        %gather3A_1194 = tpu.vector_load_idx %arg16[%add3A_1188, %add3A_1054] : memref<256x16xf32, #tpu.memory_space<vmem>>[vector<16xi32>, vector<16xi32>], vector<16xf32>,
        %gather3A_1195 = tpu.vector_load_idx %arg16[%add3A_1191, %add3A_1054] : memref<256x16xf32, #tpu.memory_space<vmem>>[vector<16xi32>, vector<16xi32>], vector<16xf32>,
        %get3A_1196 = arith.constant 96 : index
        %get3A_1197 = tpu.vector_load %arg19[%get3A_1196] {strides = array<i32>} : memref<128xf32, #tpu.memory_space<vmem>>, vector<16xf32>,
        %mul3A_1198 = arith.mulf %gather3A_1192, %get3A_1036 : vector<16xf32>
        %add3A_1199 = arith.addf %get3A_1197, %mul3A_1198 : vector<16xf32>
        %mul3A_1200 = arith.mulf %gather3A_1193, %get3A_1041 : vector<16xf32>
        %add3A_1201 = arith.addf %add3A_1199, %mul3A_1200 : vector<16xf32>
        %mul3A_1202 = arith.mulf %gather3A_1194, %get3A_1046 : vector<16xf32>
        %add3A_1203 = arith.addf %add3A_1201, %mul3A_1202 : vector<16xf32>
        %mul3A_1204 = arith.mulf %gather3A_1195, %get3A_1051 : vector<16xf32>
        %add3A_1205 = arith.addf %add3A_1203, %mul3A_1204 : vector<16xf32>
        %swap3A_1206 = arith.constant 96 : index
        %swap3A_1207 = tpu.vector_load %arg19[%swap3A_1206] {strides = array<i32>} : memref<128xf32, #tpu.memory_space<vmem>>, vector<16xf32>,
        tpu.vector_store %arg19[%swap3A_1206], %add3A_1205 {strides = array<i32>} : memref<128xf32, #tpu.memory_space<vmem>>, vector<16xf32>,
        %add3A_1208 = arith.constant 112 : i32
        %add3A_1209 = vector.broadcast %add3A_1208 : i32 to vector<16xi32>
        %add3A_1210 = arith.addi %add3A_1209, %iota3A : vector<16xi32>
        %add3A_1211 = arith.constant 240 : i32
        %add3A_1212 = vector.broadcast %add3A_1211 : i32 to vector<16xi32>
        %add3A_1213 = arith.addi %add3A_1212, %iota3A : vector<16xi32>
        %gather3A_1214 = tpu.vector_load_idx %arg14[%add3A_1210, %add3A_1054] : memref<256x16xf32, #tpu.memory_space<vmem>>[vector<16xi32>, vector<16xi32>], vector<16xf32>,
        %gather3A_1215 = tpu.vector_load_idx %arg14[%add3A_1213, %add3A_1054] : memref<256x16xf32, #tpu.memory_space<vmem>>[vector<16xi32>, vector<16xi32>], vector<16xf32>,
        %gather3A_1216 = tpu.vector_load_idx %arg16[%add3A_1210, %add3A_1054] : memref<256x16xf32, #tpu.memory_space<vmem>>[vector<16xi32>, vector<16xi32>], vector<16xf32>,
        %gather3A_1217 = tpu.vector_load_idx %arg16[%add3A_1213, %add3A_1054] : memref<256x16xf32, #tpu.memory_space<vmem>>[vector<16xi32>, vector<16xi32>], vector<16xf32>,
        %get3A_1218 = arith.constant 112 : index
        %get3A_1219 = tpu.vector_load %arg19[%get3A_1218] {strides = array<i32>} : memref<128xf32, #tpu.memory_space<vmem>>, vector<16xf32>,
        %mul3A_1220 = arith.mulf %gather3A_1214, %get3A_1036 : vector<16xf32>
        %add3A_1221 = arith.addf %get3A_1219, %mul3A_1220 : vector<16xf32>
        %mul3A_1222 = arith.mulf %gather3A_1215, %get3A_1041 : vector<16xf32>
        %add3A_1223 = arith.addf %add3A_1221, %mul3A_1222 : vector<16xf32>
        %mul3A_1224 = arith.mulf %gather3A_1216, %get3A_1046 : vector<16xf32>
        %add3A_1225 = arith.addf %add3A_1223, %mul3A_1224 : vector<16xf32>
        %mul3A_1226 = arith.mulf %gather3A_1217, %get3A_1051 : vector<16xf32>
        %add3A_1227 = arith.addf %add3A_1225, %mul3A_1226 : vector<16xf32>
        %swap3A_1228 = arith.constant 112 : index
        %swap3A_1229 = tpu.vector_load %arg19[%swap3A_1228] {strides = array<i32>} : memref<128xf32, #tpu.memory_space<vmem>>, vector<16xf32>,
        tpu.vector_store %arg19[%swap3A_1228], %add3A_1227 {strides = array<i32>} : memref<128xf32, #tpu.memory_space<vmem>>, vector<16xf32>,
      }
      %scan3A_700 = arith.constant 16 : i32
      %get3A_701 = arith.constant 0 : index
      %get3A_702 = tpu.vector_load %arg19[%get3A_701] {strides = array<i32>} : memref<128xf32, #tpu.memory_space<vmem>>, vector<16xf32>,
      %neg3A = arith.constant 0.000000e+00 : f32
      %neg3A_703 = vector.broadcast %neg3A : f32 to vector<16xf32>
      %neg3A_704 = arith.subf %neg3A_703, %get3A_702 : vector<16xf32>
      %exp3A = math.exp %neg3A_704 : vector<16xf32>
      %add3A_705 = arith.constant 1.000000e+00 : f32
      %add3A_706 = vector.broadcast %add3A_705 : f32 to vector<16xf32>
      %add3A_707 = arith.addf %add3A_706, %exp3A : vector<16xf32>
      %div3A = arith.constant 1.000000e+00 : f32
      %div3A_708 = vector.broadcast %div3A : f32 to vector<16xf32>
      %div3A_709 = arith.divf %div3A_708, %add3A_707 : vector<16xf32>
      %mul3A_710 = arith.constant 128 : i32
      %mul3A_711 = arith.muli %add3A_667, %mul3A_710 : i32
      %add3A_712 = arith.constant 0 : i32
      %add3A_713 = arith.addi %mul3A_711, %add3A_712 : i32
      %swap3A_714 = arith.index_cast %add3A_713 : i32 to index
      %swap3A_715 = tpu.vector_load %arg20[%swap3A_714] {strides = array<i32>} : memref<512xf32, #tpu.memory_space<vmem>>, vector<16xf32>,
      tpu.vector_store %arg20[%swap3A_714], %div3A_709 {strides = array<i32>} : memref<512xf32, #tpu.memory_space<vmem>>, vector<16xf32>,
      %get3A_716 = arith.constant 16 : index
      %get3A_717 = tpu.vector_load %arg19[%get3A_716] {strides = array<i32>} : memref<128xf32, #tpu.memory_space<vmem>>, vector<16xf32>,
      %neg3A_718 = arith.constant 0.000000e+00 : f32
      %neg3A_719 = vector.broadcast %neg3A_718 : f32 to vector<16xf32>
      %neg3A_720 = arith.subf %neg3A_719, %get3A_717 : vector<16xf32>
      %exp3A_721 = math.exp %neg3A_720 : vector<16xf32>
      %add3A_722 = arith.constant 1.000000e+00 : f32
      %add3A_723 = vector.broadcast %add3A_722 : f32 to vector<16xf32>
      %add3A_724 = arith.addf %add3A_723, %exp3A_721 : vector<16xf32>
      %div3A_725 = arith.constant 1.000000e+00 : f32
      %div3A_726 = vector.broadcast %div3A_725 : f32 to vector<16xf32>
      %div3A_727 = arith.divf %div3A_726, %add3A_724 : vector<16xf32>
      %mul3A_728 = arith.constant 128 : i32
      %mul3A_729 = arith.muli %add3A_667, %mul3A_728 : i32
      %add3A_730 = arith.constant 16 : i32
      %add3A_731 = arith.addi %mul3A_729, %add3A_730 : i32
      %swap3A_732 = arith.index_cast %add3A_731 : i32 to index
      %swap3A_733 = tpu.vector_load %arg20[%swap3A_732] {strides = array<i32>} : memref<512xf32, #tpu.memory_space<vmem>>, vector<16xf32>,
      tpu.vector_store %arg20[%swap3A_732], %div3A_727 {strides = array<i32>} : memref<512xf32, #tpu.memory_space<vmem>>, vector<16xf32>,
      %get3A_734 = arith.constant 32 : index
      %get3A_735 = tpu.vector_load %arg19[%get3A_734] {strides = array<i32>} : memref<128xf32, #tpu.memory_space<vmem>>, vector<16xf32>,
      %neg3A_736 = arith.constant 0.000000e+00 : f32
      %neg3A_737 = vector.broadcast %neg3A_736 : f32 to vector<16xf32>
      %neg3A_738 = arith.subf %neg3A_737, %get3A_735 : vector<16xf32>
      %exp3A_739 = math.exp %neg3A_738 : vector<16xf32>
      %add3A_740 = arith.constant 1.000000e+00 : f32
      %add3A_741 = vector.broadcast %add3A_740 : f32 to vector<16xf32>
      %add3A_742 = arith.addf %add3A_741, %exp3A_739 : vector<16xf32>
      %div3A_743 = arith.constant 1.000000e+00 : f32
      %div3A_744 = vector.broadcast %div3A_743 : f32 to vector<16xf32>
      %div3A_745 = arith.divf %div3A_744, %add3A_742 : vector<16xf32>
      %mul3A_746 = arith.constant 128 : i32
      %mul3A_747 = arith.muli %add3A_667, %mul3A_746 : i32
      %add3A_748 = arith.constant 32 : i32
      %add3A_749 = arith.addi %mul3A_747, %add3A_748 : i32
      %swap3A_750 = arith.index_cast %add3A_749 : i32 to index
      %swap3A_751 = tpu.vector_load %arg20[%swap3A_750] {strides = array<i32>} : memref<512xf32, #tpu.memory_space<vmem>>, vector<16xf32>,
      tpu.vector_store %arg20[%swap3A_750], %div3A_745 {strides = array<i32>} : memref<512xf32, #tpu.memory_space<vmem>>, vector<16xf32>,
      %get3A_752 = arith.constant 48 : index
      %get3A_753 = tpu.vector_load %arg19[%get3A_752] {strides = array<i32>} : memref<128xf32, #tpu.memory_space<vmem>>, vector<16xf32>,
      %neg3A_754 = arith.constant 0.000000e+00 : f32
      %neg3A_755 = vector.broadcast %neg3A_754 : f32 to vector<16xf32>
      %neg3A_756 = arith.subf %neg3A_755, %get3A_753 : vector<16xf32>
      %exp3A_757 = math.exp %neg3A_756 : vector<16xf32>
      %add3A_758 = arith.constant 1.000000e+00 : f32
      %add3A_759 = vector.broadcast %add3A_758 : f32 to vector<16xf32>
      %add3A_760 = arith.addf %add3A_759, %exp3A_757 : vector<16xf32>
      %div3A_761 = arith.constant 1.000000e+00 : f32
      %div3A_762 = vector.broadcast %div3A_761 : f32 to vector<16xf32>
      %div3A_763 = arith.divf %div3A_762, %add3A_760 : vector<16xf32>
      %mul3A_764 = arith.constant 128 : i32
      %mul3A_765 = arith.muli %add3A_667, %mul3A_764 : i32
      %add3A_766 = arith.constant 48 : i32
      %add3A_767 = arith.addi %mul3A_765, %add3A_766 : i32
      %swap3A_768 = arith.index_cast %add3A_767 : i32 to index
      %swap3A_769 = tpu.vector_load %arg20[%swap3A_768] {strides = array<i32>} : memref<512xf32, #tpu.memory_space<vmem>>, vector<16xf32>,
      tpu.vector_store %arg20[%swap3A_768], %div3A_763 {strides = array<i32>} : memref<512xf32, #tpu.memory_space<vmem>>, vector<16xf32>,
      %get3A_770 = arith.constant 64 : index
      %get3A_771 = tpu.vector_load %arg19[%get3A_770] {strides = array<i32>} : memref<128xf32, #tpu.memory_space<vmem>>, vector<16xf32>,
      %neg3A_772 = arith.constant 0.000000e+00 : f32
      %neg3A_773 = vector.broadcast %neg3A_772 : f32 to vector<16xf32>
      %neg3A_774 = arith.subf %neg3A_773, %get3A_771 : vector<16xf32>
      %exp3A_775 = math.exp %neg3A_774 : vector<16xf32>
      %add3A_776 = arith.constant 1.000000e+00 : f32
      %add3A_777 = vector.broadcast %add3A_776 : f32 to vector<16xf32>
      %add3A_778 = arith.addf %add3A_777, %exp3A_775 : vector<16xf32>
      %div3A_779 = arith.constant 1.000000e+00 : f32
      %div3A_780 = vector.broadcast %div3A_779 : f32 to vector<16xf32>
      %div3A_781 = arith.divf %div3A_780, %add3A_778 : vector<16xf32>
      %mul3A_782 = arith.constant 128 : i32
      %mul3A_783 = arith.muli %add3A_667, %mul3A_782 : i32
      %add3A_784 = arith.constant 64 : i32
      %add3A_785 = arith.addi %mul3A_783, %add3A_784 : i32
      %swap3A_786 = arith.index_cast %add3A_785 : i32 to index
      %swap3A_787 = tpu.vector_load %arg20[%swap3A_786] {strides = array<i32>} : memref<512xf32, #tpu.memory_space<vmem>>, vector<16xf32>,
      tpu.vector_store %arg20[%swap3A_786], %div3A_781 {strides = array<i32>} : memref<512xf32, #tpu.memory_space<vmem>>, vector<16xf32>,
      %get3A_788 = arith.constant 80 : index
      %get3A_789 = tpu.vector_load %arg19[%get3A_788] {strides = array<i32>} : memref<128xf32, #tpu.memory_space<vmem>>, vector<16xf32>,
      %neg3A_790 = arith.constant 0.000000e+00 : f32
      %neg3A_791 = vector.broadcast %neg3A_790 : f32 to vector<16xf32>
      %neg3A_792 = arith.subf %neg3A_791, %get3A_789 : vector<16xf32>
      %exp3A_793 = math.exp %neg3A_792 : vector<16xf32>
      %add3A_794 = arith.constant 1.000000e+00 : f32
      %add3A_795 = vector.broadcast %add3A_794 : f32 to vector<16xf32>
      %add3A_796 = arith.addf %add3A_795, %exp3A_793 : vector<16xf32>
      %div3A_797 = arith.constant 1.000000e+00 : f32
      %div3A_798 = vector.broadcast %div3A_797 : f32 to vector<16xf32>
      %div3A_799 = arith.divf %div3A_798, %add3A_796 : vector<16xf32>
      %mul3A_800 = arith.constant 128 : i32
      %mul3A_801 = arith.muli %add3A_667, %mul3A_800 : i32
      %add3A_802 = arith.constant 80 : i32
      %add3A_803 = arith.addi %mul3A_801, %add3A_802 : i32
      %swap3A_804 = arith.index_cast %add3A_803 : i32 to index
      %swap3A_805 = tpu.vector_load %arg20[%swap3A_804] {strides = array<i32>} : memref<512xf32, #tpu.memory_space<vmem>>, vector<16xf32>,
      tpu.vector_store %arg20[%swap3A_804], %div3A_799 {strides = array<i32>} : memref<512xf32, #tpu.memory_space<vmem>>, vector<16xf32>,
      %get3A_806 = arith.constant 96 : index
      %get3A_807 = tpu.vector_load %arg19[%get3A_806] {strides = array<i32>} : memref<128xf32, #tpu.memory_space<vmem>>, vector<16xf32>,
      %neg3A_808 = arith.constant 0.000000e+00 : f32
      %neg3A_809 = vector.broadcast %neg3A_808 : f32 to vector<16xf32>
      %neg3A_810 = arith.subf %neg3A_809, %get3A_807 : vector<16xf32>
      %exp3A_811 = math.exp %neg3A_810 : vector<16xf32>
      %add3A_812 = arith.constant 1.000000e+00 : f32
      %add3A_813 = vector.broadcast %add3A_812 : f32 to vector<16xf32>
      %add3A_814 = arith.addf %add3A_813, %exp3A_811 : vector<16xf32>
      %div3A_815 = arith.constant 1.000000e+00 : f32
      %div3A_816 = vector.broadcast %div3A_815 : f32 to vector<16xf32>
      %div3A_817 = arith.divf %div3A_816, %add3A_814 : vector<16xf32>
      %mul3A_818 = arith.constant 128 : i32
      %mul3A_819 = arith.muli %add3A_667, %mul3A_818 : i32
      %add3A_820 = arith.constant 96 : i32
      %add3A_821 = arith.addi %mul3A_819, %add3A_820 : i32
      %swap3A_822 = arith.index_cast %add3A_821 : i32 to index
      %swap3A_823 = tpu.vector_load %arg20[%swap3A_822] {strides = array<i32>} : memref<512xf32, #tpu.memory_space<vmem>>, vector<16xf32>,
      tpu.vector_store %arg20[%swap3A_822], %div3A_817 {strides = array<i32>} : memref<512xf32, #tpu.memory_space<vmem>>, vector<16xf32>,
      %get3A_824 = arith.constant 112 : index
      %get3A_825 = tpu.vector_load %arg19[%get3A_824] {strides = array<i32>} : memref<128xf32, #tpu.memory_space<vmem>>, vector<16xf32>,
      %neg3A_826 = arith.constant 0.000000e+00 : f32
      %neg3A_827 = vector.broadcast %neg3A_826 : f32 to vector<16xf32>
      %neg3A_828 = arith.subf %neg3A_827, %get3A_825 : vector<16xf32>
      %exp3A_829 = math.exp %neg3A_828 : vector<16xf32>
      %add3A_830 = arith.constant 1.000000e+00 : f32
      %add3A_831 = vector.broadcast %add3A_830 : f32 to vector<16xf32>
      %add3A_832 = arith.addf %add3A_831, %exp3A_829 : vector<16xf32>
      %div3A_833 = arith.constant 1.000000e+00 : f32
      %div3A_834 = vector.broadcast %div3A_833 : f32 to vector<16xf32>
      %div3A_835 = arith.divf %div3A_834, %add3A_832 : vector<16xf32>
      %mul3A_836 = arith.constant 128 : i32
      %mul3A_837 = arith.muli %add3A_667, %mul3A_836 : i32
      %add3A_838 = arith.constant 112 : i32
      %add3A_839 = arith.addi %mul3A_837, %add3A_838 : i32
      %swap3A_840 = arith.index_cast %add3A_839 : i32 to index
      %swap3A_841 = tpu.vector_load %arg20[%swap3A_840] {strides = array<i32>} : memref<512xf32, #tpu.memory_space<vmem>>, vector<16xf32>,
      tpu.vector_store %arg20[%swap3A_840], %div3A_835 {strides = array<i32>} : memref<512xf32, #tpu.memory_space<vmem>>, vector<16xf32>,
      %add3A_842 = arith.constant 2 : i32
      %add3A_843 = arith.addi %add3A_667, %add3A_842 : i32
      %lt3A = arith.constant 4 : i32
      %lt3A_844 = arith.cmpi slt, %add3A_843, %lt3A : i32
      %convert_element_type3A = arith.extui %lt3A_844 : i1 to i32
      %cond3A = arith.constant 0 : i32
      %cond3A_845 = arith.cmpi ne, %convert_element_type3A, %cond3A : i32
      scf.if %cond3A_845 {
        %add3A_1033 = arith.constant 2 : i32
        %add3A_1034 = arith.addi %add3A_667, %add3A_1033 : i32
        %get3A_1035 = arith.index_cast %add3A_1034 : i32 to index
        %get3A_1036 = arith.constant 0 : index
        %get3A_1037 = tpu.vector_load %arg8[%get3A_1035, %get3A_1036] {strides = array<i32>} : memref<4x128xi32, #tpu.memory_space<vmem>>, vector<16xi32>,
        %shift_left3A_1038 = arith.constant 1 : i32
        %shift_left3A_1039 = vector.broadcast %shift_left3A_1038 : i32 to vector<16xi32>
        %shift_left3A_1040 = arith.shli %get3A_1037, %shift_left3A_1039 : vector<16xi32>
        %swap3A_1041 = arith.constant 0 : i32
        %swap3A_1042 = arith.index_cast %swap3A_1041 : i32 to index
        %swap3A_1043 = arith.constant 0 : index
        %swap3A_1044 = tpu.vector_load %arg10[%swap3A_1042, %swap3A_1043] {strides = array<i32>} : memref<2x128xi32, #tpu.memory_space<vmem>>, vector<16xi32>,
        tpu.vector_store %arg10[%swap3A_1042, %swap3A_1043], %shift_left3A_1040 {strides = array<i32>} : memref<2x128xi32, #tpu.memory_space<vmem>>, vector<16xi32>,
        %add3A_1045 = arith.constant 1 : i32
        %add3A_1046 = vector.broadcast %add3A_1045 : i32 to vector<16xi32>
        %add3A_1047 = arith.addi %shift_left3A_1040, %add3A_1046 : vector<16xi32>
        %swap3A_1048 = arith.constant 1 : i32
        %swap3A_1049 = arith.index_cast %swap3A_1048 : i32 to index
        %swap3A_1050 = arith.constant 0 : index
        %swap3A_1051 = tpu.vector_load %arg10[%swap3A_1049, %swap3A_1050] {strides = array<i32>} : memref<2x128xi32, #tpu.memory_space<vmem>>, vector<16xi32>,
        tpu.vector_store %arg10[%swap3A_1049, %swap3A_1050], %add3A_1047 {strides = array<i32>} : memref<2x128xi32, #tpu.memory_space<vmem>>, vector<16xi32>,
        %get3A_1052 = arith.index_cast %add3A_1034 : i32 to index
        %get3A_1053 = arith.constant 0 : index
        %get3A_1054 = tpu.vector_load %arg9[%get3A_1052, %get3A_1053] {strides = array<i32>} : memref<4x128xi32, #tpu.memory_space<vmem>>, vector<16xi32>,
        %shift_left3A_1055 = arith.constant 1 : i32
        %shift_left3A_1056 = vector.broadcast %shift_left3A_1055 : i32 to vector<16xi32>
        %shift_left3A_1057 = arith.shli %get3A_1054, %shift_left3A_1056 : vector<16xi32>
        %swap3A_1058 = arith.constant 0 : i32
        %swap3A_1059 = arith.index_cast %swap3A_1058 : i32 to index
        %swap3A_1060 = arith.constant 0 : index
        %swap3A_1061 = tpu.vector_load %arg12[%swap3A_1059, %swap3A_1060] {strides = array<i32>} : memref<2x128xi32, #tpu.memory_space<vmem>>, vector<16xi32>,
        tpu.vector_store %arg12[%swap3A_1059, %swap3A_1060], %shift_left3A_1057 {strides = array<i32>} : memref<2x128xi32, #tpu.memory_space<vmem>>, vector<16xi32>,
        %add3A_1062 = arith.constant 1 : i32
        %add3A_1063 = vector.broadcast %add3A_1062 : i32 to vector<16xi32>
        %add3A_1064 = arith.addi %shift_left3A_1057, %add3A_1063 : vector<16xi32>
        %swap3A_1065 = arith.constant 1 : i32
        %swap3A_1066 = arith.index_cast %swap3A_1065 : i32 to index
        %swap3A_1067 = arith.constant 0 : index
        %swap3A_1068 = tpu.vector_load %arg12[%swap3A_1066, %swap3A_1067] {strides = array<i32>} : memref<2x128xi32, #tpu.memory_space<vmem>>, vector<16xi32>,
        tpu.vector_store %arg12[%swap3A_1066, %swap3A_1067], %add3A_1064 {strides = array<i32>} : memref<2x128xi32, #tpu.memory_space<vmem>>, vector<16xi32>,
        %get3A_1069 = arith.index_cast %add3A_1034 : i32 to index
        %get3A_1070 = arith.constant 16 : index
        %get3A_1071 = tpu.vector_load %arg8[%get3A_1069, %get3A_1070] {strides = array<i32>} : memref<4x128xi32, #tpu.memory_space<vmem>>, vector<16xi32>,
        %shift_left3A_1072 = arith.constant 1 : i32
        %shift_left3A_1073 = vector.broadcast %shift_left3A_1072 : i32 to vector<16xi32>
        %shift_left3A_1074 = arith.shli %get3A_1071, %shift_left3A_1073 : vector<16xi32>
        %swap3A_1075 = arith.constant 0 : i32
        %swap3A_1076 = arith.index_cast %swap3A_1075 : i32 to index
        %swap3A_1077 = arith.constant 16 : index
        %swap3A_1078 = tpu.vector_load %arg10[%swap3A_1076, %swap3A_1077] {strides = array<i32>} : memref<2x128xi32, #tpu.memory_space<vmem>>, vector<16xi32>,
        tpu.vector_store %arg10[%swap3A_1076, %swap3A_1077], %shift_left3A_1074 {strides = array<i32>} : memref<2x128xi32, #tpu.memory_space<vmem>>, vector<16xi32>,
        %add3A_1079 = arith.constant 1 : i32
        %add3A_1080 = vector.broadcast %add3A_1079 : i32 to vector<16xi32>
        %add3A_1081 = arith.addi %shift_left3A_1074, %add3A_1080 : vector<16xi32>
        %swap3A_1082 = arith.constant 1 : i32
        %swap3A_1083 = arith.index_cast %swap3A_1082 : i32 to index
        %swap3A_1084 = arith.constant 16 : index
        %swap3A_1085 = tpu.vector_load %arg10[%swap3A_1083, %swap3A_1084] {strides = array<i32>} : memref<2x128xi32, #tpu.memory_space<vmem>>, vector<16xi32>,
        tpu.vector_store %arg10[%swap3A_1083, %swap3A_1084], %add3A_1081 {strides = array<i32>} : memref<2x128xi32, #tpu.memory_space<vmem>>, vector<16xi32>,
        %get3A_1086 = arith.index_cast %add3A_1034 : i32 to index
        %get3A_1087 = arith.constant 16 : index
        %get3A_1088 = tpu.vector_load %arg9[%get3A_1086, %get3A_1087] {strides = array<i32>} : memref<4x128xi32, #tpu.memory_space<vmem>>, vector<16xi32>,
        %shift_left3A_1089 = arith.constant 1 : i32
        %shift_left3A_1090 = vector.broadcast %shift_left3A_1089 : i32 to vector<16xi32>
        %shift_left3A_1091 = arith.shli %get3A_1088, %shift_left3A_1090 : vector<16xi32>
        %swap3A_1092 = arith.constant 0 : i32
        %swap3A_1093 = arith.index_cast %swap3A_1092 : i32 to index
        %swap3A_1094 = arith.constant 16 : index
        %swap3A_1095 = tpu.vector_load %arg12[%swap3A_1093, %swap3A_1094] {strides = array<i32>} : memref<2x128xi32, #tpu.memory_space<vmem>>, vector<16xi32>,
        tpu.vector_store %arg12[%swap3A_1093, %swap3A_1094], %shift_left3A_1091 {strides = array<i32>} : memref<2x128xi32, #tpu.memory_space<vmem>>, vector<16xi32>,
        %add3A_1096 = arith.constant 1 : i32
        %add3A_1097 = vector.broadcast %add3A_1096 : i32 to vector<16xi32>
        %add3A_1098 = arith.addi %shift_left3A_1091, %add3A_1097 : vector<16xi32>
        %swap3A_1099 = arith.constant 1 : i32
        %swap3A_1100 = arith.index_cast %swap3A_1099 : i32 to index
        %swap3A_1101 = arith.constant 16 : index
        %swap3A_1102 = tpu.vector_load %arg12[%swap3A_1100, %swap3A_1101] {strides = array<i32>} : memref<2x128xi32, #tpu.memory_space<vmem>>, vector<16xi32>,
        tpu.vector_store %arg12[%swap3A_1100, %swap3A_1101], %add3A_1098 {strides = array<i32>} : memref<2x128xi32, #tpu.memory_space<vmem>>, vector<16xi32>,
        %get3A_1103 = arith.index_cast %add3A_1034 : i32 to index
        %get3A_1104 = arith.constant 32 : index
        %get3A_1105 = tpu.vector_load %arg8[%get3A_1103, %get3A_1104] {strides = array<i32>} : memref<4x128xi32, #tpu.memory_space<vmem>>, vector<16xi32>,
        %shift_left3A_1106 = arith.constant 1 : i32
        %shift_left3A_1107 = vector.broadcast %shift_left3A_1106 : i32 to vector<16xi32>
        %shift_left3A_1108 = arith.shli %get3A_1105, %shift_left3A_1107 : vector<16xi32>
        %swap3A_1109 = arith.constant 0 : i32
        %swap3A_1110 = arith.index_cast %swap3A_1109 : i32 to index
        %swap3A_1111 = arith.constant 32 : index
        %swap3A_1112 = tpu.vector_load %arg10[%swap3A_1110, %swap3A_1111] {strides = array<i32>} : memref<2x128xi32, #tpu.memory_space<vmem>>, vector<16xi32>,
        tpu.vector_store %arg10[%swap3A_1110, %swap3A_1111], %shift_left3A_1108 {strides = array<i32>} : memref<2x128xi32, #tpu.memory_space<vmem>>, vector<16xi32>,
        %add3A_1113 = arith.constant 1 : i32
        %add3A_1114 = vector.broadcast %add3A_1113 : i32 to vector<16xi32>
        %add3A_1115 = arith.addi %shift_left3A_1108, %add3A_1114 : vector<16xi32>
        %swap3A_1116 = arith.constant 1 : i32
        %swap3A_1117 = arith.index_cast %swap3A_1116 : i32 to index
        %swap3A_1118 = arith.constant 32 : index
        %swap3A_1119 = tpu.vector_load %arg10[%swap3A_1117, %swap3A_1118] {strides = array<i32>} : memref<2x128xi32, #tpu.memory_space<vmem>>, vector<16xi32>,
        tpu.vector_store %arg10[%swap3A_1117, %swap3A_1118], %add3A_1115 {strides = array<i32>} : memref<2x128xi32, #tpu.memory_space<vmem>>, vector<16xi32>,
        %get3A_1120 = arith.index_cast %add3A_1034 : i32 to index
        %get3A_1121 = arith.constant 32 : index
        %get3A_1122 = tpu.vector_load %arg9[%get3A_1120, %get3A_1121] {strides = array<i32>} : memref<4x128xi32, #tpu.memory_space<vmem>>, vector<16xi32>,
        %shift_left3A_1123 = arith.constant 1 : i32
        %shift_left3A_1124 = vector.broadcast %shift_left3A_1123 : i32 to vector<16xi32>
        %shift_left3A_1125 = arith.shli %get3A_1122, %shift_left3A_1124 : vector<16xi32>
        %swap3A_1126 = arith.constant 0 : i32
        %swap3A_1127 = arith.index_cast %swap3A_1126 : i32 to index
        %swap3A_1128 = arith.constant 32 : index
        %swap3A_1129 = tpu.vector_load %arg12[%swap3A_1127, %swap3A_1128] {strides = array<i32>} : memref<2x128xi32, #tpu.memory_space<vmem>>, vector<16xi32>,
        tpu.vector_store %arg12[%swap3A_1127, %swap3A_1128], %shift_left3A_1125 {strides = array<i32>} : memref<2x128xi32, #tpu.memory_space<vmem>>, vector<16xi32>,
        %add3A_1130 = arith.constant 1 : i32
        %add3A_1131 = vector.broadcast %add3A_1130 : i32 to vector<16xi32>
        %add3A_1132 = arith.addi %shift_left3A_1125, %add3A_1131 : vector<16xi32>
        %swap3A_1133 = arith.constant 1 : i32
        %swap3A_1134 = arith.index_cast %swap3A_1133 : i32 to index
        %swap3A_1135 = arith.constant 32 : index
        %swap3A_1136 = tpu.vector_load %arg12[%swap3A_1134, %swap3A_1135] {strides = array<i32>} : memref<2x128xi32, #tpu.memory_space<vmem>>, vector<16xi32>,
        tpu.vector_store %arg12[%swap3A_1134, %swap3A_1135], %add3A_1132 {strides = array<i32>} : memref<2x128xi32, #tpu.memory_space<vmem>>, vector<16xi32>,
        %get3A_1137 = arith.index_cast %add3A_1034 : i32 to index
        %get3A_1138 = arith.constant 48 : index
        %get3A_1139 = tpu.vector_load %arg8[%get3A_1137, %get3A_1138] {strides = array<i32>} : memref<4x128xi32, #tpu.memory_space<vmem>>, vector<16xi32>,
        %shift_left3A_1140 = arith.constant 1 : i32
        %shift_left3A_1141 = vector.broadcast %shift_left3A_1140 : i32 to vector<16xi32>
        %shift_left3A_1142 = arith.shli %get3A_1139, %shift_left3A_1141 : vector<16xi32>
        %swap3A_1143 = arith.constant 0 : i32
        %swap3A_1144 = arith.index_cast %swap3A_1143 : i32 to index
        %swap3A_1145 = arith.constant 48 : index
        %swap3A_1146 = tpu.vector_load %arg10[%swap3A_1144, %swap3A_1145] {strides = array<i32>} : memref<2x128xi32, #tpu.memory_space<vmem>>, vector<16xi32>,
        tpu.vector_store %arg10[%swap3A_1144, %swap3A_1145], %shift_left3A_1142 {strides = array<i32>} : memref<2x128xi32, #tpu.memory_space<vmem>>, vector<16xi32>,
        %add3A_1147 = arith.constant 1 : i32
        %add3A_1148 = vector.broadcast %add3A_1147 : i32 to vector<16xi32>
        %add3A_1149 = arith.addi %shift_left3A_1142, %add3A_1148 : vector<16xi32>
        %swap3A_1150 = arith.constant 1 : i32
        %swap3A_1151 = arith.index_cast %swap3A_1150 : i32 to index
        %swap3A_1152 = arith.constant 48 : index
        %swap3A_1153 = tpu.vector_load %arg10[%swap3A_1151, %swap3A_1152] {strides = array<i32>} : memref<2x128xi32, #tpu.memory_space<vmem>>, vector<16xi32>,
        tpu.vector_store %arg10[%swap3A_1151, %swap3A_1152], %add3A_1149 {strides = array<i32>} : memref<2x128xi32, #tpu.memory_space<vmem>>, vector<16xi32>,
        %get3A_1154 = arith.index_cast %add3A_1034 : i32 to index
        %get3A_1155 = arith.constant 48 : index
        %get3A_1156 = tpu.vector_load %arg9[%get3A_1154, %get3A_1155] {strides = array<i32>} : memref<4x128xi32, #tpu.memory_space<vmem>>, vector<16xi32>,
        %shift_left3A_1157 = arith.constant 1 : i32
        %shift_left3A_1158 = vector.broadcast %shift_left3A_1157 : i32 to vector<16xi32>
        %shift_left3A_1159 = arith.shli %get3A_1156, %shift_left3A_1158 : vector<16xi32>
        %swap3A_1160 = arith.constant 0 : i32
        %swap3A_1161 = arith.index_cast %swap3A_1160 : i32 to index
        %swap3A_1162 = arith.constant 48 : index
        %swap3A_1163 = tpu.vector_load %arg12[%swap3A_1161, %swap3A_1162] {strides = array<i32>} : memref<2x128xi32, #tpu.memory_space<vmem>>, vector<16xi32>,
        tpu.vector_store %arg12[%swap3A_1161, %swap3A_1162], %shift_left3A_1159 {strides = array<i32>} : memref<2x128xi32, #tpu.memory_space<vmem>>, vector<16xi32>,
        %add3A_1164 = arith.constant 1 : i32
        %add3A_1165 = vector.broadcast %add3A_1164 : i32 to vector<16xi32>
        %add3A_1166 = arith.addi %shift_left3A_1159, %add3A_1165 : vector<16xi32>
        %swap3A_1167 = arith.constant 1 : i32
        %swap3A_1168 = arith.index_cast %swap3A_1167 : i32 to index
        %swap3A_1169 = arith.constant 48 : index
        %swap3A_1170 = tpu.vector_load %arg12[%swap3A_1168, %swap3A_1169] {strides = array<i32>} : memref<2x128xi32, #tpu.memory_space<vmem>>, vector<16xi32>,
        tpu.vector_store %arg12[%swap3A_1168, %swap3A_1169], %add3A_1166 {strides = array<i32>} : memref<2x128xi32, #tpu.memory_space<vmem>>, vector<16xi32>,
        %get3A_1171 = arith.index_cast %add3A_1034 : i32 to index
        %get3A_1172 = arith.constant 64 : index
        %get3A_1173 = tpu.vector_load %arg8[%get3A_1171, %get3A_1172] {strides = array<i32>} : memref<4x128xi32, #tpu.memory_space<vmem>>, vector<16xi32>,
        %shift_left3A_1174 = arith.constant 1 : i32
        %shift_left3A_1175 = vector.broadcast %shift_left3A_1174 : i32 to vector<16xi32>
        %shift_left3A_1176 = arith.shli %get3A_1173, %shift_left3A_1175 : vector<16xi32>
        %swap3A_1177 = arith.constant 0 : i32
        %swap3A_1178 = arith.index_cast %swap3A_1177 : i32 to index
        %swap3A_1179 = arith.constant 64 : index
        %swap3A_1180 = tpu.vector_load %arg10[%swap3A_1178, %swap3A_1179] {strides = array<i32>} : memref<2x128xi32, #tpu.memory_space<vmem>>, vector<16xi32>,
        tpu.vector_store %arg10[%swap3A_1178, %swap3A_1179], %shift_left3A_1176 {strides = array<i32>} : memref<2x128xi32, #tpu.memory_space<vmem>>, vector<16xi32>,
        %add3A_1181 = arith.constant 1 : i32
        %add3A_1182 = vector.broadcast %add3A_1181 : i32 to vector<16xi32>
        %add3A_1183 = arith.addi %shift_left3A_1176, %add3A_1182 : vector<16xi32>
        %swap3A_1184 = arith.constant 1 : i32
        %swap3A_1185 = arith.index_cast %swap3A_1184 : i32 to index
        %swap3A_1186 = arith.constant 64 : index
        %swap3A_1187 = tpu.vector_load %arg10[%swap3A_1185, %swap3A_1186] {strides = array<i32>} : memref<2x128xi32, #tpu.memory_space<vmem>>, vector<16xi32>,
        tpu.vector_store %arg10[%swap3A_1185, %swap3A_1186], %add3A_1183 {strides = array<i32>} : memref<2x128xi32, #tpu.memory_space<vmem>>, vector<16xi32>,
        %get3A_1188 = arith.index_cast %add3A_1034 : i32 to index
        %get3A_1189 = arith.constant 64 : index
        %get3A_1190 = tpu.vector_load %arg9[%get3A_1188, %get3A_1189] {strides = array<i32>} : memref<4x128xi32, #tpu.memory_space<vmem>>, vector<16xi32>,
        %shift_left3A_1191 = arith.constant 1 : i32
        %shift_left3A_1192 = vector.broadcast %shift_left3A_1191 : i32 to vector<16xi32>
        %shift_left3A_1193 = arith.shli %get3A_1190, %shift_left3A_1192 : vector<16xi32>
        %swap3A_1194 = arith.constant 0 : i32
        %swap3A_1195 = arith.index_cast %swap3A_1194 : i32 to index
        %swap3A_1196 = arith.constant 64 : index
        %swap3A_1197 = tpu.vector_load %arg12[%swap3A_1195, %swap3A_1196] {strides = array<i32>} : memref<2x128xi32, #tpu.memory_space<vmem>>, vector<16xi32>,
        tpu.vector_store %arg12[%swap3A_1195, %swap3A_1196], %shift_left3A_1193 {strides = array<i32>} : memref<2x128xi32, #tpu.memory_space<vmem>>, vector<16xi32>,
        %add3A_1198 = arith.constant 1 : i32
        %add3A_1199 = vector.broadcast %add3A_1198 : i32 to vector<16xi32>
        %add3A_1200 = arith.addi %shift_left3A_1193, %add3A_1199 : vector<16xi32>
        %swap3A_1201 = arith.constant 1 : i32
        %swap3A_1202 = arith.index_cast %swap3A_1201 : i32 to index
        %swap3A_1203 = arith.constant 64 : index
        %swap3A_1204 = tpu.vector_load %arg12[%swap3A_1202, %swap3A_1203] {strides = array<i32>} : memref<2x128xi32, #tpu.memory_space<vmem>>, vector<16xi32>,
        tpu.vector_store %arg12[%swap3A_1202, %swap3A_1203], %add3A_1200 {strides = array<i32>} : memref<2x128xi32, #tpu.memory_space<vmem>>, vector<16xi32>,
        %get3A_1205 = arith.index_cast %add3A_1034 : i32 to index
        %get3A_1206 = arith.constant 80 : index
        %get3A_1207 = tpu.vector_load %arg8[%get3A_1205, %get3A_1206] {strides = array<i32>} : memref<4x128xi32, #tpu.memory_space<vmem>>, vector<16xi32>,
        %shift_left3A_1208 = arith.constant 1 : i32
        %shift_left3A_1209 = vector.broadcast %shift_left3A_1208 : i32 to vector<16xi32>
        %shift_left3A_1210 = arith.shli %get3A_1207, %shift_left3A_1209 : vector<16xi32>
        %swap3A_1211 = arith.constant 0 : i32
        %swap3A_1212 = arith.index_cast %swap3A_1211 : i32 to index
        %swap3A_1213 = arith.constant 80 : index
        %swap3A_1214 = tpu.vector_load %arg10[%swap3A_1212, %swap3A_1213] {strides = array<i32>} : memref<2x128xi32, #tpu.memory_space<vmem>>, vector<16xi32>,
        tpu.vector_store %arg10[%swap3A_1212, %swap3A_1213], %shift_left3A_1210 {strides = array<i32>} : memref<2x128xi32, #tpu.memory_space<vmem>>, vector<16xi32>,
        %add3A_1215 = arith.constant 1 : i32
        %add3A_1216 = vector.broadcast %add3A_1215 : i32 to vector<16xi32>
        %add3A_1217 = arith.addi %shift_left3A_1210, %add3A_1216 : vector<16xi32>
        %swap3A_1218 = arith.constant 1 : i32
        %swap3A_1219 = arith.index_cast %swap3A_1218 : i32 to index
        %swap3A_1220 = arith.constant 80 : index
        %swap3A_1221 = tpu.vector_load %arg10[%swap3A_1219, %swap3A_1220] {strides = array<i32>} : memref<2x128xi32, #tpu.memory_space<vmem>>, vector<16xi32>,
        tpu.vector_store %arg10[%swap3A_1219, %swap3A_1220], %add3A_1217 {strides = array<i32>} : memref<2x128xi32, #tpu.memory_space<vmem>>, vector<16xi32>,
        %get3A_1222 = arith.index_cast %add3A_1034 : i32 to index
        %get3A_1223 = arith.constant 80 : index
        %get3A_1224 = tpu.vector_load %arg9[%get3A_1222, %get3A_1223] {strides = array<i32>} : memref<4x128xi32, #tpu.memory_space<vmem>>, vector<16xi32>,
        %shift_left3A_1225 = arith.constant 1 : i32
        %shift_left3A_1226 = vector.broadcast %shift_left3A_1225 : i32 to vector<16xi32>
        %shift_left3A_1227 = arith.shli %get3A_1224, %shift_left3A_1226 : vector<16xi32>
        %swap3A_1228 = arith.constant 0 : i32
        %swap3A_1229 = arith.index_cast %swap3A_1228 : i32 to index
        %swap3A_1230 = arith.constant 80 : index
        %swap3A_1231 = tpu.vector_load %arg12[%swap3A_1229, %swap3A_1230] {strides = array<i32>} : memref<2x128xi32, #tpu.memory_space<vmem>>, vector<16xi32>,
        tpu.vector_store %arg12[%swap3A_1229, %swap3A_1230], %shift_left3A_1227 {strides = array<i32>} : memref<2x128xi32, #tpu.memory_space<vmem>>, vector<16xi32>,
        %add3A_1232 = arith.constant 1 : i32
        %add3A_1233 = vector.broadcast %add3A_1232 : i32 to vector<16xi32>
        %add3A_1234 = arith.addi %shift_left3A_1227, %add3A_1233 : vector<16xi32>
        %swap3A_1235 = arith.constant 1 : i32
        %swap3A_1236 = arith.index_cast %swap3A_1235 : i32 to index
        %swap3A_1237 = arith.constant 80 : index
        %swap3A_1238 = tpu.vector_load %arg12[%swap3A_1236, %swap3A_1237] {strides = array<i32>} : memref<2x128xi32, #tpu.memory_space<vmem>>, vector<16xi32>,
        tpu.vector_store %arg12[%swap3A_1236, %swap3A_1237], %add3A_1234 {strides = array<i32>} : memref<2x128xi32, #tpu.memory_space<vmem>>, vector<16xi32>,
        %get3A_1239 = arith.index_cast %add3A_1034 : i32 to index
        %get3A_1240 = arith.constant 96 : index
        %get3A_1241 = tpu.vector_load %arg8[%get3A_1239, %get3A_1240] {strides = array<i32>} : memref<4x128xi32, #tpu.memory_space<vmem>>, vector<16xi32>,
        %shift_left3A_1242 = arith.constant 1 : i32
        %shift_left3A_1243 = vector.broadcast %shift_left3A_1242 : i32 to vector<16xi32>
        %shift_left3A_1244 = arith.shli %get3A_1241, %shift_left3A_1243 : vector<16xi32>
        %swap3A_1245 = arith.constant 0 : i32
        %swap3A_1246 = arith.index_cast %swap3A_1245 : i32 to index
        %swap3A_1247 = arith.constant 96 : index
        %swap3A_1248 = tpu.vector_load %arg10[%swap3A_1246, %swap3A_1247] {strides = array<i32>} : memref<2x128xi32, #tpu.memory_space<vmem>>, vector<16xi32>,
        tpu.vector_store %arg10[%swap3A_1246, %swap3A_1247], %shift_left3A_1244 {strides = array<i32>} : memref<2x128xi32, #tpu.memory_space<vmem>>, vector<16xi32>,
        %add3A_1249 = arith.constant 1 : i32
        %add3A_1250 = vector.broadcast %add3A_1249 : i32 to vector<16xi32>
        %add3A_1251 = arith.addi %shift_left3A_1244, %add3A_1250 : vector<16xi32>
        %swap3A_1252 = arith.constant 1 : i32
        %swap3A_1253 = arith.index_cast %swap3A_1252 : i32 to index
        %swap3A_1254 = arith.constant 96 : index
        %swap3A_1255 = tpu.vector_load %arg10[%swap3A_1253, %swap3A_1254] {strides = array<i32>} : memref<2x128xi32, #tpu.memory_space<vmem>>, vector<16xi32>,
        tpu.vector_store %arg10[%swap3A_1253, %swap3A_1254], %add3A_1251 {strides = array<i32>} : memref<2x128xi32, #tpu.memory_space<vmem>>, vector<16xi32>,
        %get3A_1256 = arith.index_cast %add3A_1034 : i32 to index
        %get3A_1257 = arith.constant 96 : index
        %get3A_1258 = tpu.vector_load %arg9[%get3A_1256, %get3A_1257] {strides = array<i32>} : memref<4x128xi32, #tpu.memory_space<vmem>>, vector<16xi32>,
        %shift_left3A_1259 = arith.constant 1 : i32
        %shift_left3A_1260 = vector.broadcast %shift_left3A_1259 : i32 to vector<16xi32>
        %shift_left3A_1261 = arith.shli %get3A_1258, %shift_left3A_1260 : vector<16xi32>
        %swap3A_1262 = arith.constant 0 : i32
        %swap3A_1263 = arith.index_cast %swap3A_1262 : i32 to index
        %swap3A_1264 = arith.constant 96 : index
        %swap3A_1265 = tpu.vector_load %arg12[%swap3A_1263, %swap3A_1264] {strides = array<i32>} : memref<2x128xi32, #tpu.memory_space<vmem>>, vector<16xi32>,
        tpu.vector_store %arg12[%swap3A_1263, %swap3A_1264], %shift_left3A_1261 {strides = array<i32>} : memref<2x128xi32, #tpu.memory_space<vmem>>, vector<16xi32>,
        %add3A_1266 = arith.constant 1 : i32
        %add3A_1267 = vector.broadcast %add3A_1266 : i32 to vector<16xi32>
        %add3A_1268 = arith.addi %shift_left3A_1261, %add3A_1267 : vector<16xi32>
        %swap3A_1269 = arith.constant 1 : i32
        %swap3A_1270 = arith.index_cast %swap3A_1269 : i32 to index
        %swap3A_1271 = arith.constant 96 : index
        %swap3A_1272 = tpu.vector_load %arg12[%swap3A_1270, %swap3A_1271] {strides = array<i32>} : memref<2x128xi32, #tpu.memory_space<vmem>>, vector<16xi32>,
        tpu.vector_store %arg12[%swap3A_1270, %swap3A_1271], %add3A_1268 {strides = array<i32>} : memref<2x128xi32, #tpu.memory_space<vmem>>, vector<16xi32>,
        %get3A_1273 = arith.index_cast %add3A_1034 : i32 to index
        %get3A_1274 = arith.constant 112 : index
        %get3A_1275 = tpu.vector_load %arg8[%get3A_1273, %get3A_1274] {strides = array<i32>} : memref<4x128xi32, #tpu.memory_space<vmem>>, vector<16xi32>,
        %shift_left3A_1276 = arith.constant 1 : i32
        %shift_left3A_1277 = vector.broadcast %shift_left3A_1276 : i32 to vector<16xi32>
        %shift_left3A_1278 = arith.shli %get3A_1275, %shift_left3A_1277 : vector<16xi32>
        %swap3A_1279 = arith.constant 0 : i32
        %swap3A_1280 = arith.index_cast %swap3A_1279 : i32 to index
        %swap3A_1281 = arith.constant 112 : index
        %swap3A_1282 = tpu.vector_load %arg10[%swap3A_1280, %swap3A_1281] {strides = array<i32>} : memref<2x128xi32, #tpu.memory_space<vmem>>, vector<16xi32>,
        tpu.vector_store %arg10[%swap3A_1280, %swap3A_1281], %shift_left3A_1278 {strides = array<i32>} : memref<2x128xi32, #tpu.memory_space<vmem>>, vector<16xi32>,
        %add3A_1283 = arith.constant 1 : i32
        %add3A_1284 = vector.broadcast %add3A_1283 : i32 to vector<16xi32>
        %add3A_1285 = arith.addi %shift_left3A_1278, %add3A_1284 : vector<16xi32>
        %swap3A_1286 = arith.constant 1 : i32
        %swap3A_1287 = arith.index_cast %swap3A_1286 : i32 to index
        %swap3A_1288 = arith.constant 112 : index
        %swap3A_1289 = tpu.vector_load %arg10[%swap3A_1287, %swap3A_1288] {strides = array<i32>} : memref<2x128xi32, #tpu.memory_space<vmem>>, vector<16xi32>,
        tpu.vector_store %arg10[%swap3A_1287, %swap3A_1288], %add3A_1285 {strides = array<i32>} : memref<2x128xi32, #tpu.memory_space<vmem>>, vector<16xi32>,
        %get3A_1290 = arith.index_cast %add3A_1034 : i32 to index
        %get3A_1291 = arith.constant 112 : index
        %get3A_1292 = tpu.vector_load %arg9[%get3A_1290, %get3A_1291] {strides = array<i32>} : memref<4x128xi32, #tpu.memory_space<vmem>>, vector<16xi32>,
        %shift_left3A_1293 = arith.constant 1 : i32
        %shift_left3A_1294 = vector.broadcast %shift_left3A_1293 : i32 to vector<16xi32>
        %shift_left3A_1295 = arith.shli %get3A_1292, %shift_left3A_1294 : vector<16xi32>
        %swap3A_1296 = arith.constant 0 : i32
        %swap3A_1297 = arith.index_cast %swap3A_1296 : i32 to index
        %swap3A_1298 = arith.constant 112 : index
        %swap3A_1299 = tpu.vector_load %arg12[%swap3A_1297, %swap3A_1298] {strides = array<i32>} : memref<2x128xi32, #tpu.memory_space<vmem>>, vector<16xi32>,
        tpu.vector_store %arg12[%swap3A_1297, %swap3A_1298], %shift_left3A_1295 {strides = array<i32>} : memref<2x128xi32, #tpu.memory_space<vmem>>, vector<16xi32>,
        %add3A_1300 = arith.constant 1 : i32
        %add3A_1301 = vector.broadcast %add3A_1300 : i32 to vector<16xi32>
        %add3A_1302 = arith.addi %shift_left3A_1295, %add3A_1301 : vector<16xi32>
        %swap3A_1303 = arith.constant 1 : i32
        %swap3A_1304 = arith.index_cast %swap3A_1303 : i32 to index
        %swap3A_1305 = arith.constant 112 : index
        %swap3A_1306 = tpu.vector_load %arg12[%swap3A_1304, %swap3A_1305] {strides = array<i32>} : memref<2x128xi32, #tpu.memory_space<vmem>>, vector<16xi32>,
        tpu.vector_store %arg12[%swap3A_1304, %swap3A_1305], %add3A_1302 {strides = array<i32>} : memref<2x128xi32, #tpu.memory_space<vmem>>, vector<16xi32>,
        %dma_start3A_1307 = arith.constant 0 : i32
        %dma_start3A_1308 = arith.constant 0 : i32
        %dma_start3A_1309 = arith.constant 0 : i32
        %dma_start3A_1310 = tpu.memref_slice %arg14[%dma_start3A_1308, %dma_start3A_1309] : memref<256x16xf32, #tpu.memory_space<vmem>> -> memref<128x16xf32, #tpu.memory_space<vmem>>
        %dma_start3A_1311 = arith.constant 0 : i32
        %dma_start3A_1312 = tpu.memref_slice %arg10[%dma_start3A_1307, %dma_start3A_1311] : memref<2x128xi32, #tpu.memory_space<vmem>> -> memref<1x128xi32, #tpu.memory_space<vmem>>
        %dma_start3A_1313 = tpu.memref_squeeze %dma_start3A_1312 : memref<1x128xi32, #tpu.memory_space<vmem>> -> memref<128xi32, #tpu.memory_space<vmem>>
        %dma_start3A_1314 = arith.constant 0 : i32
        %dma_start3A_1315 = arith.constant 0 : i32
        %dma_start3A_1316 = tpu.memref_slice %arg4[%dma_start3A_1314, %dma_start3A_1315] : memref<2000000x16xf32, #tpu.memory_space<hbm>> -> memref<2000000x16xf32, #tpu.memory_space<hbm>>
        tpu.enqueue_indirect_dma source(%dma_start3A_1316 : memref<2000000x16xf32, #tpu.memory_space<hbm>>) target(%dma_start3A_1310 : memref<128x16xf32, #tpu.memory_space<vmem>>) offsets(%dma_start3A_1313 : memref<128xi32, #tpu.memory_space<vmem>>) semaphore(%arg21 : memref<!tpu.dma_semaphore, #tpu.memory_space<semaphore_mem>>)
        %dma_start3A_1317 = arith.constant 0 : i32
        %dma_start3A_1318 = arith.constant 0 : i32
        %dma_start3A_1319 = arith.constant 0 : i32
        %dma_start3A_1320 = tpu.memref_slice %arg16[%dma_start3A_1318, %dma_start3A_1319] : memref<256x16xf32, #tpu.memory_space<vmem>> -> memref<128x16xf32, #tpu.memory_space<vmem>>
        %dma_start3A_1321 = arith.constant 0 : i32
        %dma_start3A_1322 = tpu.memref_slice %arg12[%dma_start3A_1317, %dma_start3A_1321] : memref<2x128xi32, #tpu.memory_space<vmem>> -> memref<1x128xi32, #tpu.memory_space<vmem>>
        %dma_start3A_1323 = tpu.memref_squeeze %dma_start3A_1322 : memref<1x128xi32, #tpu.memory_space<vmem>> -> memref<128xi32, #tpu.memory_space<vmem>>
        %dma_start3A_1324 = arith.constant 0 : i32
        %dma_start3A_1325 = arith.constant 0 : i32
        %dma_start3A_1326 = tpu.memref_slice %arg5[%dma_start3A_1324, %dma_start3A_1325] : memref<2000000x16xf32, #tpu.memory_space<hbm>> -> memref<2000000x16xf32, #tpu.memory_space<hbm>>
        tpu.enqueue_indirect_dma source(%dma_start3A_1326 : memref<2000000x16xf32, #tpu.memory_space<hbm>>) target(%dma_start3A_1320 : memref<128x16xf32, #tpu.memory_space<vmem>>) offsets(%dma_start3A_1323 : memref<128xi32, #tpu.memory_space<vmem>>) semaphore(%arg23 : memref<!tpu.dma_semaphore, #tpu.memory_space<semaphore_mem>>)
        %dma_start3A_1327 = arith.constant 1 : i32
        %dma_start3A_1328 = arith.constant 128 : i32
        %dma_start3A_1329 = arith.constant 0 : i32
        %dma_start3A_1330 = tpu.memref_slice %arg14[%dma_start3A_1328, %dma_start3A_1329] : memref<256x16xf32, #tpu.memory_space<vmem>> -> memref<128x16xf32, #tpu.memory_space<vmem>>
        %dma_start3A_1331 = arith.constant 0 : i32
        %dma_start3A_1332 = tpu.memref_slice %arg10[%dma_start3A_1327, %dma_start3A_1331] : memref<2x128xi32, #tpu.memory_space<vmem>> -> memref<1x128xi32, #tpu.memory_space<vmem>>
        %dma_start3A_1333 = tpu.memref_squeeze %dma_start3A_1332 : memref<1x128xi32, #tpu.memory_space<vmem>> -> memref<128xi32, #tpu.memory_space<vmem>>
        %dma_start3A_1334 = arith.constant 0 : i32
        %dma_start3A_1335 = arith.constant 0 : i32
        %dma_start3A_1336 = tpu.memref_slice %arg4[%dma_start3A_1334, %dma_start3A_1335] : memref<2000000x16xf32, #tpu.memory_space<hbm>> -> memref<2000000x16xf32, #tpu.memory_space<hbm>>
        tpu.enqueue_indirect_dma source(%dma_start3A_1336 : memref<2000000x16xf32, #tpu.memory_space<hbm>>) target(%dma_start3A_1330 : memref<128x16xf32, #tpu.memory_space<vmem>>) offsets(%dma_start3A_1333 : memref<128xi32, #tpu.memory_space<vmem>>) semaphore(%arg21 : memref<!tpu.dma_semaphore, #tpu.memory_space<semaphore_mem>>)
        %dma_start3A_1337 = arith.constant 1 : i32
        %dma_start3A_1338 = arith.constant 128 : i32
        %dma_start3A_1339 = arith.constant 0 : i32
        %dma_start3A_1340 = tpu.memref_slice %arg16[%dma_start3A_1338, %dma_start3A_1339] : memref<256x16xf32, #tpu.memory_space<vmem>> -> memref<128x16xf32, #tpu.memory_space<vmem>>
        %dma_start3A_1341 = arith.constant 0 : i32
        %dma_start3A_1342 = tpu.memref_slice %arg12[%dma_start3A_1337, %dma_start3A_1341] : memref<2x128xi32, #tpu.memory_space<vmem>> -> memref<1x128xi32, #tpu.memory_space<vmem>>
        %dma_start3A_1343 = tpu.memref_squeeze %dma_start3A_1342 : memref<1x128xi32, #tpu.memory_space<vmem>> -> memref<128xi32, #tpu.memory_space<vmem>>
        %dma_start3A_1344 = arith.constant 0 : i32
        %dma_start3A_1345 = arith.constant 0 : i32
        %dma_start3A_1346 = tpu.memref_slice %arg5[%dma_start3A_1344, %dma_start3A_1345] : memref<2000000x16xf32, #tpu.memory_space<hbm>> -> memref<2000000x16xf32, #tpu.memory_space<hbm>>
        tpu.enqueue_indirect_dma source(%dma_start3A_1346 : memref<2000000x16xf32, #tpu.memory_space<hbm>>) target(%dma_start3A_1340 : memref<128x16xf32, #tpu.memory_space<vmem>>) offsets(%dma_start3A_1343 : memref<128xi32, #tpu.memory_space<vmem>>) semaphore(%arg23 : memref<!tpu.dma_semaphore, #tpu.memory_space<semaphore_mem>>)
      } else {
      }
      %add3A_846 = arith.constant 1 : i32
      %add3A_847 = arith.addi %add3A_665, %add3A_846 : i32
      %dma_wait3A_848 = arith.constant 0 : i32
      %dma_wait3A_849 = arith.constant 0 : i32
      %dma_wait3A_850 = tpu.memref_slice %arg4[%dma_wait3A_848, %dma_wait3A_849] : memref<2000000x16xf32, #tpu.memory_space<hbm>> -> memref<256x16xf32, #tpu.memory_space<hbm>>
      %dma_wait3A_851 = arith.constant 0 : i32
      %dma_wait3A_852 = arith.constant 0 : i32
      %dma_wait3A_853 = tpu.memref_slice %arg4[%dma_wait3A_851, %dma_wait3A_852] : memref<2000000x16xf32, #tpu.memory_space<hbm>> -> memref<256x16xf32, #tpu.memory_space<hbm>>
      tpu.wait_dma2 semaphore(%arg22 : memref<!tpu.dma_semaphore, #tpu.memory_space<semaphore_mem>>) src(%dma_wait3A_853 : memref<256x16xf32, #tpu.memory_space<hbm>>) dst(%arg15 : memref<256x16xf32, #tpu.memory_space<vmem>>)
      %dma_wait3A_854 = arith.constant 0 : i32
      %dma_wait3A_855 = arith.constant 0 : i32
      %dma_wait3A_856 = tpu.memref_slice %arg5[%dma_wait3A_854, %dma_wait3A_855] : memref<2000000x16xf32, #tpu.memory_space<hbm>> -> memref<256x16xf32, #tpu.memory_space<hbm>>
      %dma_wait3A_857 = arith.constant 0 : i32
      %dma_wait3A_858 = arith.constant 0 : i32
      %dma_wait3A_859 = tpu.memref_slice %arg5[%dma_wait3A_857, %dma_wait3A_858] : memref<2000000x16xf32, #tpu.memory_space<hbm>> -> memref<256x16xf32, #tpu.memory_space<hbm>>
      tpu.wait_dma2 semaphore(%arg24 : memref<!tpu.dma_semaphore, #tpu.memory_space<semaphore_mem>>) src(%dma_wait3A_859 : memref<256x16xf32, #tpu.memory_space<hbm>>) dst(%arg17 : memref<256x16xf32, #tpu.memory_space<vmem>>)
      %swap3A_860 = arith.constant 0 : index
      %swap3A_861 = tpu.vector_load %arg19[%swap3A_860] {strides = array<i32>} : memref<128xf32, #tpu.memory_space<vmem>>, vector<16xf32>,
      tpu.vector_store %arg19[%swap3A_860], %get3A_3 {strides = array<i32>} : memref<128xf32, #tpu.memory_space<vmem>>, vector<16xf32>,
      %swap3A_862 = arith.constant 16 : index
      %swap3A_863 = tpu.vector_load %arg19[%swap3A_862] {strides = array<i32>} : memref<128xf32, #tpu.memory_space<vmem>>, vector<16xf32>,
      tpu.vector_store %arg19[%swap3A_862], %get3A_3 {strides = array<i32>} : memref<128xf32, #tpu.memory_space<vmem>>, vector<16xf32>,
      %swap3A_864 = arith.constant 32 : index
      %swap3A_865 = tpu.vector_load %arg19[%swap3A_864] {strides = array<i32>} : memref<128xf32, #tpu.memory_space<vmem>>, vector<16xf32>,
      tpu.vector_store %arg19[%swap3A_864], %get3A_3 {strides = array<i32>} : memref<128xf32, #tpu.memory_space<vmem>>, vector<16xf32>,
      %swap3A_866 = arith.constant 48 : index
      %swap3A_867 = tpu.vector_load %arg19[%swap3A_866] {strides = array<i32>} : memref<128xf32, #tpu.memory_space<vmem>>, vector<16xf32>,
      tpu.vector_store %arg19[%swap3A_866], %get3A_3 {strides = array<i32>} : memref<128xf32, #tpu.memory_space<vmem>>, vector<16xf32>,
      %swap3A_868 = arith.constant 64 : index
      %swap3A_869 = tpu.vector_load %arg19[%swap3A_868] {strides = array<i32>} : memref<128xf32, #tpu.memory_space<vmem>>, vector<16xf32>,
      tpu.vector_store %arg19[%swap3A_868], %get3A_3 {strides = array<i32>} : memref<128xf32, #tpu.memory_space<vmem>>, vector<16xf32>,
      %swap3A_870 = arith.constant 80 : index
      %swap3A_871 = tpu.vector_load %arg19[%swap3A_870] {strides = array<i32>} : memref<128xf32, #tpu.memory_space<vmem>>, vector<16xf32>,
      tpu.vector_store %arg19[%swap3A_870], %get3A_3 {strides = array<i32>} : memref<128xf32, #tpu.memory_space<vmem>>, vector<16xf32>,
      %swap3A_872 = arith.constant 96 : index
      %swap3A_873 = tpu.vector_load %arg19[%swap3A_872] {strides = array<i32>} : memref<128xf32, #tpu.memory_space<vmem>>, vector<16xf32>,
      tpu.vector_store %arg19[%swap3A_872], %get3A_3 {strides = array<i32>} : memref<128xf32, #tpu.memory_space<vmem>>, vector<16xf32>,
      %swap3A_874 = arith.constant 112 : index
      %swap3A_875 = tpu.vector_load %arg19[%swap3A_874] {strides = array<i32>} : memref<128xf32, #tpu.memory_space<vmem>>, vector<16xf32>,
      tpu.vector_store %arg19[%swap3A_874], %get3A_3 {strides = array<i32>} : memref<128xf32, #tpu.memory_space<vmem>>, vector<16xf32>,
      %scan3A_876 = arith.constant 0 : i32
      %scan3A_877 = arith.constant 0 : i32
      %scan3A_878 = arith.constant 16 : i32
      %scan3A_879 = arith.addi %scan3A_877, %scan3A_878 : i32
      %scan3A_880 = arith.constant 1 : i32
      scf.for %scan3A_1033 = %scan3A_877 to %scan3A_879 step %scan3A_880  : i32 {
        %get3A_1034 = arith.index_cast %scan3A_1033 : i32 to index
        %get3A_1035 = arith.constant 0 : index
        %get3A_1036 = tpu.vector_load %arg18[%get3A_1034, %get3A_1035] {strides = array<i32>} : memref<65x16xf32, #tpu.memory_space<vmem>>, vector<16xf32>,
        %add3A_1037 = arith.constant 16 : i32
        %add3A_1038 = arith.addi %add3A_1037, %scan3A_1033 : i32
        %get3A_1039 = arith.index_cast %add3A_1038 : i32 to index
        %get3A_1040 = arith.constant 0 : index
        %get3A_1041 = tpu.vector_load %arg18[%get3A_1039, %get3A_1040] {strides = array<i32>} : memref<65x16xf32, #tpu.memory_space<vmem>>, vector<16xf32>,
        %add3A_1042 = arith.constant 32 : i32
        %add3A_1043 = arith.addi %add3A_1042, %scan3A_1033 : i32
        %get3A_1044 = arith.index_cast %add3A_1043 : i32 to index
        %get3A_1045 = arith.constant 0 : index
        %get3A_1046 = tpu.vector_load %arg18[%get3A_1044, %get3A_1045] {strides = array<i32>} : memref<65x16xf32, #tpu.memory_space<vmem>>, vector<16xf32>,
        %add3A_1047 = arith.constant 48 : i32
        %add3A_1048 = arith.addi %add3A_1047, %scan3A_1033 : i32
        %get3A_1049 = arith.index_cast %add3A_1048 : i32 to index
        %get3A_1050 = arith.constant 0 : index
        %get3A_1051 = tpu.vector_load %arg18[%get3A_1049, %get3A_1050] {strides = array<i32>} : memref<65x16xf32, #tpu.memory_space<vmem>>, vector<16xf32>,
        %broadcast_in_dim3A = arith.constant 0 : i32
        %broadcast_in_dim3A_1052 = vector.broadcast %broadcast_in_dim3A : i32 to vector<16xi32>
        %add3A_1053 = vector.broadcast %scan3A_1033 : i32 to vector<16xi32>
        %add3A_1054 = arith.addi %broadcast_in_dim3A_1052, %add3A_1053 : vector<16xi32>
        %add3A_1055 = arith.constant 0 : i32
        %add3A_1056 = vector.broadcast %add3A_1055 : i32 to vector<16xi32>
        %add3A_1057 = arith.addi %add3A_1056, %iota3A : vector<16xi32>
        %add3A_1058 = arith.constant 128 : i32
        %add3A_1059 = vector.broadcast %add3A_1058 : i32 to vector<16xi32>
        %add3A_1060 = arith.addi %add3A_1059, %iota3A : vector<16xi32>
        %gather3A = tpu.vector_load_idx %arg15[%add3A_1057, %add3A_1054] : memref<256x16xf32, #tpu.memory_space<vmem>>[vector<16xi32>, vector<16xi32>], vector<16xf32>,
        %gather3A_1061 = tpu.vector_load_idx %arg15[%add3A_1060, %add3A_1054] : memref<256x16xf32, #tpu.memory_space<vmem>>[vector<16xi32>, vector<16xi32>], vector<16xf32>,
        %gather3A_1062 = tpu.vector_load_idx %arg17[%add3A_1057, %add3A_1054] : memref<256x16xf32, #tpu.memory_space<vmem>>[vector<16xi32>, vector<16xi32>], vector<16xf32>,
        %gather3A_1063 = tpu.vector_load_idx %arg17[%add3A_1060, %add3A_1054] : memref<256x16xf32, #tpu.memory_space<vmem>>[vector<16xi32>, vector<16xi32>], vector<16xf32>,
        %get3A_1064 = arith.constant 0 : index
        %get3A_1065 = tpu.vector_load %arg19[%get3A_1064] {strides = array<i32>} : memref<128xf32, #tpu.memory_space<vmem>>, vector<16xf32>,
        %mul3A_1066 = arith.mulf %gather3A, %get3A_1036 : vector<16xf32>
        %add3A_1067 = arith.addf %get3A_1065, %mul3A_1066 : vector<16xf32>
        %mul3A_1068 = arith.mulf %gather3A_1061, %get3A_1041 : vector<16xf32>
        %add3A_1069 = arith.addf %add3A_1067, %mul3A_1068 : vector<16xf32>
        %mul3A_1070 = arith.mulf %gather3A_1062, %get3A_1046 : vector<16xf32>
        %add3A_1071 = arith.addf %add3A_1069, %mul3A_1070 : vector<16xf32>
        %mul3A_1072 = arith.mulf %gather3A_1063, %get3A_1051 : vector<16xf32>
        %add3A_1073 = arith.addf %add3A_1071, %mul3A_1072 : vector<16xf32>
        %swap3A_1074 = arith.constant 0 : index
        %swap3A_1075 = tpu.vector_load %arg19[%swap3A_1074] {strides = array<i32>} : memref<128xf32, #tpu.memory_space<vmem>>, vector<16xf32>,
        tpu.vector_store %arg19[%swap3A_1074], %add3A_1073 {strides = array<i32>} : memref<128xf32, #tpu.memory_space<vmem>>, vector<16xf32>,
        %add3A_1076 = arith.constant 16 : i32
        %add3A_1077 = vector.broadcast %add3A_1076 : i32 to vector<16xi32>
        %add3A_1078 = arith.addi %add3A_1077, %iota3A : vector<16xi32>
        %add3A_1079 = arith.constant 144 : i32
        %add3A_1080 = vector.broadcast %add3A_1079 : i32 to vector<16xi32>
        %add3A_1081 = arith.addi %add3A_1080, %iota3A : vector<16xi32>
        %gather3A_1082 = tpu.vector_load_idx %arg15[%add3A_1078, %add3A_1054] : memref<256x16xf32, #tpu.memory_space<vmem>>[vector<16xi32>, vector<16xi32>], vector<16xf32>,
        %gather3A_1083 = tpu.vector_load_idx %arg15[%add3A_1081, %add3A_1054] : memref<256x16xf32, #tpu.memory_space<vmem>>[vector<16xi32>, vector<16xi32>], vector<16xf32>,
        %gather3A_1084 = tpu.vector_load_idx %arg17[%add3A_1078, %add3A_1054] : memref<256x16xf32, #tpu.memory_space<vmem>>[vector<16xi32>, vector<16xi32>], vector<16xf32>,
        %gather3A_1085 = tpu.vector_load_idx %arg17[%add3A_1081, %add3A_1054] : memref<256x16xf32, #tpu.memory_space<vmem>>[vector<16xi32>, vector<16xi32>], vector<16xf32>,
        %get3A_1086 = arith.constant 16 : index
        %get3A_1087 = tpu.vector_load %arg19[%get3A_1086] {strides = array<i32>} : memref<128xf32, #tpu.memory_space<vmem>>, vector<16xf32>,
        %mul3A_1088 = arith.mulf %gather3A_1082, %get3A_1036 : vector<16xf32>
        %add3A_1089 = arith.addf %get3A_1087, %mul3A_1088 : vector<16xf32>
        %mul3A_1090 = arith.mulf %gather3A_1083, %get3A_1041 : vector<16xf32>
        %add3A_1091 = arith.addf %add3A_1089, %mul3A_1090 : vector<16xf32>
        %mul3A_1092 = arith.mulf %gather3A_1084, %get3A_1046 : vector<16xf32>
        %add3A_1093 = arith.addf %add3A_1091, %mul3A_1092 : vector<16xf32>
        %mul3A_1094 = arith.mulf %gather3A_1085, %get3A_1051 : vector<16xf32>
        %add3A_1095 = arith.addf %add3A_1093, %mul3A_1094 : vector<16xf32>
        %swap3A_1096 = arith.constant 16 : index
        %swap3A_1097 = tpu.vector_load %arg19[%swap3A_1096] {strides = array<i32>} : memref<128xf32, #tpu.memory_space<vmem>>, vector<16xf32>,
        tpu.vector_store %arg19[%swap3A_1096], %add3A_1095 {strides = array<i32>} : memref<128xf32, #tpu.memory_space<vmem>>, vector<16xf32>,
        %add3A_1098 = arith.constant 32 : i32
        %add3A_1099 = vector.broadcast %add3A_1098 : i32 to vector<16xi32>
        %add3A_1100 = arith.addi %add3A_1099, %iota3A : vector<16xi32>
        %add3A_1101 = arith.constant 160 : i32
        %add3A_1102 = vector.broadcast %add3A_1101 : i32 to vector<16xi32>
        %add3A_1103 = arith.addi %add3A_1102, %iota3A : vector<16xi32>
        %gather3A_1104 = tpu.vector_load_idx %arg15[%add3A_1100, %add3A_1054] : memref<256x16xf32, #tpu.memory_space<vmem>>[vector<16xi32>, vector<16xi32>], vector<16xf32>,
        %gather3A_1105 = tpu.vector_load_idx %arg15[%add3A_1103, %add3A_1054] : memref<256x16xf32, #tpu.memory_space<vmem>>[vector<16xi32>, vector<16xi32>], vector<16xf32>,
        %gather3A_1106 = tpu.vector_load_idx %arg17[%add3A_1100, %add3A_1054] : memref<256x16xf32, #tpu.memory_space<vmem>>[vector<16xi32>, vector<16xi32>], vector<16xf32>,
        %gather3A_1107 = tpu.vector_load_idx %arg17[%add3A_1103, %add3A_1054] : memref<256x16xf32, #tpu.memory_space<vmem>>[vector<16xi32>, vector<16xi32>], vector<16xf32>,
        %get3A_1108 = arith.constant 32 : index
        %get3A_1109 = tpu.vector_load %arg19[%get3A_1108] {strides = array<i32>} : memref<128xf32, #tpu.memory_space<vmem>>, vector<16xf32>,
        %mul3A_1110 = arith.mulf %gather3A_1104, %get3A_1036 : vector<16xf32>
        %add3A_1111 = arith.addf %get3A_1109, %mul3A_1110 : vector<16xf32>
        %mul3A_1112 = arith.mulf %gather3A_1105, %get3A_1041 : vector<16xf32>
        %add3A_1113 = arith.addf %add3A_1111, %mul3A_1112 : vector<16xf32>
        %mul3A_1114 = arith.mulf %gather3A_1106, %get3A_1046 : vector<16xf32>
        %add3A_1115 = arith.addf %add3A_1113, %mul3A_1114 : vector<16xf32>
        %mul3A_1116 = arith.mulf %gather3A_1107, %get3A_1051 : vector<16xf32>
        %add3A_1117 = arith.addf %add3A_1115, %mul3A_1116 : vector<16xf32>
        %swap3A_1118 = arith.constant 32 : index
        %swap3A_1119 = tpu.vector_load %arg19[%swap3A_1118] {strides = array<i32>} : memref<128xf32, #tpu.memory_space<vmem>>, vector<16xf32>,
        tpu.vector_store %arg19[%swap3A_1118], %add3A_1117 {strides = array<i32>} : memref<128xf32, #tpu.memory_space<vmem>>, vector<16xf32>,
        %add3A_1120 = arith.constant 48 : i32
        %add3A_1121 = vector.broadcast %add3A_1120 : i32 to vector<16xi32>
        %add3A_1122 = arith.addi %add3A_1121, %iota3A : vector<16xi32>
        %add3A_1123 = arith.constant 176 : i32
        %add3A_1124 = vector.broadcast %add3A_1123 : i32 to vector<16xi32>
        %add3A_1125 = arith.addi %add3A_1124, %iota3A : vector<16xi32>
        %gather3A_1126 = tpu.vector_load_idx %arg15[%add3A_1122, %add3A_1054] : memref<256x16xf32, #tpu.memory_space<vmem>>[vector<16xi32>, vector<16xi32>], vector<16xf32>,
        %gather3A_1127 = tpu.vector_load_idx %arg15[%add3A_1125, %add3A_1054] : memref<256x16xf32, #tpu.memory_space<vmem>>[vector<16xi32>, vector<16xi32>], vector<16xf32>,
        %gather3A_1128 = tpu.vector_load_idx %arg17[%add3A_1122, %add3A_1054] : memref<256x16xf32, #tpu.memory_space<vmem>>[vector<16xi32>, vector<16xi32>], vector<16xf32>,
        %gather3A_1129 = tpu.vector_load_idx %arg17[%add3A_1125, %add3A_1054] : memref<256x16xf32, #tpu.memory_space<vmem>>[vector<16xi32>, vector<16xi32>], vector<16xf32>,
        %get3A_1130 = arith.constant 48 : index
        %get3A_1131 = tpu.vector_load %arg19[%get3A_1130] {strides = array<i32>} : memref<128xf32, #tpu.memory_space<vmem>>, vector<16xf32>,
        %mul3A_1132 = arith.mulf %gather3A_1126, %get3A_1036 : vector<16xf32>
        %add3A_1133 = arith.addf %get3A_1131, %mul3A_1132 : vector<16xf32>
        %mul3A_1134 = arith.mulf %gather3A_1127, %get3A_1041 : vector<16xf32>
        %add3A_1135 = arith.addf %add3A_1133, %mul3A_1134 : vector<16xf32>
        %mul3A_1136 = arith.mulf %gather3A_1128, %get3A_1046 : vector<16xf32>
        %add3A_1137 = arith.addf %add3A_1135, %mul3A_1136 : vector<16xf32>
        %mul3A_1138 = arith.mulf %gather3A_1129, %get3A_1051 : vector<16xf32>
        %add3A_1139 = arith.addf %add3A_1137, %mul3A_1138 : vector<16xf32>
        %swap3A_1140 = arith.constant 48 : index
        %swap3A_1141 = tpu.vector_load %arg19[%swap3A_1140] {strides = array<i32>} : memref<128xf32, #tpu.memory_space<vmem>>, vector<16xf32>,
        tpu.vector_store %arg19[%swap3A_1140], %add3A_1139 {strides = array<i32>} : memref<128xf32, #tpu.memory_space<vmem>>, vector<16xf32>,
        %add3A_1142 = arith.constant 64 : i32
        %add3A_1143 = vector.broadcast %add3A_1142 : i32 to vector<16xi32>
        %add3A_1144 = arith.addi %add3A_1143, %iota3A : vector<16xi32>
        %add3A_1145 = arith.constant 192 : i32
        %add3A_1146 = vector.broadcast %add3A_1145 : i32 to vector<16xi32>
        %add3A_1147 = arith.addi %add3A_1146, %iota3A : vector<16xi32>
        %gather3A_1148 = tpu.vector_load_idx %arg15[%add3A_1144, %add3A_1054] : memref<256x16xf32, #tpu.memory_space<vmem>>[vector<16xi32>, vector<16xi32>], vector<16xf32>,
        %gather3A_1149 = tpu.vector_load_idx %arg15[%add3A_1147, %add3A_1054] : memref<256x16xf32, #tpu.memory_space<vmem>>[vector<16xi32>, vector<16xi32>], vector<16xf32>,
        %gather3A_1150 = tpu.vector_load_idx %arg17[%add3A_1144, %add3A_1054] : memref<256x16xf32, #tpu.memory_space<vmem>>[vector<16xi32>, vector<16xi32>], vector<16xf32>,
        %gather3A_1151 = tpu.vector_load_idx %arg17[%add3A_1147, %add3A_1054] : memref<256x16xf32, #tpu.memory_space<vmem>>[vector<16xi32>, vector<16xi32>], vector<16xf32>,
        %get3A_1152 = arith.constant 64 : index
        %get3A_1153 = tpu.vector_load %arg19[%get3A_1152] {strides = array<i32>} : memref<128xf32, #tpu.memory_space<vmem>>, vector<16xf32>,
        %mul3A_1154 = arith.mulf %gather3A_1148, %get3A_1036 : vector<16xf32>
        %add3A_1155 = arith.addf %get3A_1153, %mul3A_1154 : vector<16xf32>
        %mul3A_1156 = arith.mulf %gather3A_1149, %get3A_1041 : vector<16xf32>
        %add3A_1157 = arith.addf %add3A_1155, %mul3A_1156 : vector<16xf32>
        %mul3A_1158 = arith.mulf %gather3A_1150, %get3A_1046 : vector<16xf32>
        %add3A_1159 = arith.addf %add3A_1157, %mul3A_1158 : vector<16xf32>
        %mul3A_1160 = arith.mulf %gather3A_1151, %get3A_1051 : vector<16xf32>
        %add3A_1161 = arith.addf %add3A_1159, %mul3A_1160 : vector<16xf32>
        %swap3A_1162 = arith.constant 64 : index
        %swap3A_1163 = tpu.vector_load %arg19[%swap3A_1162] {strides = array<i32>} : memref<128xf32, #tpu.memory_space<vmem>>, vector<16xf32>,
        tpu.vector_store %arg19[%swap3A_1162], %add3A_1161 {strides = array<i32>} : memref<128xf32, #tpu.memory_space<vmem>>, vector<16xf32>,
        %add3A_1164 = arith.constant 80 : i32
        %add3A_1165 = vector.broadcast %add3A_1164 : i32 to vector<16xi32>
        %add3A_1166 = arith.addi %add3A_1165, %iota3A : vector<16xi32>
        %add3A_1167 = arith.constant 208 : i32
        %add3A_1168 = vector.broadcast %add3A_1167 : i32 to vector<16xi32>
        %add3A_1169 = arith.addi %add3A_1168, %iota3A : vector<16xi32>
        %gather3A_1170 = tpu.vector_load_idx %arg15[%add3A_1166, %add3A_1054] : memref<256x16xf32, #tpu.memory_space<vmem>>[vector<16xi32>, vector<16xi32>], vector<16xf32>,
        %gather3A_1171 = tpu.vector_load_idx %arg15[%add3A_1169, %add3A_1054] : memref<256x16xf32, #tpu.memory_space<vmem>>[vector<16xi32>, vector<16xi32>], vector<16xf32>,
        %gather3A_1172 = tpu.vector_load_idx %arg17[%add3A_1166, %add3A_1054] : memref<256x16xf32, #tpu.memory_space<vmem>>[vector<16xi32>, vector<16xi32>], vector<16xf32>,
        %gather3A_1173 = tpu.vector_load_idx %arg17[%add3A_1169, %add3A_1054] : memref<256x16xf32, #tpu.memory_space<vmem>>[vector<16xi32>, vector<16xi32>], vector<16xf32>,
        %get3A_1174 = arith.constant 80 : index
        %get3A_1175 = tpu.vector_load %arg19[%get3A_1174] {strides = array<i32>} : memref<128xf32, #tpu.memory_space<vmem>>, vector<16xf32>,
        %mul3A_1176 = arith.mulf %gather3A_1170, %get3A_1036 : vector<16xf32>
        %add3A_1177 = arith.addf %get3A_1175, %mul3A_1176 : vector<16xf32>
        %mul3A_1178 = arith.mulf %gather3A_1171, %get3A_1041 : vector<16xf32>
        %add3A_1179 = arith.addf %add3A_1177, %mul3A_1178 : vector<16xf32>
        %mul3A_1180 = arith.mulf %gather3A_1172, %get3A_1046 : vector<16xf32>
        %add3A_1181 = arith.addf %add3A_1179, %mul3A_1180 : vector<16xf32>
        %mul3A_1182 = arith.mulf %gather3A_1173, %get3A_1051 : vector<16xf32>
        %add3A_1183 = arith.addf %add3A_1181, %mul3A_1182 : vector<16xf32>
        %swap3A_1184 = arith.constant 80 : index
        %swap3A_1185 = tpu.vector_load %arg19[%swap3A_1184] {strides = array<i32>} : memref<128xf32, #tpu.memory_space<vmem>>, vector<16xf32>,
        tpu.vector_store %arg19[%swap3A_1184], %add3A_1183 {strides = array<i32>} : memref<128xf32, #tpu.memory_space<vmem>>, vector<16xf32>,
        %add3A_1186 = arith.constant 96 : i32
        %add3A_1187 = vector.broadcast %add3A_1186 : i32 to vector<16xi32>
        %add3A_1188 = arith.addi %add3A_1187, %iota3A : vector<16xi32>
        %add3A_1189 = arith.constant 224 : i32
        %add3A_1190 = vector.broadcast %add3A_1189 : i32 to vector<16xi32>
        %add3A_1191 = arith.addi %add3A_1190, %iota3A : vector<16xi32>
        %gather3A_1192 = tpu.vector_load_idx %arg15[%add3A_1188, %add3A_1054] : memref<256x16xf32, #tpu.memory_space<vmem>>[vector<16xi32>, vector<16xi32>], vector<16xf32>,
        %gather3A_1193 = tpu.vector_load_idx %arg15[%add3A_1191, %add3A_1054] : memref<256x16xf32, #tpu.memory_space<vmem>>[vector<16xi32>, vector<16xi32>], vector<16xf32>,
        %gather3A_1194 = tpu.vector_load_idx %arg17[%add3A_1188, %add3A_1054] : memref<256x16xf32, #tpu.memory_space<vmem>>[vector<16xi32>, vector<16xi32>], vector<16xf32>,
        %gather3A_1195 = tpu.vector_load_idx %arg17[%add3A_1191, %add3A_1054] : memref<256x16xf32, #tpu.memory_space<vmem>>[vector<16xi32>, vector<16xi32>], vector<16xf32>,
        %get3A_1196 = arith.constant 96 : index
        %get3A_1197 = tpu.vector_load %arg19[%get3A_1196] {strides = array<i32>} : memref<128xf32, #tpu.memory_space<vmem>>, vector<16xf32>,
        %mul3A_1198 = arith.mulf %gather3A_1192, %get3A_1036 : vector<16xf32>
        %add3A_1199 = arith.addf %get3A_1197, %mul3A_1198 : vector<16xf32>
        %mul3A_1200 = arith.mulf %gather3A_1193, %get3A_1041 : vector<16xf32>
        %add3A_1201 = arith.addf %add3A_1199, %mul3A_1200 : vector<16xf32>
        %mul3A_1202 = arith.mulf %gather3A_1194, %get3A_1046 : vector<16xf32>
        %add3A_1203 = arith.addf %add3A_1201, %mul3A_1202 : vector<16xf32>
        %mul3A_1204 = arith.mulf %gather3A_1195, %get3A_1051 : vector<16xf32>
        %add3A_1205 = arith.addf %add3A_1203, %mul3A_1204 : vector<16xf32>
        %swap3A_1206 = arith.constant 96 : index
        %swap3A_1207 = tpu.vector_load %arg19[%swap3A_1206] {strides = array<i32>} : memref<128xf32, #tpu.memory_space<vmem>>, vector<16xf32>,
        tpu.vector_store %arg19[%swap3A_1206], %add3A_1205 {strides = array<i32>} : memref<128xf32, #tpu.memory_space<vmem>>, vector<16xf32>,
        %add3A_1208 = arith.constant 112 : i32
        %add3A_1209 = vector.broadcast %add3A_1208 : i32 to vector<16xi32>
        %add3A_1210 = arith.addi %add3A_1209, %iota3A : vector<16xi32>
        %add3A_1211 = arith.constant 240 : i32
        %add3A_1212 = vector.broadcast %add3A_1211 : i32 to vector<16xi32>
        %add3A_1213 = arith.addi %add3A_1212, %iota3A : vector<16xi32>
        %gather3A_1214 = tpu.vector_load_idx %arg15[%add3A_1210, %add3A_1054] : memref<256x16xf32, #tpu.memory_space<vmem>>[vector<16xi32>, vector<16xi32>], vector<16xf32>,
        %gather3A_1215 = tpu.vector_load_idx %arg15[%add3A_1213, %add3A_1054] : memref<256x16xf32, #tpu.memory_space<vmem>>[vector<16xi32>, vector<16xi32>], vector<16xf32>,
        %gather3A_1216 = tpu.vector_load_idx %arg17[%add3A_1210, %add3A_1054] : memref<256x16xf32, #tpu.memory_space<vmem>>[vector<16xi32>, vector<16xi32>], vector<16xf32>,
        %gather3A_1217 = tpu.vector_load_idx %arg17[%add3A_1213, %add3A_1054] : memref<256x16xf32, #tpu.memory_space<vmem>>[vector<16xi32>, vector<16xi32>], vector<16xf32>,
        %get3A_1218 = arith.constant 112 : index
        %get3A_1219 = tpu.vector_load %arg19[%get3A_1218] {strides = array<i32>} : memref<128xf32, #tpu.memory_space<vmem>>, vector<16xf32>,
        %mul3A_1220 = arith.mulf %gather3A_1214, %get3A_1036 : vector<16xf32>
        %add3A_1221 = arith.addf %get3A_1219, %mul3A_1220 : vector<16xf32>
        %mul3A_1222 = arith.mulf %gather3A_1215, %get3A_1041 : vector<16xf32>
        %add3A_1223 = arith.addf %add3A_1221, %mul3A_1222 : vector<16xf32>
        %mul3A_1224 = arith.mulf %gather3A_1216, %get3A_1046 : vector<16xf32>
        %add3A_1225 = arith.addf %add3A_1223, %mul3A_1224 : vector<16xf32>
        %mul3A_1226 = arith.mulf %gather3A_1217, %get3A_1051 : vector<16xf32>
        %add3A_1227 = arith.addf %add3A_1225, %mul3A_1226 : vector<16xf32>
        %swap3A_1228 = arith.constant 112 : index
        %swap3A_1229 = tpu.vector_load %arg19[%swap3A_1228] {strides = array<i32>} : memref<128xf32, #tpu.memory_space<vmem>>, vector<16xf32>,
        tpu.vector_store %arg19[%swap3A_1228], %add3A_1227 {strides = array<i32>} : memref<128xf32, #tpu.memory_space<vmem>>, vector<16xf32>,
      }
      %scan3A_881 = arith.constant 16 : i32
      %get3A_882 = arith.constant 0 : index
      %get3A_883 = tpu.vector_load %arg19[%get3A_882] {strides = array<i32>} : memref<128xf32, #tpu.memory_space<vmem>>, vector<16xf32>,
      %neg3A_884 = arith.constant 0.000000e+00 : f32
      %neg3A_885 = vector.broadcast %neg3A_884 : f32 to vector<16xf32>
      %neg3A_886 = arith.subf %neg3A_885, %get3A_883 : vector<16xf32>
      %exp3A_887 = math.exp %neg3A_886 : vector<16xf32>
      %add3A_888 = arith.constant 1.000000e+00 : f32
      %add3A_889 = vector.broadcast %add3A_888 : f32 to vector<16xf32>
      %add3A_890 = arith.addf %add3A_889, %exp3A_887 : vector<16xf32>
      %div3A_891 = arith.constant 1.000000e+00 : f32
      %div3A_892 = vector.broadcast %div3A_891 : f32 to vector<16xf32>
      %div3A_893 = arith.divf %div3A_892, %add3A_890 : vector<16xf32>
      %mul3A_894 = arith.constant 128 : i32
      %mul3A_895 = arith.muli %add3A_847, %mul3A_894 : i32
      %add3A_896 = arith.constant 0 : i32
      %add3A_897 = arith.addi %mul3A_895, %add3A_896 : i32
      %swap3A_898 = arith.index_cast %add3A_897 : i32 to index
      %swap3A_899 = tpu.vector_load %arg20[%swap3A_898] {strides = array<i32>} : memref<512xf32, #tpu.memory_space<vmem>>, vector<16xf32>,
      tpu.vector_store %arg20[%swap3A_898], %div3A_893 {strides = array<i32>} : memref<512xf32, #tpu.memory_space<vmem>>, vector<16xf32>,
      %get3A_900 = arith.constant 16 : index
      %get3A_901 = tpu.vector_load %arg19[%get3A_900] {strides = array<i32>} : memref<128xf32, #tpu.memory_space<vmem>>, vector<16xf32>,
      %neg3A_902 = arith.constant 0.000000e+00 : f32
      %neg3A_903 = vector.broadcast %neg3A_902 : f32 to vector<16xf32>
      %neg3A_904 = arith.subf %neg3A_903, %get3A_901 : vector<16xf32>
      %exp3A_905 = math.exp %neg3A_904 : vector<16xf32>
      %add3A_906 = arith.constant 1.000000e+00 : f32
      %add3A_907 = vector.broadcast %add3A_906 : f32 to vector<16xf32>
      %add3A_908 = arith.addf %add3A_907, %exp3A_905 : vector<16xf32>
      %div3A_909 = arith.constant 1.000000e+00 : f32
      %div3A_910 = vector.broadcast %div3A_909 : f32 to vector<16xf32>
      %div3A_911 = arith.divf %div3A_910, %add3A_908 : vector<16xf32>
      %mul3A_912 = arith.constant 128 : i32
      %mul3A_913 = arith.muli %add3A_847, %mul3A_912 : i32
      %add3A_914 = arith.constant 16 : i32
      %add3A_915 = arith.addi %mul3A_913, %add3A_914 : i32
      %swap3A_916 = arith.index_cast %add3A_915 : i32 to index
      %swap3A_917 = tpu.vector_load %arg20[%swap3A_916] {strides = array<i32>} : memref<512xf32, #tpu.memory_space<vmem>>, vector<16xf32>,
      tpu.vector_store %arg20[%swap3A_916], %div3A_911 {strides = array<i32>} : memref<512xf32, #tpu.memory_space<vmem>>, vector<16xf32>,
      %get3A_918 = arith.constant 32 : index
      %get3A_919 = tpu.vector_load %arg19[%get3A_918] {strides = array<i32>} : memref<128xf32, #tpu.memory_space<vmem>>, vector<16xf32>,
      %neg3A_920 = arith.constant 0.000000e+00 : f32
      %neg3A_921 = vector.broadcast %neg3A_920 : f32 to vector<16xf32>
      %neg3A_922 = arith.subf %neg3A_921, %get3A_919 : vector<16xf32>
      %exp3A_923 = math.exp %neg3A_922 : vector<16xf32>
      %add3A_924 = arith.constant 1.000000e+00 : f32
      %add3A_925 = vector.broadcast %add3A_924 : f32 to vector<16xf32>
      %add3A_926 = arith.addf %add3A_925, %exp3A_923 : vector<16xf32>
      %div3A_927 = arith.constant 1.000000e+00 : f32
      %div3A_928 = vector.broadcast %div3A_927 : f32 to vector<16xf32>
      %div3A_929 = arith.divf %div3A_928, %add3A_926 : vector<16xf32>
      %mul3A_930 = arith.constant 128 : i32
      %mul3A_931 = arith.muli %add3A_847, %mul3A_930 : i32
      %add3A_932 = arith.constant 32 : i32
      %add3A_933 = arith.addi %mul3A_931, %add3A_932 : i32
      %swap3A_934 = arith.index_cast %add3A_933 : i32 to index
      %swap3A_935 = tpu.vector_load %arg20[%swap3A_934] {strides = array<i32>} : memref<512xf32, #tpu.memory_space<vmem>>, vector<16xf32>,
      tpu.vector_store %arg20[%swap3A_934], %div3A_929 {strides = array<i32>} : memref<512xf32, #tpu.memory_space<vmem>>, vector<16xf32>,
      %get3A_936 = arith.constant 48 : index
      %get3A_937 = tpu.vector_load %arg19[%get3A_936] {strides = array<i32>} : memref<128xf32, #tpu.memory_space<vmem>>, vector<16xf32>,
      %neg3A_938 = arith.constant 0.000000e+00 : f32
      %neg3A_939 = vector.broadcast %neg3A_938 : f32 to vector<16xf32>
      %neg3A_940 = arith.subf %neg3A_939, %get3A_937 : vector<16xf32>
      %exp3A_941 = math.exp %neg3A_940 : vector<16xf32>
      %add3A_942 = arith.constant 1.000000e+00 : f32
      %add3A_943 = vector.broadcast %add3A_942 : f32 to vector<16xf32>
      %add3A_944 = arith.addf %add3A_943, %exp3A_941 : vector<16xf32>
      %div3A_945 = arith.constant 1.000000e+00 : f32
      %div3A_946 = vector.broadcast %div3A_945 : f32 to vector<16xf32>
      %div3A_947 = arith.divf %div3A_946, %add3A_944 : vector<16xf32>
      %mul3A_948 = arith.constant 128 : i32
      %mul3A_949 = arith.muli %add3A_847, %mul3A_948 : i32
      %add3A_950 = arith.constant 48 : i32
      %add3A_951 = arith.addi %mul3A_949, %add3A_950 : i32
      %swap3A_952 = arith.index_cast %add3A_951 : i32 to index
      %swap3A_953 = tpu.vector_load %arg20[%swap3A_952] {strides = array<i32>} : memref<512xf32, #tpu.memory_space<vmem>>, vector<16xf32>,
      tpu.vector_store %arg20[%swap3A_952], %div3A_947 {strides = array<i32>} : memref<512xf32, #tpu.memory_space<vmem>>, vector<16xf32>,
      %get3A_954 = arith.constant 64 : index
      %get3A_955 = tpu.vector_load %arg19[%get3A_954] {strides = array<i32>} : memref<128xf32, #tpu.memory_space<vmem>>, vector<16xf32>,
      %neg3A_956 = arith.constant 0.000000e+00 : f32
      %neg3A_957 = vector.broadcast %neg3A_956 : f32 to vector<16xf32>
      %neg3A_958 = arith.subf %neg3A_957, %get3A_955 : vector<16xf32>
      %exp3A_959 = math.exp %neg3A_958 : vector<16xf32>
      %add3A_960 = arith.constant 1.000000e+00 : f32
      %add3A_961 = vector.broadcast %add3A_960 : f32 to vector<16xf32>
      %add3A_962 = arith.addf %add3A_961, %exp3A_959 : vector<16xf32>
      %div3A_963 = arith.constant 1.000000e+00 : f32
      %div3A_964 = vector.broadcast %div3A_963 : f32 to vector<16xf32>
      %div3A_965 = arith.divf %div3A_964, %add3A_962 : vector<16xf32>
      %mul3A_966 = arith.constant 128 : i32
      %mul3A_967 = arith.muli %add3A_847, %mul3A_966 : i32
      %add3A_968 = arith.constant 64 : i32
      %add3A_969 = arith.addi %mul3A_967, %add3A_968 : i32
      %swap3A_970 = arith.index_cast %add3A_969 : i32 to index
      %swap3A_971 = tpu.vector_load %arg20[%swap3A_970] {strides = array<i32>} : memref<512xf32, #tpu.memory_space<vmem>>, vector<16xf32>,
      tpu.vector_store %arg20[%swap3A_970], %div3A_965 {strides = array<i32>} : memref<512xf32, #tpu.memory_space<vmem>>, vector<16xf32>,
      %get3A_972 = arith.constant 80 : index
      %get3A_973 = tpu.vector_load %arg19[%get3A_972] {strides = array<i32>} : memref<128xf32, #tpu.memory_space<vmem>>, vector<16xf32>,
      %neg3A_974 = arith.constant 0.000000e+00 : f32
      %neg3A_975 = vector.broadcast %neg3A_974 : f32 to vector<16xf32>
      %neg3A_976 = arith.subf %neg3A_975, %get3A_973 : vector<16xf32>
      %exp3A_977 = math.exp %neg3A_976 : vector<16xf32>
      %add3A_978 = arith.constant 1.000000e+00 : f32
      %add3A_979 = vector.broadcast %add3A_978 : f32 to vector<16xf32>
      %add3A_980 = arith.addf %add3A_979, %exp3A_977 : vector<16xf32>
      %div3A_981 = arith.constant 1.000000e+00 : f32
      %div3A_982 = vector.broadcast %div3A_981 : f32 to vector<16xf32>
      %div3A_983 = arith.divf %div3A_982, %add3A_980 : vector<16xf32>
      %mul3A_984 = arith.constant 128 : i32
      %mul3A_985 = arith.muli %add3A_847, %mul3A_984 : i32
      %add3A_986 = arith.constant 80 : i32
      %add3A_987 = arith.addi %mul3A_985, %add3A_986 : i32
      %swap3A_988 = arith.index_cast %add3A_987 : i32 to index
      %swap3A_989 = tpu.vector_load %arg20[%swap3A_988] {strides = array<i32>} : memref<512xf32, #tpu.memory_space<vmem>>, vector<16xf32>,
      tpu.vector_store %arg20[%swap3A_988], %div3A_983 {strides = array<i32>} : memref<512xf32, #tpu.memory_space<vmem>>, vector<16xf32>,
      %get3A_990 = arith.constant 96 : index
      %get3A_991 = tpu.vector_load %arg19[%get3A_990] {strides = array<i32>} : memref<128xf32, #tpu.memory_space<vmem>>, vector<16xf32>,
      %neg3A_992 = arith.constant 0.000000e+00 : f32
      %neg3A_993 = vector.broadcast %neg3A_992 : f32 to vector<16xf32>
      %neg3A_994 = arith.subf %neg3A_993, %get3A_991 : vector<16xf32>
      %exp3A_995 = math.exp %neg3A_994 : vector<16xf32>
      %add3A_996 = arith.constant 1.000000e+00 : f32
      %add3A_997 = vector.broadcast %add3A_996 : f32 to vector<16xf32>
      %add3A_998 = arith.addf %add3A_997, %exp3A_995 : vector<16xf32>
      %div3A_999 = arith.constant 1.000000e+00 : f32
      %div3A_1000 = vector.broadcast %div3A_999 : f32 to vector<16xf32>
      %div3A_1001 = arith.divf %div3A_1000, %add3A_998 : vector<16xf32>
      %mul3A_1002 = arith.constant 128 : i32
      %mul3A_1003 = arith.muli %add3A_847, %mul3A_1002 : i32
      %add3A_1004 = arith.constant 96 : i32
      %add3A_1005 = arith.addi %mul3A_1003, %add3A_1004 : i32
      %swap3A_1006 = arith.index_cast %add3A_1005 : i32 to index
      %swap3A_1007 = tpu.vector_load %arg20[%swap3A_1006] {strides = array<i32>} : memref<512xf32, #tpu.memory_space<vmem>>, vector<16xf32>,
      tpu.vector_store %arg20[%swap3A_1006], %div3A_1001 {strides = array<i32>} : memref<512xf32, #tpu.memory_space<vmem>>, vector<16xf32>,
      %get3A_1008 = arith.constant 112 : index
      %get3A_1009 = tpu.vector_load %arg19[%get3A_1008] {strides = array<i32>} : memref<128xf32, #tpu.memory_space<vmem>>, vector<16xf32>,
      %neg3A_1010 = arith.constant 0.000000e+00 : f32
      %neg3A_1011 = vector.broadcast %neg3A_1010 : f32 to vector<16xf32>
      %neg3A_1012 = arith.subf %neg3A_1011, %get3A_1009 : vector<16xf32>
      %exp3A_1013 = math.exp %neg3A_1012 : vector<16xf32>
      %add3A_1014 = arith.constant 1.000000e+00 : f32
      %add3A_1015 = vector.broadcast %add3A_1014 : f32 to vector<16xf32>
      %add3A_1016 = arith.addf %add3A_1015, %exp3A_1013 : vector<16xf32>
      %div3A_1017 = arith.constant 1.000000e+00 : f32
      %div3A_1018 = vector.broadcast %div3A_1017 : f32 to vector<16xf32>
      %div3A_1019 = arith.divf %div3A_1018, %add3A_1016 : vector<16xf32>
      %mul3A_1020 = arith.constant 128 : i32
      %mul3A_1021 = arith.muli %add3A_847, %mul3A_1020 : i32
      %add3A_1022 = arith.constant 112 : i32
      %add3A_1023 = arith.addi %mul3A_1021, %add3A_1022 : i32
      %swap3A_1024 = arith.index_cast %add3A_1023 : i32 to index
      %swap3A_1025 = tpu.vector_load %arg20[%swap3A_1024] {strides = array<i32>} : memref<512xf32, #tpu.memory_space<vmem>>, vector<16xf32>,
      tpu.vector_store %arg20[%swap3A_1024], %div3A_1019 {strides = array<i32>} : memref<512xf32, #tpu.memory_space<vmem>>, vector<16xf32>,
      %add3A_1026 = arith.constant 2 : i32
      %add3A_1027 = arith.addi %add3A_847, %add3A_1026 : i32
      %lt3A_1028 = arith.constant 4 : i32
      %lt3A_1029 = arith.cmpi slt, %add3A_1027, %lt3A_1028 : i32
      %convert_element_type3A_1030 = arith.extui %lt3A_1029 : i1 to i32
      %cond3A_1031 = arith.constant 0 : i32
      %cond3A_1032 = arith.cmpi ne, %convert_element_type3A_1030, %cond3A_1031 : i32
      scf.if %cond3A_1032 {
        %add3A_1033 = arith.constant 2 : i32
        %add3A_1034 = arith.addi %add3A_847, %add3A_1033 : i32
        %get3A_1035 = arith.index_cast %add3A_1034 : i32 to index
        %get3A_1036 = arith.constant 0 : index
        %get3A_1037 = tpu.vector_load %arg8[%get3A_1035, %get3A_1036] {strides = array<i32>} : memref<4x128xi32, #tpu.memory_space<vmem>>, vector<16xi32>,
        %shift_left3A_1038 = arith.constant 1 : i32
        %shift_left3A_1039 = vector.broadcast %shift_left3A_1038 : i32 to vector<16xi32>
        %shift_left3A_1040 = arith.shli %get3A_1037, %shift_left3A_1039 : vector<16xi32>
        %swap3A_1041 = arith.constant 0 : i32
        %swap3A_1042 = arith.index_cast %swap3A_1041 : i32 to index
        %swap3A_1043 = arith.constant 0 : index
        %swap3A_1044 = tpu.vector_load %arg11[%swap3A_1042, %swap3A_1043] {strides = array<i32>} : memref<2x128xi32, #tpu.memory_space<vmem>>, vector<16xi32>,
        tpu.vector_store %arg11[%swap3A_1042, %swap3A_1043], %shift_left3A_1040 {strides = array<i32>} : memref<2x128xi32, #tpu.memory_space<vmem>>, vector<16xi32>,
        %add3A_1045 = arith.constant 1 : i32
        %add3A_1046 = vector.broadcast %add3A_1045 : i32 to vector<16xi32>
        %add3A_1047 = arith.addi %shift_left3A_1040, %add3A_1046 : vector<16xi32>
        %swap3A_1048 = arith.constant 1 : i32
        %swap3A_1049 = arith.index_cast %swap3A_1048 : i32 to index
        %swap3A_1050 = arith.constant 0 : index
        %swap3A_1051 = tpu.vector_load %arg11[%swap3A_1049, %swap3A_1050] {strides = array<i32>} : memref<2x128xi32, #tpu.memory_space<vmem>>, vector<16xi32>,
        tpu.vector_store %arg11[%swap3A_1049, %swap3A_1050], %add3A_1047 {strides = array<i32>} : memref<2x128xi32, #tpu.memory_space<vmem>>, vector<16xi32>,
        %get3A_1052 = arith.index_cast %add3A_1034 : i32 to index
        %get3A_1053 = arith.constant 0 : index
        %get3A_1054 = tpu.vector_load %arg9[%get3A_1052, %get3A_1053] {strides = array<i32>} : memref<4x128xi32, #tpu.memory_space<vmem>>, vector<16xi32>,
        %shift_left3A_1055 = arith.constant 1 : i32
        %shift_left3A_1056 = vector.broadcast %shift_left3A_1055 : i32 to vector<16xi32>
        %shift_left3A_1057 = arith.shli %get3A_1054, %shift_left3A_1056 : vector<16xi32>
        %swap3A_1058 = arith.constant 0 : i32
        %swap3A_1059 = arith.index_cast %swap3A_1058 : i32 to index
        %swap3A_1060 = arith.constant 0 : index
        %swap3A_1061 = tpu.vector_load %arg13[%swap3A_1059, %swap3A_1060] {strides = array<i32>} : memref<2x128xi32, #tpu.memory_space<vmem>>, vector<16xi32>,
        tpu.vector_store %arg13[%swap3A_1059, %swap3A_1060], %shift_left3A_1057 {strides = array<i32>} : memref<2x128xi32, #tpu.memory_space<vmem>>, vector<16xi32>,
        %add3A_1062 = arith.constant 1 : i32
        %add3A_1063 = vector.broadcast %add3A_1062 : i32 to vector<16xi32>
        %add3A_1064 = arith.addi %shift_left3A_1057, %add3A_1063 : vector<16xi32>
        %swap3A_1065 = arith.constant 1 : i32
        %swap3A_1066 = arith.index_cast %swap3A_1065 : i32 to index
        %swap3A_1067 = arith.constant 0 : index
        %swap3A_1068 = tpu.vector_load %arg13[%swap3A_1066, %swap3A_1067] {strides = array<i32>} : memref<2x128xi32, #tpu.memory_space<vmem>>, vector<16xi32>,
        tpu.vector_store %arg13[%swap3A_1066, %swap3A_1067], %add3A_1064 {strides = array<i32>} : memref<2x128xi32, #tpu.memory_space<vmem>>, vector<16xi32>,
        %get3A_1069 = arith.index_cast %add3A_1034 : i32 to index
        %get3A_1070 = arith.constant 16 : index
        %get3A_1071 = tpu.vector_load %arg8[%get3A_1069, %get3A_1070] {strides = array<i32>} : memref<4x128xi32, #tpu.memory_space<vmem>>, vector<16xi32>,
        %shift_left3A_1072 = arith.constant 1 : i32
        %shift_left3A_1073 = vector.broadcast %shift_left3A_1072 : i32 to vector<16xi32>
        %shift_left3A_1074 = arith.shli %get3A_1071, %shift_left3A_1073 : vector<16xi32>
        %swap3A_1075 = arith.constant 0 : i32
        %swap3A_1076 = arith.index_cast %swap3A_1075 : i32 to index
        %swap3A_1077 = arith.constant 16 : index
        %swap3A_1078 = tpu.vector_load %arg11[%swap3A_1076, %swap3A_1077] {strides = array<i32>} : memref<2x128xi32, #tpu.memory_space<vmem>>, vector<16xi32>,
        tpu.vector_store %arg11[%swap3A_1076, %swap3A_1077], %shift_left3A_1074 {strides = array<i32>} : memref<2x128xi32, #tpu.memory_space<vmem>>, vector<16xi32>,
        %add3A_1079 = arith.constant 1 : i32
        %add3A_1080 = vector.broadcast %add3A_1079 : i32 to vector<16xi32>
        %add3A_1081 = arith.addi %shift_left3A_1074, %add3A_1080 : vector<16xi32>
        %swap3A_1082 = arith.constant 1 : i32
        %swap3A_1083 = arith.index_cast %swap3A_1082 : i32 to index
        %swap3A_1084 = arith.constant 16 : index
        %swap3A_1085 = tpu.vector_load %arg11[%swap3A_1083, %swap3A_1084] {strides = array<i32>} : memref<2x128xi32, #tpu.memory_space<vmem>>, vector<16xi32>,
        tpu.vector_store %arg11[%swap3A_1083, %swap3A_1084], %add3A_1081 {strides = array<i32>} : memref<2x128xi32, #tpu.memory_space<vmem>>, vector<16xi32>,
        %get3A_1086 = arith.index_cast %add3A_1034 : i32 to index
        %get3A_1087 = arith.constant 16 : index
        %get3A_1088 = tpu.vector_load %arg9[%get3A_1086, %get3A_1087] {strides = array<i32>} : memref<4x128xi32, #tpu.memory_space<vmem>>, vector<16xi32>,
        %shift_left3A_1089 = arith.constant 1 : i32
        %shift_left3A_1090 = vector.broadcast %shift_left3A_1089 : i32 to vector<16xi32>
        %shift_left3A_1091 = arith.shli %get3A_1088, %shift_left3A_1090 : vector<16xi32>
        %swap3A_1092 = arith.constant 0 : i32
        %swap3A_1093 = arith.index_cast %swap3A_1092 : i32 to index
        %swap3A_1094 = arith.constant 16 : index
        %swap3A_1095 = tpu.vector_load %arg13[%swap3A_1093, %swap3A_1094] {strides = array<i32>} : memref<2x128xi32, #tpu.memory_space<vmem>>, vector<16xi32>,
        tpu.vector_store %arg13[%swap3A_1093, %swap3A_1094], %shift_left3A_1091 {strides = array<i32>} : memref<2x128xi32, #tpu.memory_space<vmem>>, vector<16xi32>,
        %add3A_1096 = arith.constant 1 : i32
        %add3A_1097 = vector.broadcast %add3A_1096 : i32 to vector<16xi32>
        %add3A_1098 = arith.addi %shift_left3A_1091, %add3A_1097 : vector<16xi32>
        %swap3A_1099 = arith.constant 1 : i32
        %swap3A_1100 = arith.index_cast %swap3A_1099 : i32 to index
        %swap3A_1101 = arith.constant 16 : index
        %swap3A_1102 = tpu.vector_load %arg13[%swap3A_1100, %swap3A_1101] {strides = array<i32>} : memref<2x128xi32, #tpu.memory_space<vmem>>, vector<16xi32>,
        tpu.vector_store %arg13[%swap3A_1100, %swap3A_1101], %add3A_1098 {strides = array<i32>} : memref<2x128xi32, #tpu.memory_space<vmem>>, vector<16xi32>,
        %get3A_1103 = arith.index_cast %add3A_1034 : i32 to index
        %get3A_1104 = arith.constant 32 : index
        %get3A_1105 = tpu.vector_load %arg8[%get3A_1103, %get3A_1104] {strides = array<i32>} : memref<4x128xi32, #tpu.memory_space<vmem>>, vector<16xi32>,
        %shift_left3A_1106 = arith.constant 1 : i32
        %shift_left3A_1107 = vector.broadcast %shift_left3A_1106 : i32 to vector<16xi32>
        %shift_left3A_1108 = arith.shli %get3A_1105, %shift_left3A_1107 : vector<16xi32>
        %swap3A_1109 = arith.constant 0 : i32
        %swap3A_1110 = arith.index_cast %swap3A_1109 : i32 to index
        %swap3A_1111 = arith.constant 32 : index
        %swap3A_1112 = tpu.vector_load %arg11[%swap3A_1110, %swap3A_1111] {strides = array<i32>} : memref<2x128xi32, #tpu.memory_space<vmem>>, vector<16xi32>,
        tpu.vector_store %arg11[%swap3A_1110, %swap3A_1111], %shift_left3A_1108 {strides = array<i32>} : memref<2x128xi32, #tpu.memory_space<vmem>>, vector<16xi32>,
        %add3A_1113 = arith.constant 1 : i32
        %add3A_1114 = vector.broadcast %add3A_1113 : i32 to vector<16xi32>
        %add3A_1115 = arith.addi %shift_left3A_1108, %add3A_1114 : vector<16xi32>
        %swap3A_1116 = arith.constant 1 : i32
        %swap3A_1117 = arith.index_cast %swap3A_1116 : i32 to index
        %swap3A_1118 = arith.constant 32 : index
        %swap3A_1119 = tpu.vector_load %arg11[%swap3A_1117, %swap3A_1118] {strides = array<i32>} : memref<2x128xi32, #tpu.memory_space<vmem>>, vector<16xi32>,
        tpu.vector_store %arg11[%swap3A_1117, %swap3A_1118], %add3A_1115 {strides = array<i32>} : memref<2x128xi32, #tpu.memory_space<vmem>>, vector<16xi32>,
        %get3A_1120 = arith.index_cast %add3A_1034 : i32 to index
        %get3A_1121 = arith.constant 32 : index
        %get3A_1122 = tpu.vector_load %arg9[%get3A_1120, %get3A_1121] {strides = array<i32>} : memref<4x128xi32, #tpu.memory_space<vmem>>, vector<16xi32>,
        %shift_left3A_1123 = arith.constant 1 : i32
        %shift_left3A_1124 = vector.broadcast %shift_left3A_1123 : i32 to vector<16xi32>
        %shift_left3A_1125 = arith.shli %get3A_1122, %shift_left3A_1124 : vector<16xi32>
        %swap3A_1126 = arith.constant 0 : i32
        %swap3A_1127 = arith.index_cast %swap3A_1126 : i32 to index
        %swap3A_1128 = arith.constant 32 : index
        %swap3A_1129 = tpu.vector_load %arg13[%swap3A_1127, %swap3A_1128] {strides = array<i32>} : memref<2x128xi32, #tpu.memory_space<vmem>>, vector<16xi32>,
        tpu.vector_store %arg13[%swap3A_1127, %swap3A_1128], %shift_left3A_1125 {strides = array<i32>} : memref<2x128xi32, #tpu.memory_space<vmem>>, vector<16xi32>,
        %add3A_1130 = arith.constant 1 : i32
        %add3A_1131 = vector.broadcast %add3A_1130 : i32 to vector<16xi32>
        %add3A_1132 = arith.addi %shift_left3A_1125, %add3A_1131 : vector<16xi32>
        %swap3A_1133 = arith.constant 1 : i32
        %swap3A_1134 = arith.index_cast %swap3A_1133 : i32 to index
        %swap3A_1135 = arith.constant 32 : index
        %swap3A_1136 = tpu.vector_load %arg13[%swap3A_1134, %swap3A_1135] {strides = array<i32>} : memref<2x128xi32, #tpu.memory_space<vmem>>, vector<16xi32>,
        tpu.vector_store %arg13[%swap3A_1134, %swap3A_1135], %add3A_1132 {strides = array<i32>} : memref<2x128xi32, #tpu.memory_space<vmem>>, vector<16xi32>,
        %get3A_1137 = arith.index_cast %add3A_1034 : i32 to index
        %get3A_1138 = arith.constant 48 : index
        %get3A_1139 = tpu.vector_load %arg8[%get3A_1137, %get3A_1138] {strides = array<i32>} : memref<4x128xi32, #tpu.memory_space<vmem>>, vector<16xi32>,
        %shift_left3A_1140 = arith.constant 1 : i32
        %shift_left3A_1141 = vector.broadcast %shift_left3A_1140 : i32 to vector<16xi32>
        %shift_left3A_1142 = arith.shli %get3A_1139, %shift_left3A_1141 : vector<16xi32>
        %swap3A_1143 = arith.constant 0 : i32
        %swap3A_1144 = arith.index_cast %swap3A_1143 : i32 to index
        %swap3A_1145 = arith.constant 48 : index
        %swap3A_1146 = tpu.vector_load %arg11[%swap3A_1144, %swap3A_1145] {strides = array<i32>} : memref<2x128xi32, #tpu.memory_space<vmem>>, vector<16xi32>,
        tpu.vector_store %arg11[%swap3A_1144, %swap3A_1145], %shift_left3A_1142 {strides = array<i32>} : memref<2x128xi32, #tpu.memory_space<vmem>>, vector<16xi32>,
        %add3A_1147 = arith.constant 1 : i32
        %add3A_1148 = vector.broadcast %add3A_1147 : i32 to vector<16xi32>
        %add3A_1149 = arith.addi %shift_left3A_1142, %add3A_1148 : vector<16xi32>
        %swap3A_1150 = arith.constant 1 : i32
        %swap3A_1151 = arith.index_cast %swap3A_1150 : i32 to index
        %swap3A_1152 = arith.constant 48 : index
        %swap3A_1153 = tpu.vector_load %arg11[%swap3A_1151, %swap3A_1152] {strides = array<i32>} : memref<2x128xi32, #tpu.memory_space<vmem>>, vector<16xi32>,
        tpu.vector_store %arg11[%swap3A_1151, %swap3A_1152], %add3A_1149 {strides = array<i32>} : memref<2x128xi32, #tpu.memory_space<vmem>>, vector<16xi32>,
        %get3A_1154 = arith.index_cast %add3A_1034 : i32 to index
        %get3A_1155 = arith.constant 48 : index
        %get3A_1156 = tpu.vector_load %arg9[%get3A_1154, %get3A_1155] {strides = array<i32>} : memref<4x128xi32, #tpu.memory_space<vmem>>, vector<16xi32>,
        %shift_left3A_1157 = arith.constant 1 : i32
        %shift_left3A_1158 = vector.broadcast %shift_left3A_1157 : i32 to vector<16xi32>
        %shift_left3A_1159 = arith.shli %get3A_1156, %shift_left3A_1158 : vector<16xi32>
        %swap3A_1160 = arith.constant 0 : i32
        %swap3A_1161 = arith.index_cast %swap3A_1160 : i32 to index
        %swap3A_1162 = arith.constant 48 : index
        %swap3A_1163 = tpu.vector_load %arg13[%swap3A_1161, %swap3A_1162] {strides = array<i32>} : memref<2x128xi32, #tpu.memory_space<vmem>>, vector<16xi32>,
        tpu.vector_store %arg13[%swap3A_1161, %swap3A_1162], %shift_left3A_1159 {strides = array<i32>} : memref<2x128xi32, #tpu.memory_space<vmem>>, vector<16xi32>,
        %add3A_1164 = arith.constant 1 : i32
        %add3A_1165 = vector.broadcast %add3A_1164 : i32 to vector<16xi32>
        %add3A_1166 = arith.addi %shift_left3A_1159, %add3A_1165 : vector<16xi32>
        %swap3A_1167 = arith.constant 1 : i32
        %swap3A_1168 = arith.index_cast %swap3A_1167 : i32 to index
        %swap3A_1169 = arith.constant 48 : index
        %swap3A_1170 = tpu.vector_load %arg13[%swap3A_1168, %swap3A_1169] {strides = array<i32>} : memref<2x128xi32, #tpu.memory_space<vmem>>, vector<16xi32>,
        tpu.vector_store %arg13[%swap3A_1168, %swap3A_1169], %add3A_1166 {strides = array<i32>} : memref<2x128xi32, #tpu.memory_space<vmem>>, vector<16xi32>,
        %get3A_1171 = arith.index_cast %add3A_1034 : i32 to index
        %get3A_1172 = arith.constant 64 : index
        %get3A_1173 = tpu.vector_load %arg8[%get3A_1171, %get3A_1172] {strides = array<i32>} : memref<4x128xi32, #tpu.memory_space<vmem>>, vector<16xi32>,
        %shift_left3A_1174 = arith.constant 1 : i32
        %shift_left3A_1175 = vector.broadcast %shift_left3A_1174 : i32 to vector<16xi32>
        %shift_left3A_1176 = arith.shli %get3A_1173, %shift_left3A_1175 : vector<16xi32>
        %swap3A_1177 = arith.constant 0 : i32
        %swap3A_1178 = arith.index_cast %swap3A_1177 : i32 to index
        %swap3A_1179 = arith.constant 64 : index
        %swap3A_1180 = tpu.vector_load %arg11[%swap3A_1178, %swap3A_1179] {strides = array<i32>} : memref<2x128xi32, #tpu.memory_space<vmem>>, vector<16xi32>,
        tpu.vector_store %arg11[%swap3A_1178, %swap3A_1179], %shift_left3A_1176 {strides = array<i32>} : memref<2x128xi32, #tpu.memory_space<vmem>>, vector<16xi32>,
        %add3A_1181 = arith.constant 1 : i32
        %add3A_1182 = vector.broadcast %add3A_1181 : i32 to vector<16xi32>
        %add3A_1183 = arith.addi %shift_left3A_1176, %add3A_1182 : vector<16xi32>
        %swap3A_1184 = arith.constant 1 : i32
        %swap3A_1185 = arith.index_cast %swap3A_1184 : i32 to index
        %swap3A_1186 = arith.constant 64 : index
        %swap3A_1187 = tpu.vector_load %arg11[%swap3A_1185, %swap3A_1186] {strides = array<i32>} : memref<2x128xi32, #tpu.memory_space<vmem>>, vector<16xi32>,
        tpu.vector_store %arg11[%swap3A_1185, %swap3A_1186], %add3A_1183 {strides = array<i32>} : memref<2x128xi32, #tpu.memory_space<vmem>>, vector<16xi32>,
        %get3A_1188 = arith.index_cast %add3A_1034 : i32 to index
        %get3A_1189 = arith.constant 64 : index
        %get3A_1190 = tpu.vector_load %arg9[%get3A_1188, %get3A_1189] {strides = array<i32>} : memref<4x128xi32, #tpu.memory_space<vmem>>, vector<16xi32>,
        %shift_left3A_1191 = arith.constant 1 : i32
        %shift_left3A_1192 = vector.broadcast %shift_left3A_1191 : i32 to vector<16xi32>
        %shift_left3A_1193 = arith.shli %get3A_1190, %shift_left3A_1192 : vector<16xi32>
        %swap3A_1194 = arith.constant 0 : i32
        %swap3A_1195 = arith.index_cast %swap3A_1194 : i32 to index
        %swap3A_1196 = arith.constant 64 : index
        %swap3A_1197 = tpu.vector_load %arg13[%swap3A_1195, %swap3A_1196] {strides = array<i32>} : memref<2x128xi32, #tpu.memory_space<vmem>>, vector<16xi32>,
        tpu.vector_store %arg13[%swap3A_1195, %swap3A_1196], %shift_left3A_1193 {strides = array<i32>} : memref<2x128xi32, #tpu.memory_space<vmem>>, vector<16xi32>,
        %add3A_1198 = arith.constant 1 : i32
        %add3A_1199 = vector.broadcast %add3A_1198 : i32 to vector<16xi32>
        %add3A_1200 = arith.addi %shift_left3A_1193, %add3A_1199 : vector<16xi32>
        %swap3A_1201 = arith.constant 1 : i32
        %swap3A_1202 = arith.index_cast %swap3A_1201 : i32 to index
        %swap3A_1203 = arith.constant 64 : index
        %swap3A_1204 = tpu.vector_load %arg13[%swap3A_1202, %swap3A_1203] {strides = array<i32>} : memref<2x128xi32, #tpu.memory_space<vmem>>, vector<16xi32>,
        tpu.vector_store %arg13[%swap3A_1202, %swap3A_1203], %add3A_1200 {strides = array<i32>} : memref<2x128xi32, #tpu.memory_space<vmem>>, vector<16xi32>,
        %get3A_1205 = arith.index_cast %add3A_1034 : i32 to index
        %get3A_1206 = arith.constant 80 : index
        %get3A_1207 = tpu.vector_load %arg8[%get3A_1205, %get3A_1206] {strides = array<i32>} : memref<4x128xi32, #tpu.memory_space<vmem>>, vector<16xi32>,
        %shift_left3A_1208 = arith.constant 1 : i32
        %shift_left3A_1209 = vector.broadcast %shift_left3A_1208 : i32 to vector<16xi32>
        %shift_left3A_1210 = arith.shli %get3A_1207, %shift_left3A_1209 : vector<16xi32>
        %swap3A_1211 = arith.constant 0 : i32
        %swap3A_1212 = arith.index_cast %swap3A_1211 : i32 to index
        %swap3A_1213 = arith.constant 80 : index
        %swap3A_1214 = tpu.vector_load %arg11[%swap3A_1212, %swap3A_1213] {strides = array<i32>} : memref<2x128xi32, #tpu.memory_space<vmem>>, vector<16xi32>,
        tpu.vector_store %arg11[%swap3A_1212, %swap3A_1213], %shift_left3A_1210 {strides = array<i32>} : memref<2x128xi32, #tpu.memory_space<vmem>>, vector<16xi32>,
        %add3A_1215 = arith.constant 1 : i32
        %add3A_1216 = vector.broadcast %add3A_1215 : i32 to vector<16xi32>
        %add3A_1217 = arith.addi %shift_left3A_1210, %add3A_1216 : vector<16xi32>
        %swap3A_1218 = arith.constant 1 : i32
        %swap3A_1219 = arith.index_cast %swap3A_1218 : i32 to index
        %swap3A_1220 = arith.constant 80 : index
        %swap3A_1221 = tpu.vector_load %arg11[%swap3A_1219, %swap3A_1220] {strides = array<i32>} : memref<2x128xi32, #tpu.memory_space<vmem>>, vector<16xi32>,
        tpu.vector_store %arg11[%swap3A_1219, %swap3A_1220], %add3A_1217 {strides = array<i32>} : memref<2x128xi32, #tpu.memory_space<vmem>>, vector<16xi32>,
        %get3A_1222 = arith.index_cast %add3A_1034 : i32 to index
        %get3A_1223 = arith.constant 80 : index
        %get3A_1224 = tpu.vector_load %arg9[%get3A_1222, %get3A_1223] {strides = array<i32>} : memref<4x128xi32, #tpu.memory_space<vmem>>, vector<16xi32>,
        %shift_left3A_1225 = arith.constant 1 : i32
        %shift_left3A_1226 = vector.broadcast %shift_left3A_1225 : i32 to vector<16xi32>
        %shift_left3A_1227 = arith.shli %get3A_1224, %shift_left3A_1226 : vector<16xi32>
        %swap3A_1228 = arith.constant 0 : i32
        %swap3A_1229 = arith.index_cast %swap3A_1228 : i32 to index
        %swap3A_1230 = arith.constant 80 : index
        %swap3A_1231 = tpu.vector_load %arg13[%swap3A_1229, %swap3A_1230] {strides = array<i32>} : memref<2x128xi32, #tpu.memory_space<vmem>>, vector<16xi32>,
        tpu.vector_store %arg13[%swap3A_1229, %swap3A_1230], %shift_left3A_1227 {strides = array<i32>} : memref<2x128xi32, #tpu.memory_space<vmem>>, vector<16xi32>,
        %add3A_1232 = arith.constant 1 : i32
        %add3A_1233 = vector.broadcast %add3A_1232 : i32 to vector<16xi32>
        %add3A_1234 = arith.addi %shift_left3A_1227, %add3A_1233 : vector<16xi32>
        %swap3A_1235 = arith.constant 1 : i32
        %swap3A_1236 = arith.index_cast %swap3A_1235 : i32 to index
        %swap3A_1237 = arith.constant 80 : index
        %swap3A_1238 = tpu.vector_load %arg13[%swap3A_1236, %swap3A_1237] {strides = array<i32>} : memref<2x128xi32, #tpu.memory_space<vmem>>, vector<16xi32>,
        tpu.vector_store %arg13[%swap3A_1236, %swap3A_1237], %add3A_1234 {strides = array<i32>} : memref<2x128xi32, #tpu.memory_space<vmem>>, vector<16xi32>,
        %get3A_1239 = arith.index_cast %add3A_1034 : i32 to index
        %get3A_1240 = arith.constant 96 : index
        %get3A_1241 = tpu.vector_load %arg8[%get3A_1239, %get3A_1240] {strides = array<i32>} : memref<4x128xi32, #tpu.memory_space<vmem>>, vector<16xi32>,
        %shift_left3A_1242 = arith.constant 1 : i32
        %shift_left3A_1243 = vector.broadcast %shift_left3A_1242 : i32 to vector<16xi32>
        %shift_left3A_1244 = arith.shli %get3A_1241, %shift_left3A_1243 : vector<16xi32>
        %swap3A_1245 = arith.constant 0 : i32
        %swap3A_1246 = arith.index_cast %swap3A_1245 : i32 to index
        %swap3A_1247 = arith.constant 96 : index
        %swap3A_1248 = tpu.vector_load %arg11[%swap3A_1246, %swap3A_1247] {strides = array<i32>} : memref<2x128xi32, #tpu.memory_space<vmem>>, vector<16xi32>,
        tpu.vector_store %arg11[%swap3A_1246, %swap3A_1247], %shift_left3A_1244 {strides = array<i32>} : memref<2x128xi32, #tpu.memory_space<vmem>>, vector<16xi32>,
        %add3A_1249 = arith.constant 1 : i32
        %add3A_1250 = vector.broadcast %add3A_1249 : i32 to vector<16xi32>
        %add3A_1251 = arith.addi %shift_left3A_1244, %add3A_1250 : vector<16xi32>
        %swap3A_1252 = arith.constant 1 : i32
        %swap3A_1253 = arith.index_cast %swap3A_1252 : i32 to index
        %swap3A_1254 = arith.constant 96 : index
        %swap3A_1255 = tpu.vector_load %arg11[%swap3A_1253, %swap3A_1254] {strides = array<i32>} : memref<2x128xi32, #tpu.memory_space<vmem>>, vector<16xi32>,
        tpu.vector_store %arg11[%swap3A_1253, %swap3A_1254], %add3A_1251 {strides = array<i32>} : memref<2x128xi32, #tpu.memory_space<vmem>>, vector<16xi32>,
        %get3A_1256 = arith.index_cast %add3A_1034 : i32 to index
        %get3A_1257 = arith.constant 96 : index
        %get3A_1258 = tpu.vector_load %arg9[%get3A_1256, %get3A_1257] {strides = array<i32>} : memref<4x128xi32, #tpu.memory_space<vmem>>, vector<16xi32>,
        %shift_left3A_1259 = arith.constant 1 : i32
        %shift_left3A_1260 = vector.broadcast %shift_left3A_1259 : i32 to vector<16xi32>
        %shift_left3A_1261 = arith.shli %get3A_1258, %shift_left3A_1260 : vector<16xi32>
        %swap3A_1262 = arith.constant 0 : i32
        %swap3A_1263 = arith.index_cast %swap3A_1262 : i32 to index
        %swap3A_1264 = arith.constant 96 : index
        %swap3A_1265 = tpu.vector_load %arg13[%swap3A_1263, %swap3A_1264] {strides = array<i32>} : memref<2x128xi32, #tpu.memory_space<vmem>>, vector<16xi32>,
        tpu.vector_store %arg13[%swap3A_1263, %swap3A_1264], %shift_left3A_1261 {strides = array<i32>} : memref<2x128xi32, #tpu.memory_space<vmem>>, vector<16xi32>,
        %add3A_1266 = arith.constant 1 : i32
        %add3A_1267 = vector.broadcast %add3A_1266 : i32 to vector<16xi32>
        %add3A_1268 = arith.addi %shift_left3A_1261, %add3A_1267 : vector<16xi32>
        %swap3A_1269 = arith.constant 1 : i32
        %swap3A_1270 = arith.index_cast %swap3A_1269 : i32 to index
        %swap3A_1271 = arith.constant 96 : index
        %swap3A_1272 = tpu.vector_load %arg13[%swap3A_1270, %swap3A_1271] {strides = array<i32>} : memref<2x128xi32, #tpu.memory_space<vmem>>, vector<16xi32>,
        tpu.vector_store %arg13[%swap3A_1270, %swap3A_1271], %add3A_1268 {strides = array<i32>} : memref<2x128xi32, #tpu.memory_space<vmem>>, vector<16xi32>,
        %get3A_1273 = arith.index_cast %add3A_1034 : i32 to index
        %get3A_1274 = arith.constant 112 : index
        %get3A_1275 = tpu.vector_load %arg8[%get3A_1273, %get3A_1274] {strides = array<i32>} : memref<4x128xi32, #tpu.memory_space<vmem>>, vector<16xi32>,
        %shift_left3A_1276 = arith.constant 1 : i32
        %shift_left3A_1277 = vector.broadcast %shift_left3A_1276 : i32 to vector<16xi32>
        %shift_left3A_1278 = arith.shli %get3A_1275, %shift_left3A_1277 : vector<16xi32>
        %swap3A_1279 = arith.constant 0 : i32
        %swap3A_1280 = arith.index_cast %swap3A_1279 : i32 to index
        %swap3A_1281 = arith.constant 112 : index
        %swap3A_1282 = tpu.vector_load %arg11[%swap3A_1280, %swap3A_1281] {strides = array<i32>} : memref<2x128xi32, #tpu.memory_space<vmem>>, vector<16xi32>,
        tpu.vector_store %arg11[%swap3A_1280, %swap3A_1281], %shift_left3A_1278 {strides = array<i32>} : memref<2x128xi32, #tpu.memory_space<vmem>>, vector<16xi32>,
        %add3A_1283 = arith.constant 1 : i32
        %add3A_1284 = vector.broadcast %add3A_1283 : i32 to vector<16xi32>
        %add3A_1285 = arith.addi %shift_left3A_1278, %add3A_1284 : vector<16xi32>
        %swap3A_1286 = arith.constant 1 : i32
        %swap3A_1287 = arith.index_cast %swap3A_1286 : i32 to index
        %swap3A_1288 = arith.constant 112 : index
        %swap3A_1289 = tpu.vector_load %arg11[%swap3A_1287, %swap3A_1288] {strides = array<i32>} : memref<2x128xi32, #tpu.memory_space<vmem>>, vector<16xi32>,
        tpu.vector_store %arg11[%swap3A_1287, %swap3A_1288], %add3A_1285 {strides = array<i32>} : memref<2x128xi32, #tpu.memory_space<vmem>>, vector<16xi32>,
        %get3A_1290 = arith.index_cast %add3A_1034 : i32 to index
        %get3A_1291 = arith.constant 112 : index
        %get3A_1292 = tpu.vector_load %arg9[%get3A_1290, %get3A_1291] {strides = array<i32>} : memref<4x128xi32, #tpu.memory_space<vmem>>, vector<16xi32>,
        %shift_left3A_1293 = arith.constant 1 : i32
        %shift_left3A_1294 = vector.broadcast %shift_left3A_1293 : i32 to vector<16xi32>
        %shift_left3A_1295 = arith.shli %get3A_1292, %shift_left3A_1294 : vector<16xi32>
        %swap3A_1296 = arith.constant 0 : i32
        %swap3A_1297 = arith.index_cast %swap3A_1296 : i32 to index
        %swap3A_1298 = arith.constant 112 : index
        %swap3A_1299 = tpu.vector_load %arg13[%swap3A_1297, %swap3A_1298] {strides = array<i32>} : memref<2x128xi32, #tpu.memory_space<vmem>>, vector<16xi32>,
        tpu.vector_store %arg13[%swap3A_1297, %swap3A_1298], %shift_left3A_1295 {strides = array<i32>} : memref<2x128xi32, #tpu.memory_space<vmem>>, vector<16xi32>,
        %add3A_1300 = arith.constant 1 : i32
        %add3A_1301 = vector.broadcast %add3A_1300 : i32 to vector<16xi32>
        %add3A_1302 = arith.addi %shift_left3A_1295, %add3A_1301 : vector<16xi32>
        %swap3A_1303 = arith.constant 1 : i32
        %swap3A_1304 = arith.index_cast %swap3A_1303 : i32 to index
        %swap3A_1305 = arith.constant 112 : index
        %swap3A_1306 = tpu.vector_load %arg13[%swap3A_1304, %swap3A_1305] {strides = array<i32>} : memref<2x128xi32, #tpu.memory_space<vmem>>, vector<16xi32>,
        tpu.vector_store %arg13[%swap3A_1304, %swap3A_1305], %add3A_1302 {strides = array<i32>} : memref<2x128xi32, #tpu.memory_space<vmem>>, vector<16xi32>,
        %dma_start3A_1307 = arith.constant 0 : i32
        %dma_start3A_1308 = arith.constant 0 : i32
        %dma_start3A_1309 = arith.constant 0 : i32
        %dma_start3A_1310 = tpu.memref_slice %arg15[%dma_start3A_1308, %dma_start3A_1309] : memref<256x16xf32, #tpu.memory_space<vmem>> -> memref<128x16xf32, #tpu.memory_space<vmem>>
        %dma_start3A_1311 = arith.constant 0 : i32
        %dma_start3A_1312 = tpu.memref_slice %arg11[%dma_start3A_1307, %dma_start3A_1311] : memref<2x128xi32, #tpu.memory_space<vmem>> -> memref<1x128xi32, #tpu.memory_space<vmem>>
        %dma_start3A_1313 = tpu.memref_squeeze %dma_start3A_1312 : memref<1x128xi32, #tpu.memory_space<vmem>> -> memref<128xi32, #tpu.memory_space<vmem>>
        %dma_start3A_1314 = arith.constant 0 : i32
        %dma_start3A_1315 = arith.constant 0 : i32
        %dma_start3A_1316 = tpu.memref_slice %arg4[%dma_start3A_1314, %dma_start3A_1315] : memref<2000000x16xf32, #tpu.memory_space<hbm>> -> memref<2000000x16xf32, #tpu.memory_space<hbm>>
        tpu.enqueue_indirect_dma source(%dma_start3A_1316 : memref<2000000x16xf32, #tpu.memory_space<hbm>>) target(%dma_start3A_1310 : memref<128x16xf32, #tpu.memory_space<vmem>>) offsets(%dma_start3A_1313 : memref<128xi32, #tpu.memory_space<vmem>>) semaphore(%arg22 : memref<!tpu.dma_semaphore, #tpu.memory_space<semaphore_mem>>)
        %dma_start3A_1317 = arith.constant 0 : i32
        %dma_start3A_1318 = arith.constant 0 : i32
        %dma_start3A_1319 = arith.constant 0 : i32
        %dma_start3A_1320 = tpu.memref_slice %arg17[%dma_start3A_1318, %dma_start3A_1319] : memref<256x16xf32, #tpu.memory_space<vmem>> -> memref<128x16xf32, #tpu.memory_space<vmem>>
        %dma_start3A_1321 = arith.constant 0 : i32
        %dma_start3A_1322 = tpu.memref_slice %arg13[%dma_start3A_1317, %dma_start3A_1321] : memref<2x128xi32, #tpu.memory_space<vmem>> -> memref<1x128xi32, #tpu.memory_space<vmem>>
        %dma_start3A_1323 = tpu.memref_squeeze %dma_start3A_1322 : memref<1x128xi32, #tpu.memory_space<vmem>> -> memref<128xi32, #tpu.memory_space<vmem>>
        %dma_start3A_1324 = arith.constant 0 : i32
        %dma_start3A_1325 = arith.constant 0 : i32
        %dma_start3A_1326 = tpu.memref_slice %arg5[%dma_start3A_1324, %dma_start3A_1325] : memref<2000000x16xf32, #tpu.memory_space<hbm>> -> memref<2000000x16xf32, #tpu.memory_space<hbm>>
        tpu.enqueue_indirect_dma source(%dma_start3A_1326 : memref<2000000x16xf32, #tpu.memory_space<hbm>>) target(%dma_start3A_1320 : memref<128x16xf32, #tpu.memory_space<vmem>>) offsets(%dma_start3A_1323 : memref<128xi32, #tpu.memory_space<vmem>>) semaphore(%arg24 : memref<!tpu.dma_semaphore, #tpu.memory_space<semaphore_mem>>)
        %dma_start3A_1327 = arith.constant 1 : i32
        %dma_start3A_1328 = arith.constant 128 : i32
        %dma_start3A_1329 = arith.constant 0 : i32
        %dma_start3A_1330 = tpu.memref_slice %arg15[%dma_start3A_1328, %dma_start3A_1329] : memref<256x16xf32, #tpu.memory_space<vmem>> -> memref<128x16xf32, #tpu.memory_space<vmem>>
        %dma_start3A_1331 = arith.constant 0 : i32
        %dma_start3A_1332 = tpu.memref_slice %arg11[%dma_start3A_1327, %dma_start3A_1331] : memref<2x128xi32, #tpu.memory_space<vmem>> -> memref<1x128xi32, #tpu.memory_space<vmem>>
        %dma_start3A_1333 = tpu.memref_squeeze %dma_start3A_1332 : memref<1x128xi32, #tpu.memory_space<vmem>> -> memref<128xi32, #tpu.memory_space<vmem>>
        %dma_start3A_1334 = arith.constant 0 : i32
        %dma_start3A_1335 = arith.constant 0 : i32
        %dma_start3A_1336 = tpu.memref_slice %arg4[%dma_start3A_1334, %dma_start3A_1335] : memref<2000000x16xf32, #tpu.memory_space<hbm>> -> memref<2000000x16xf32, #tpu.memory_space<hbm>>
        tpu.enqueue_indirect_dma source(%dma_start3A_1336 : memref<2000000x16xf32, #tpu.memory_space<hbm>>) target(%dma_start3A_1330 : memref<128x16xf32, #tpu.memory_space<vmem>>) offsets(%dma_start3A_1333 : memref<128xi32, #tpu.memory_space<vmem>>) semaphore(%arg22 : memref<!tpu.dma_semaphore, #tpu.memory_space<semaphore_mem>>)
        %dma_start3A_1337 = arith.constant 1 : i32
        %dma_start3A_1338 = arith.constant 128 : i32
        %dma_start3A_1339 = arith.constant 0 : i32
        %dma_start3A_1340 = tpu.memref_slice %arg17[%dma_start3A_1338, %dma_start3A_1339] : memref<256x16xf32, #tpu.memory_space<vmem>> -> memref<128x16xf32, #tpu.memory_space<vmem>>
        %dma_start3A_1341 = arith.constant 0 : i32
        %dma_start3A_1342 = tpu.memref_slice %arg13[%dma_start3A_1337, %dma_start3A_1341] : memref<2x128xi32, #tpu.memory_space<vmem>> -> memref<1x128xi32, #tpu.memory_space<vmem>>
        %dma_start3A_1343 = tpu.memref_squeeze %dma_start3A_1342 : memref<1x128xi32, #tpu.memory_space<vmem>> -> memref<128xi32, #tpu.memory_space<vmem>>
        %dma_start3A_1344 = arith.constant 0 : i32
        %dma_start3A_1345 = arith.constant 0 : i32
        %dma_start3A_1346 = tpu.memref_slice %arg5[%dma_start3A_1344, %dma_start3A_1345] : memref<2000000x16xf32, #tpu.memory_space<hbm>> -> memref<2000000x16xf32, #tpu.memory_space<hbm>>
        tpu.enqueue_indirect_dma source(%dma_start3A_1346 : memref<2000000x16xf32, #tpu.memory_space<hbm>>) target(%dma_start3A_1340 : memref<128x16xf32, #tpu.memory_space<vmem>>) offsets(%dma_start3A_1343 : memref<128xi32, #tpu.memory_space<vmem>>) semaphore(%arg24 : memref<!tpu.dma_semaphore, #tpu.memory_space<semaphore_mem>>)
      } else {
      }
    }
    %scan3A_660 = arith.constant 2 : i32
    "tpu.region"() ({
      %run_scoped3A = tpu.sem_alloc : memref<!tpu.dma_semaphore, #tpu.memory_space<semaphore_mem>>
      %dma_start3A_661 = arith.constant 0 : i32
      %dma_start3A_662 = tpu.memref_slice %arg7[%add3A, %dma_start3A_661] : memref<32x512xf32, #tpu.memory_space<hbm>> -> memref<1x512xf32, #tpu.memory_space<hbm>>
      %dma_start3A_663 = tpu.memref_squeeze %dma_start3A_662 : memref<1x512xf32, #tpu.memory_space<hbm>> -> memref<512xf32, #tpu.memory_space<hbm>>
      %dma_start3A_664 = arith.constant 0 : i32
      %dma_start3A_665 = tpu.memref_slice %arg7[%add3A, %dma_start3A_664] : memref<32x512xf32, #tpu.memory_space<hbm>> -> memref<1x512xf32, #tpu.memory_space<hbm>>
      %dma_start3A_666 = tpu.memref_squeeze %dma_start3A_665 : memref<1x512xf32, #tpu.memory_space<hbm>> -> memref<512xf32, #tpu.memory_space<hbm>>
      tpu.enqueue_dma source(%arg20 : memref<512xf32, #tpu.memory_space<vmem>>) target(%dma_start3A_666 : memref<512xf32, #tpu.memory_space<hbm>>) target_semaphore(%run_scoped3A : memref<!tpu.dma_semaphore, #tpu.memory_space<semaphore_mem>>)
      %dma_wait3A = arith.constant 0 : i32
      %dma_wait3A_667 = tpu.memref_slice %arg7[%add3A, %dma_wait3A] : memref<32x512xf32, #tpu.memory_space<hbm>> -> memref<1x512xf32, #tpu.memory_space<hbm>>
      %dma_wait3A_668 = tpu.memref_squeeze %dma_wait3A_667 : memref<1x512xf32, #tpu.memory_space<hbm>> -> memref<512xf32, #tpu.memory_space<hbm>>
      %dma_wait3A_669 = arith.constant 0 : i32
      %dma_wait3A_670 = tpu.memref_slice %arg7[%add3A, %dma_wait3A_669] : memref<32x512xf32, #tpu.memory_space<hbm>> -> memref<1x512xf32, #tpu.memory_space<hbm>>
      %dma_wait3A_671 = tpu.memref_squeeze %dma_wait3A_670 : memref<1x512xf32, #tpu.memory_space<hbm>> -> memref<512xf32, #tpu.memory_space<hbm>>
      tpu.wait_dma2 semaphore(%run_scoped3A : memref<!tpu.dma_semaphore, #tpu.memory_space<semaphore_mem>>) src(%arg20 : memref<512xf32, #tpu.memory_space<vmem>>) dst(%dma_wait3A_671 : memref<512xf32, #tpu.memory_space<hbm>>)
      tpu.yield
    }) : () -> ()
    return
  }
}

module attributes {stable_mosaic.version = 14 : i64} {
  func.func @_collapse_body(%arg0: memref<64x64xf32, #tpu.memory_space<vmem>>, %arg1: memref<64xf32, #tpu.memory_space<vmem>>, %arg2: memref<64x32xf32, #tpu.memory_space<vmem>>, %arg3: memref<32xf32, #tpu.memory_space<vmem>>, %arg4: memref<32x16xf32, #tpu.memory_space<vmem>>, %arg5: memref<16xf32, #tpu.memory_space<vmem>>, %arg6: memref<16x1xf32, #tpu.memory_space<vmem>>, %arg7: memref<1xf32, #tpu.memory_space<vmem>>, %arg8: memref<65x16xf32, #tpu.memory_space<vmem>>) attributes {dimension_semantics = [], scalar_prefetch = 0 : i64, scratch_operands = 0 : i64, tpu.core_type = #tpu.core_type<tc>} {
    %get3A = arith.constant 0 : index
    %get3A_0 = arith.constant 0 : index
    %get3A_1 = vector.load %arg6[%get3A, %get3A_0] : memref<16x1xf32, #tpu.memory_space<vmem>>, vector<16x1xf32>
    %squeeze3A = vector.shape_cast %get3A_1 : vector<16x1xf32> to vector<16xf32>
    %get3A_2 = arith.constant 0 : index
    %get3A_3 = arith.constant 0 : index
    %get3A_4 = vector.load %arg4[%get3A_2, %get3A_3] : memref<32x16xf32, #tpu.memory_space<vmem>>, vector<32x16xf32>
    %broadcast_in_dim3A = vector.shape_cast %squeeze3A : vector<16xf32> to vector<1x16xf32>
    %mul3A = vector.broadcast %broadcast_in_dim3A : vector<1x16xf32> to vector<32x16xf32>
    %mul3A_5 = arith.mulf %get3A_4, %mul3A : vector<32x16xf32>
    %reduce_sum3A = arith.constant dense<0.000000e+00> : vector<32xf32>
    %reduce_sum3A_6 = vector.multi_reduction <add>, %mul3A_5, %reduce_sum3A [1] : vector<32x16xf32> to vector<32xf32>
    %get3A_7 = arith.constant 0 : index
    %get3A_8 = arith.constant 0 : index
    %get3A_9 = vector.load %arg2[%get3A_7, %get3A_8] : memref<64x32xf32, #tpu.memory_space<vmem>>, vector<64x32xf32>
    %broadcast_in_dim3A_10 = vector.shape_cast %reduce_sum3A_6 : vector<32xf32> to vector<1x32xf32>
    %mul3A_11 = vector.broadcast %broadcast_in_dim3A_10 : vector<1x32xf32> to vector<64x32xf32>
    %mul3A_12 = arith.mulf %get3A_9, %mul3A_11 : vector<64x32xf32>
    %reduce_sum3A_13 = arith.constant dense<0.000000e+00> : vector<64xf32>
    %reduce_sum3A_14 = vector.multi_reduction <add>, %mul3A_12, %reduce_sum3A_13 [1] : vector<64x32xf32> to vector<64xf32>
    %get3A_15 = arith.constant 0 : index
    %get3A_16 = arith.constant 0 : index
    %get3A_17 = vector.load %arg0[%get3A_15, %get3A_16] : memref<64x64xf32, #tpu.memory_space<vmem>>, vector<64x64xf32>
    %broadcast_in_dim3A_18 = vector.shape_cast %reduce_sum3A_14 : vector<64xf32> to vector<1x64xf32>
    %mul3A_19 = vector.broadcast %broadcast_in_dim3A_18 : vector<1x64xf32> to vector<64x64xf32>
    %mul3A_20 = arith.mulf %get3A_17, %mul3A_19 : vector<64x64xf32>
    %reduce_sum3A_21 = arith.constant dense<0.000000e+00> : vector<64xf32>
    %reduce_sum3A_22 = vector.multi_reduction <add>, %mul3A_20, %reduce_sum3A_21 [1] : vector<64x64xf32> to vector<64xf32>
    %get3A_23 = arith.constant 0 : index
    %get3A_24 = vector.load %arg1[%get3A_23] : memref<64xf32, #tpu.memory_space<vmem>>, vector<64xf32>
    %mul3A_25 = arith.mulf %get3A_24, %reduce_sum3A_14 : vector<64xf32>
    %reduce_sum3A_26 = vector.shape_cast %mul3A_25 : vector<64xf32> to vector<1x64xf32>
    %reduce_sum3A_27 = arith.constant dense<0.000000e+00> : vector<1xf32>
    %reduce_sum3A_28 = vector.multi_reduction <add>, %reduce_sum3A_26, %reduce_sum3A_27 [1] : vector<1x64xf32> to vector<1xf32>
    %reduce_sum3A_29 = vector.shape_cast %reduce_sum3A_28 : vector<1xf32> to vector<1x1xf32>
    %reduce_sum3A_30 = vector.extract %reduce_sum3A_29[0, 0] : f32 from vector<1x1xf32>
    %get3A_31 = arith.constant 0 : index
    %get3A_32 = vector.load %arg3[%get3A_31] : memref<32xf32, #tpu.memory_space<vmem>>, vector<32xf32>
    %mul3A_33 = arith.mulf %get3A_32, %reduce_sum3A_6 : vector<32xf32>
    %reduce_sum3A_34 = vector.shape_cast %mul3A_33 : vector<32xf32> to vector<1x32xf32>
    %reduce_sum3A_35 = arith.constant dense<0.000000e+00> : vector<1xf32>
    %reduce_sum3A_36 = vector.multi_reduction <add>, %reduce_sum3A_34, %reduce_sum3A_35 [1] : vector<1x32xf32> to vector<1xf32>
    %reduce_sum3A_37 = vector.shape_cast %reduce_sum3A_36 : vector<1xf32> to vector<1x1xf32>
    %reduce_sum3A_38 = vector.extract %reduce_sum3A_37[0, 0] : f32 from vector<1x1xf32>
    %add3A = arith.addf %reduce_sum3A_30, %reduce_sum3A_38 : f32
    %get3A_39 = arith.constant 0 : index
    %get3A_40 = vector.load %arg5[%get3A_39] : memref<16xf32, #tpu.memory_space<vmem>>, vector<16xf32>
    %mul3A_41 = arith.mulf %get3A_40, %squeeze3A : vector<16xf32>
    %reduce_sum3A_42 = vector.shape_cast %mul3A_41 : vector<16xf32> to vector<1x16xf32>
    %reduce_sum3A_43 = arith.constant dense<0.000000e+00> : vector<1xf32>
    %reduce_sum3A_44 = vector.multi_reduction <add>, %reduce_sum3A_42, %reduce_sum3A_43 [1] : vector<1x16xf32> to vector<1xf32>
    %reduce_sum3A_45 = vector.shape_cast %reduce_sum3A_44 : vector<1xf32> to vector<1x1xf32>
    %reduce_sum3A_46 = vector.extract %reduce_sum3A_45[0, 0] : f32 from vector<1x1xf32>
    %add3A_47 = arith.addf %add3A, %reduce_sum3A_46 : f32
    %get3A_48 = arith.constant 0 : index
    %get3A_49 = vector.load %arg7[%get3A_48] : memref<1xf32, #tpu.memory_space<vmem>>, vector<1xf32>
    %squeeze3A_50 = vector.extract %get3A_49[0] : f32 from vector<1xf32>
    %add3A_51 = arith.addf %add3A_47, %squeeze3A_50 : f32
    %broadcast_in_dim3A_52 = vector.shape_cast %reduce_sum3A_22 : vector<64xf32> to vector<64x1xf32>
    %broadcast_in_dim3A_53 = vector.shape_cast %broadcast_in_dim3A_52 : vector<64x1xf32> to vector<64x1xf32>
    %broadcast_in_dim3A_54 = vector.broadcast %broadcast_in_dim3A_53 : vector<64x1xf32> to vector<64x16xf32>
    %swap3A = arith.constant 0 : index
    %swap3A_55 = arith.constant 0 : index
    %swap3A_56 = vector.load %arg8[%swap3A, %swap3A_55] : memref<65x16xf32, #tpu.memory_space<vmem>>, vector<64x16xf32>
    tpu.vector_store %arg8[%swap3A, %swap3A_55], %broadcast_in_dim3A_54 {strides = array<i32>} : memref<65x16xf32, #tpu.memory_space<vmem>>, vector<64x16xf32>,
    %broadcast_in_dim3A_57 = vector.broadcast %add3A_51 : f32 to vector<1x16xf32>
    %swap3A_58 = arith.constant 64 : index
    %swap3A_59 = arith.constant 0 : index
    %swap3A_60 = vector.load %arg8[%swap3A_58, %swap3A_59] : memref<65x16xf32, #tpu.memory_space<vmem>>, vector<1x16xf32>
    tpu.vector_store %arg8[%swap3A_58, %swap3A_59], %broadcast_in_dim3A_57 {strides = array<i32>} : memref<65x16xf32, #tpu.memory_space<vmem>>, vector<1x16xf32>,
    return
  }
}

</mosaic_0001>

<sc_bundles>
// kernel: kernel.4.cloned.1.call-start
scs
__scs_entry_jumppad:
0x0: {  	(pc) =	sbr.rel $0x88, $3  }
0x1: {  	(tag) =	ssettag $0x0;
	lr =	simm.s32 $0x1  }
0x2: {  	[smem:$0x3F95] =	sst lr;
	_ =	strace $0xD0000000  }
0x3: {  	_ = 	snop  }
0x4: {  	_ = 	snop  }
0x5: {  	_ = 	snop  }
0x6: {  	_ = 	snop  }
0x7: {  	_ = 	snop  }
__scs_overlays_trampoline_lowered:
0x8: {  	[smem:$0x3FA4] =	sst s0  }
0x9: {  	[smem:$0x3FA5] =	sst s1  }
0xa: {  	[smem:$0x3FA6] =	sst s2  }
0xb: {  	[smem:$0x3FA7] =	sst s3  }
0xc: {  	[smem:$0x3FA8] =	sst s4  }
0xd: {  	[smem:$0x3FA9] =	sst s5  }
0xe: {  	[smem:$0x3FAA] =	sst s6  }
0xf: {  	[smem:$0x3FAB] =	sst s7  }
0x10: {  	[smem:$0x3FAC] =	sst s8  }
0x11: {  	[smem:$0x3FAD] =	sst s9;
	s0 =	simm.s32 @!p0 $0x0  }
0x12: {  	s1 =	sld [smem:$0x3F93];
	s0 =	simm.s32 @p0 $0x1  }
0x13: {  	[smem:$0x3FAE] =	sst s0;
	s0 =	simm.s32 @!p1 $0x0  }
0x14: {  	s2 =	sld [smem:$0x3F92];
	s0 =	simm.s32 @p1 $0x1  }
0x15: {  	[smem:$0x3FAF] =	sst s0;
	s0 =	simm.s32 @!p2 $0x0  }
0x16: {  	s3 =	sld [smem:$0x3FDB];
	s0 =	simm.s32 @p2 $0x1  }
0x17: {  	s4 =	simm.s32 $0x1BF5;
	[smem:$0x3FB1] =	sst s0  }
0x18: {  	s0 =	sld [smem:$0x3F94];
	_ =	swait.ge [sflag:s4], $0x0  }
0x19: {  	s7 =	sld [smem:$0x3F95]  }
0x1a: {  	s8 =	sadd.s32 $0xFFFFE003, lr  }
0x1b: {  	s9 =	sadd.s32 $0xFFFFFEF7, lr;
	s5 =	simm.s32 $0xFFFFFFFF;
	p2 =	slt.u32 s8, $0xFFFFF086  }
0x1c: {  	p1 =	slt.u32 s9, $0xF7A;
	s5 =	simm.s32 @!p2 $0x0  }
0x1d: {  	s5 =	simm.s32 @p1 $0x1;
	p0 =	seq.s32 s7, s2  }
0x1e: {  	s7 =	smul.u32 @!p0 $0xF7A, s2;
	p2 =	seq.s32 @!p0 s5, $0x0  }
0x1f: {  	s9 =	smul.u32 $0xF7A, s1;
	s8 =	simm.s32 @!p0 $0x1BF5;
	p2 =	por !p2, p0  }
0x20: {  	[sflag:s8] =	ssyncset.s32 @!p0 $0xFFFFF086;
	s6 =	sadd.s32 @!p0 s3, s7;
	s7 =	simm.s32 @!p0 $0x108  }
0x21: {  	s3 =	sadd.s32 s3, s9;
	s6 =	sadd.s32 @!p0 $0x88, s6;
	s7 =	simm.s32 @p2 $0x1082  }
0x22: {  	[simem:s7], [sflag:s8] =	dma.local @!p0 [hbm:s6], $0xF7A  }
0x23: {  	s9 =	sor.u32 $0xD0000000, s2;
	s6 =	simm.s32 $0x108;
	_ =	swait.ge @!p0 [sflag:s8], $0x0  }
0x24: {  	s3 =	sadd.s32 $0x88, s3;
	s6 =	simm.s32 @!p1 $0x1082;
	[sflag:s4] =	ssyncset.s32 $0xFFFFF086  }
0x25: {  	[simem:s6], [sflag:s4] =	dma.local [hbm:s3], $0xF7A  }
0x26: {  	[smem:$0x3F95] =	sst s1;
	(tag) =	ssettag s2;
	_ =	strace s9  }
0x27: {  	s1 =	sld [smem:$0x3FA5]  }
0x28: {  	s2 =	sld [smem:$0x3FA6]  }
0x29: {  	s4 =	sld [smem:$0x3FA8]  }
0x2a: {  	p0 =	seq.s32 s5, $0x0;
	s5 =	sld [smem:$0x3FA9]  }
0x2b: {  	s6 =	sld [smem:$0x3FAA]  }
0x2c: {  	s7 =	sld [smem:$0x3FAB]  }
0x2d: {  	s3 =	simm.s32 $0x108;
	s8 =	sld [smem:$0x3FAC]  }
0x2e: {  	s3 =	simm.s32 @!p0 $0x1082;
	s9 =	sld [smem:$0x3FAD]  }
0x2f: {  	lr =	sadd.s32 s0, s3;
	s0 =	sld [smem:$0x3FA4]  }
0x30: {  	s3 =	sld [smem:$0x3FA7]  }
0x31: {  	[smem:$0x3FB0] =	sst s10  }
0x32: {  	s10 =	sld [smem:$0x3FAE];
	_ =	sdelay $0x3  }
0x33: {  	p0 =	seq.s32 s10, $0x1;
	s10 =	sld [smem:$0x3FB0];
	_ =	sdelay $0x3  }
0x34: {  	[smem:$0x3FB0] =	sst s10  }
0x35: {  	s10 =	sld [smem:$0x3FAF];
	_ =	sdelay $0x3  }
0x36: {  	p1 =	seq.s32 s10, $0x1;
	s10 =	sld [smem:$0x3FB0];
	_ =	sdelay $0x3  }
0x37: {  	[smem:$0x3FB0] =	sst s10  }
0x38: {  	s10 =	sld [smem:$0x3FB1]  }
0x39: {  	_ = 	snop;
	(pc) =	sbr.ind lr, $3  }
0x3a: {  	_ = 	snop  }
0x3b: {  	_ = 	snop  }
0x3c: {  	p2 =	seq.s32 s10, $0x1;
	s10 =	sld [smem:$0x3FB0]  }
0x3d: {  	_ =	shalt  }
0x3e: {  	_ =	shalt  }
0x3f: {  	_ =	shalt  }
0x40: {  	_ =	shalt  }
0x41: {  	_ =	shalt  }
0x42: {  	_ =	shalt  }
0x43: {  	_ =	shalt  }
0x44: {  	_ =	shalt  }
0x45: {  	_ =	shalt  }
0x46: {  	_ =	shalt  }
0x47: {  	_ =	shalt  }
0x48: {  	_ =	shalt  }
0x49: {  	_ =	shalt  }
0x4a: {  	_ =	shalt  }
0x4b: {  	_ =	shalt  }
0x4c: {  	_ =	shalt  }
0x4d: {  	_ =	shalt  }
0x4e: {  	_ =	shalt  }
0x4f: {  	_ =	shalt  }
0x50: {  	_ =	shalt  }
0x51: {  	_ =	shalt  }
0x52: {  	_ =	shalt  }
0x53: {  	_ =	shalt  }
0x54: {  	_ =	shalt  }
0x55: {  	_ =	shalt  }
0x56: {  	_ =	shalt  }
0x57: {  	_ =	shalt  }
0x58: {  	_ =	shalt  }
0x59: {  	_ =	shalt  }
0x5a: {  	_ =	shalt  }
0x5b: {  	_ =	shalt  }
0x5c: {  	_ =	shalt  }
0x5d: {  	_ =	shalt  }
0x5e: {  	_ =	shalt  }
0x5f: {  	_ =	shalt  }
0x60: {  	_ =	shalt  }
0x61: {  	_ =	shalt  }
0x62: {  	_ =	shalt  }
0x63: {  	_ =	shalt  }
0x64: {  	_ =	shalt  }
0x65: {  	_ =	shalt  }
0x66: {  	_ =	shalt  }
0x67: {  	_ =	shalt  }
0x68: {  	_ =	shalt  }
0x69: {  	_ =	shalt  }
0x6a: {  	_ =	shalt  }
0x6b: {  	_ =	shalt  }
0x6c: {  	_ =	shalt  }
0x6d: {  	_ =	shalt  }
0x6e: {  	_ =	shalt  }
0x6f: {  	_ =	shalt  }
0x70: {  	_ =	shalt  }
0x71: {  	_ =	shalt  }
0x72: {  	_ =	shalt  }
0x73: {  	_ =	shalt  }
0x74: {  	_ =	shalt  }
0x75: {  	_ =	shalt  }
0x76: {  	_ =	shalt  }
0x77: {  	_ =	shalt  }
0x78: {  	_ =	shalt  }
0x79: {  	_ =	shalt  }
0x7a: {  	_ =	shalt  }
0x7b: {  	_ =	shalt  }
0x7c: {  	_ =	shalt  }
0x7d: {  	_ =	shalt  }
0x7e: {  	_ =	shalt  }
0x7f: {  	_ =	shalt  }
0x80: {  	_ =	shalt  }
0x81: {  	_ =	shalt  }
0x82: {  	_ =	shalt  }
0x83: {  	_ =	shalt  }
0x84: {  	_ =	shalt  }
0x85: {  	_ =	shalt  }
0x86: {  	_ =	shalt  }
0x87: {  	_ =	shalt  }
.Lfunc_end0:
.L_simem_size_0:
called_computation_lowered:
.L_overlay_start_0:
0x88: {  	s2 =	sld [smem:$0x3FD9]  }
0x89: {  	s3 =	sld [smem:$0x3FFE];
	_ =	sdelay $0x1  }
0x8a: {  	s1 =	srdreg.scid  }
0x8b: {  	s0 =	sand.u32 $0x1, s1  }
0x8c: {  	s17 =	sshll.u32 s0, $0xA;
	s2 =	sadd.s32 s3, s2  }
0x8d: {  	s2 =	sadd.s32 s2, s17  }
0x8e: {  	[smem:$0x3FBC] =	sst s2  }
0x8f: {  	_ = 	snop  }
0x90: {  	s2 =	sld [smem:$0x3FC9]  }
0x91: {  	s18 =	sld [smem:$0x3FC8]  }
0x92: {  	s4 =	sld [smem:$0x3FD0];
	(tm) =	ssettm $0x1  }
0x93: {  	s5 =	sld [smem:$0x3FFB];
	_ =	sdelay $0x3  }
0x94: {  	_ =	strace s5  }
0x95: {  	s5 =	sld [smem:$0x3FFC];
	_ =	sdelay $0x3  }
0x96: {  	_ =	strace s5  }
0x97: {  	s5 =	sld [smem:$0x3FFD];
	_ =	sdelay $0x3  }
0x98: {  	_ =	strace s5  }
0x99: {  	_ =	strace $0x8FFFFFFF  }
0x9a: {  	s19 =	sld [smem:$0x3FDB];
	_ =	sdelay $0x1  }
0x9b: {  	s6 =	simm.s32 $_scs_section_size  }
0x9c: {  	s7 =	simm.s32 $_size__tile_overlayer_lowered;
	s8 =	simm.s32 $_tile_overlayer_lowered  }
0x9d: {  	s22 =	simm.s32 $0x1BFF;
	s21 =	sshll.u32 s8, $0x1;
	s5 =	sadd.s32 s6, s19  }
0x9e: {  	s9 =	simm.s32 $0x0;
	s20 =	sshll.u32 s7, $0x1;
	s7 =	sadd.s32 s21, s5  }
0x9f: {  	[timem:s9], [sflag:s22] =	dma.local [hbm:s7], s20  }
0xa0: {  	_ =	swait.ge [sflag:s22], s20  }
0xa1: {  	s6 =	ssub.s32 $0x0, s20;
	[sflag:s22] =	ssyncset.done $0x0  }
0xa2: {  	[sflag:s22] =	ssyncadd.s32 s6;
	_ =	sdelay $0x1  }
0xa3: {  	s23 =	simm.s32 $0x1B8B  }
0xa4: {  	_ =	swait.ge [sflag:s23], $0x1  }
0xa5: {  	[sflag:s23] =	ssyncset.done $0x0  }
0xa6: {  	s25 =	simm.s32 $0x1B8E;
	s24 =	sld [smem:$0x3FFE];
	[sflag:s23] =	ssyncadd.s32 $0xFFFFFFFF  }
0xa7: {  	s26 =	simm.s32 $execute0_lowered;
	[smem:$0x3FD2] =	sst s25  }
0xa8: {  	s7 =	sshll.u32 s26, $0x1;
	_ =	strace $0x80000046;
	[dreg:$0x1] =	wrdreg $0xFFFFFFFF  }
0xa9: {  	s28 =	simm.s32 $_size_execute0_lowered;
	s5 =	sadd.s32 s5, s7;
	[dreg:$0x0] =	wrdreg $0x0  }
0xaa: {  	s7 =	sshll.u32 s28, $0x1;
	[dreg:$0x2] =	wrdreg s5  }
0xab: {  	[dreg:$0x3] =	wrdreg s7  }
0xac: {  	[dreg:$0x4] =	wrdreg $0xC0  }
0xad: {  	_ =	task [dreg:s9], $0x5FFFF  }
0xae: {  	[dreg:$0x1] =	wrdreg $0xFFFFFFFF  }
0xaf: {  	[dreg:$0x0] =	wrdreg $0x60  }
0xb0: {  	[dreg:$0x2] =	wrdreg s2  }
0xb1: {  	[dreg:$0x3] =	wrdreg s18  }
0xb2: {  	[dreg:$0x4] =	wrdreg s24  }
0xb3: {  	[dreg:$0x5] =	wrdreg s4  }
0xb4: {  	[dreg:$0x6] =	wrdreg $0x9  }
0xb5: {  	_ =	task.clear_ibuf [dreg:s9], $0x7FFFF;
	_ =	strace $0x90000046  }
0xb6: {  	s29 =	simm.s32 $0x9;
	_ =	strace $0x80000048  }
0xb7: {  	_ =	swait.ge [sflag:s29], $0x1  }
0xb8: {  	[sflag:s29] =	ssyncadd.s32 $0xFFFFFFFF  }
0xb9: {  	_ =	strace $0x90000048  }
0xba: {  	_ =	sfence  }
0xbb: {  	s30 =	sld [smem:$0x0];
	_ =	sdelay $0x2  }
0xbc: {  	s31 =	sshll.u32 s1, $0xD;
	s1 =	sshrl.u32 s1, $0x2  }
0xbd: {  	s3 =	sand.u32 $0x4000, s31;
	s1 =	sadd.s32 s1, s30  }
0xbe: {  	s0 =	sor.u32 s3, s0;
	s1 =	sshll.u32 s1, $0x11  }
0xbf: {  	s0 =	sor.u32 s1, s0  }
0xc0: {  	s0 =	sadd.s32 $0x8F2B, s0  }
0xc1: {  	[sflag:s0] =	ssyncadd.remote.s32 $0x1  }
0xc2: {  	_ =	sfence.sel $0xFFFF  }
0xc3: {  	[dreg:$0x0] =	wrdreg $0xFFFFFFFF;
	(pc) =	sbr.abs _section_cstart, $3  }
0xc4: {  	[dreg:$0x1] =	wrdreg $0xFFFFFFFF  }
0xc5: {  	_ =	task.clear_ibuf [dreg:s9], $0x2FFFF;
	_ =	strace $0x9FFFFFFF  }
0xc6: {  	(tm) =	ssettm $0x7FFFFFFF  }
0xc7: {  	_ =	shalt  }
tec
execute0_lowered:
.L_overlay_start_1:
0x0: {  	(tag) =	ssettag $0x1  }
0x1: {  	s0 =	rddreg [dreg:$0x0]  }
0x2: {  	s1 =	rddreg [dreg:$0x1]  }
0x3: {  	s2 =	rddreg [dreg:$0x2]  }
0x4: {  	s5 =	rddreg [dreg:$0x3];
	s11 =	simm.s32 $0x0;
	s4 =	srdreg.scid  }
0x5: {  	s9 =	stileid.u32;
	s14 =	simm.s32 $0x800;
	s16 =	simm.s32 $0x2800  }
0x6: {  	s21 =	simm.s32 $0x80;
	s28 =	simm.s32 $0x2000;
	s29 =	simm.s32 $0x780  }
0x7: {  	s30 =	simm.s32 $0x4000;
	s31 =	simm.s32 $0x1;
	s10 =	simm.s32 $0x4  }
0x8: {  	[smem:$0x7FF] =	sst s11;
	s3 =	sadd.s32 $0x1314000, s2;
	s6 =	sand.u32 $0x1, s4  }
0x9: {  	v0 =	vlaneseq.u32;
	s4 =	sadd.s32 $0xF43600, s2;
	s9 =	sshll.u32 s9, $0x6;
	s2 =	sadd.s32 $0x1200, s2  }
0xa: {  	v0 =	vmul.u32 $0x10, v0;
	_ =	strace $0x80000047;
	s7 =	ssub.s32 $0x2, s6;
	s6 =	sshll.u32 s6, $0xA  }
0xb: {  	[dreg:$0x5] =	wrdreg s2;
	s8 =	sshrl.u32 s7, $0x1;
	s6 =	sor.u32 s9, s6  }
0xc: {  	s2 =	simm.s32 $0x2;
	v1 =	vor.u32 $0x800, v0;
	v2 =	vor.u32 $0x100, v0;
	v3 =	vor.u32 $0x900, v0;
	s23 =	ssub.s32 s7, s8;
	s0 =	sadd.s32 s0, s6  }
0xd: {  	v4 =	vor.u32 $0x200, v0;
	v5 =	vor.u32 $0xA00, v0;
	v6 =	vor.u32 $0x300, v0;
	s24 =	sadd.s32 s1, s6;
	s25 =	sadd.s32 s5, s6;
	[dreg:$0x6] =	wrdreg s0  }
0xe: {  	v7 =	vor.u32 $0xB00, v0;
	v8 =	vor.u32 $0x400, v0;
	v9 =	vor.u32 $0xC00, v0;
	s6 =	simm.s32 $0x5;
	s5 =	simm.s32 $0x0;
	[dreg:$0x7] =	wrdreg s24  }
0xf: {  	v10 =	vor.u32 $0x500, v0;
	v11 =	vor.u32 $0xD00, v0;
	v12 =	vor.u32 $0x600, v0;
	[dreg:$0x8] =	wrdreg s25;
	s26 =	smax.u32 s23, $0x1;
	s23 =	simm.s32 $0x1800  }
0x10: {  	v13 =	vor.u32 $0xE00, v0;
	v14 =	vor.u32 $0x700, v0;
	v15 =	vor.u32 $0xF00, v0;
	s25 =	simm.s32 $0x3800;
	s0 =	simm.s32 $0x3;
	[dreg:$0x9] =	wrdreg s26  }
.LBB2_1:
0x11: {  	[dreg:$0xa] =	wrdreg s5  }
0x12: {  	s1 =	rddreg [dreg:$0x5];
	s12 =	simm.s32 $0x4800  }
0x13: {  	[tilespmem:s12], [sflag:$0x5] =	stream.linear.gather [hbm4b:s1+s11], $0x410, $0x38;
	[tilespmem:$0x4E90] =	vst v63  }
0x14: {  	_ =	swait.ge [sflag:s6], $0x410  }
0x15: {  	[sflag:s6] =	ssyncset.done $0x0  }
0x16: {  	s13 =	rddreg [dreg:$0x6];
	[sflag:s6] =	ssyncadd.s32 $0xFFFFFBF0  }
0x17: {  	[tilespmem:s11], [sflag:$0x5] =	stream.linear.gather [hbm4b:s13+s11], $0x200, $0x38;
	[tilespmem:$0x4E90] =	vst v63  }
0x18: {  	_ =	swait.ge [sflag:s6], $0x200  }
0x19: {  	[sflag:s6] =	ssyncset.done $0x0  }
0x1a: {  	s17 =	simm.s32 $0x200;
	s15 =	rddreg [dreg:$0x7];
	[sflag:s6] =	ssyncadd.s32 $0xFFFFFE00  }
0x1b: {  	[tilespmem:s17], [sflag:$0x5] =	stream.linear.gather [hbm4b:s15+s11], $0x200, $0x38;
	[tilespmem:$0x4E90] =	vst v63  }
0x1c: {  	_ =	swait.ge [sflag:s6], $0x200  }
0x1d: {  	[sflag:s6] =	ssyncset.done $0x0  }
0x1e: {  	[sflag:s6] =	ssyncadd.s32 $0xFFFFFE00  }
0x1f: {  	v16 =	vld [tilespmem:$0x0];
	_ =	sdelay $0x1  }
0x20: {  	v17 =	vld [tilespmem:$0x200];
	_ =	sdelay $0x1  }
0x21: {  	v18 =	vld [tilespmem:$0x10]  }
0x22: {  	v16 =	vshll.u32 v16, $0x1  }
0x23: {  	v19 =	vld [tilespmem:$0x210];
	[tilespmem:$0x400] =	vst v16;
	v16 =	vor.u32 $0x1, v16  }
0x24: {  	[tilespmem:$0x480] =	vst v16;
	v16 =	vshll.u32 v17, $0x1  }
0x25: {  	v17 =	vld [tilespmem:$0x20];
	[tilespmem:$0x600] =	vst v16;
	v16 =	vor.u32 $0x1, v16  }
0x26: {  	[tilespmem:$0x680] =	vst v16;
	v16 =	vshll.u32 v18, $0x1  }
0x27: {  	v18 =	vld [tilespmem:$0x220];
	[tilespmem:$0x410] =	vst v16;
	v16 =	vor.u32 $0x1, v16  }
0x28: {  	[tilespmem:$0x490] =	vst v16;
	v16 =	vshll.u32 v19, $0x1  }
0x29: {  	v19 =	vld [tilespmem:$0x30];
	[tilespmem:$0x610] =	vst v16;
	v16 =	vor.u32 $0x1, v16  }
0x2a: {  	[tilespmem:$0x690] =	vst v16;
	v16 =	vshll.u32 v17, $0x1  }
0x2b: {  	v17 =	vld [tilespmem:$0x230];
	[tilespmem:$0x420] =	vst v16;
	v16 =	vor.u32 $0x1, v16  }
0x2c: {  	[tilespmem:$0x4A0] =	vst v16;
	v16 =	vshll.u32 v18, $0x1  }
0x2d: {  	v18 =	vld [tilespmem:$0x40];
	[tilespmem:$0x620] =	vst v16;
	v16 =	vor.u32 $0x1, v16  }
0x2e: {  	[tilespmem:$0x6A0] =	vst v16;
	v16 =	vshll.u32 v19, $0x1  }
0x2f: {  	v19 =	vld [tilespmem:$0x240];
	[tilespmem:$0x430] =	vst v16;
	v16 =	vor.u32 $0x1, v16  }
0x30: {  	[tilespmem:$0x4B0] =	vst v16;
	v16 =	vshll.u32 v17, $0x1  }
0x31: {  	v17 =	vld [tilespmem:$0x50];
	[tilespmem:$0x630] =	vst v16;
	v16 =	vor.u32 $0x1, v16  }
0x32: {  	[tilespmem:$0x6B0] =	vst v16;
	v16 =	vshll.u32 v18, $0x1  }
0x33: {  	v18 =	vld [tilespmem:$0x250];
	[tilespmem:$0x440] =	vst v16;
	v16 =	vor.u32 $0x1, v16  }
0x34: {  	[tilespmem:$0x4C0] =	vst v16;
	v16 =	vshll.u32 v19, $0x1  }
0x35: {  	v19 =	vld [tilespmem:$0x60];
	[tilespmem:$0x640] =	vst v16;
	v16 =	vor.u32 $0x1, v16  }
0x36: {  	[tilespmem:$0x6C0] =	vst v16;
	v16 =	vshll.u32 v17, $0x1  }
0x37: {  	v17 =	vld [tilespmem:$0x260];
	[tilespmem:$0x450] =	vst v16;
	v16 =	vor.u32 $0x1, v16  }
0x38: {  	[tilespmem:$0x4D0] =	vst v16;
	v16 =	vshll.u32 v18, $0x1  }
0x39: {  	v18 =	vld [tilespmem:$0x70];
	[tilespmem:$0x650] =	vst v16;
	v16 =	vor.u32 $0x1, v16  }
0x3a: {  	[tilespmem:$0x6D0] =	vst v16;
	v16 =	vshll.u32 v19, $0x1  }
0x3b: {  	v19 =	vld [tilespmem:$0x270];
	[tilespmem:$0x460] =	vst v16;
	v16 =	vor.u32 $0x1, v16  }
0x3c: {  	[tilespmem:$0x4E0] =	vst v16;
	v16 =	vshll.u32 v17, $0x1  }
0x3d: {  	[tilespmem:$0x660] =	vst v16;
	v16 =	vor.u32 $0x1, v16  }
0x3e: {  	[tilespmem:$0x6E0] =	vst v16;
	v16 =	vshll.u32 v18, $0x1  }
0x3f: {  	s18 =	simm.s32 $0x400;
	s19 =	simm.s32 $0x600;
	s20 =	simm.s32 $0x480;
	[tilespmem:$0x470] =	vst v16;
	v16 =	vor.u32 $0x1, v16  }
0x40: {  	s22 =	simm.s32 $0x1000;
	s24 =	simm.s32 $0x680;
	s26 =	simm.s32 $0x3000;
	[tilespmem:$0x4F0] =	vst v16;
	v16 =	vshll.u32 v19, $0x1  }
0x41: {  	p1 =	por $0x1, $0x1;
	s7 =	simm.s32 $0x2F0;
	s8 =	simm.s32 $0xF0;
	[tilespmem:$0x670] =	vst v16;
	v17 =	vor.u32 $0x1, v16  }
0x42: {  	s9 =	simm.s32 $0x2E0;
	s5 =	simm.s32 $0x90;
	s1 =	simm.s32 $0xE0;
	[tilespmem:$0x6F0] =	vst v17  }
0x43: {  	v16 =	vld [tilespmem:$0x4C00];
	[tilespmem:s14], [sflag:$0x1] =	stream.indirect.gather [hbm4b:s3+s21], $0x10, s18, s21, $0xb8  }
0x44: {  	s12 =	simm.s32 $0xD0;
	s13 =	simm.s32 $0x2C0;
	s11 =	simm.s32 $0x2D0  }
0x45: {  	[tilespmem:s16], [sflag:$0x3] =	stream.indirect.gather [hbm4b:s4+s21], $0x10, s19, s21, $0xb8;
	[tilespmem:$0x4E90] =	vst v63  }
0x46: {  	s15 =	simm.s32 $0xC0;
	s17 =	simm.s32 $0x2B0;
	s6 =	simm.s32 $0x0  }
0x47: {  	[tilespmem:s22], [sflag:$0x1] =	stream.indirect.gather [hbm4b:s3+s21], $0x10, s20, s21, $0xb8;
	[tilespmem:$0x4E90] =	vst v63  }
0x48: {  	s18 =	simm.s32 $0xB0;
	s19 =	simm.s32 $0x2A0;
	s20 =	simm.s32 $0xA0  }
0x49: {  	[tilespmem:s26], [sflag:$0x3] =	stream.indirect.gather [hbm4b:s4+s21], $0x10, s24, s21, $0xb8;
	[tilespmem:$0x4E90] =	vst v63  }
0x4a: {  	s22 =	simm.s32 $0x290;
	s24 =	simm.s32 $0x280;
	s26 =	simm.s32 $0x80  }
.LBB2_2:
0x4b: {  	v17 =	vld [tilespmem:s26+$0x0];
	_ =	sdelay $0x4  }
0x4c: {  	v17 =	vshll.u32 v17, $0x1  }
0x4d: {  	[tilespmem:$0x500] =	vst v17;
	v17 =	vor.u32 $0x1, v17  }
0x4e: {  	[tilespmem:$0x580] =	vst v17  }
0x4f: {  	v17 =	vld [tilespmem:s24+$0x0];
	_ =	sdelay $0x4  }
0x50: {  	v17 =	vshll.u32 v17, $0x1  }
0x51: {  	[tilespmem:$0x700] =	vst v17;
	v17 =	vor.u32 $0x1, v17  }
0x52: {  	[tilespmem:$0x780] =	vst v17  }
0x53: {  	v17 =	vld [tilespmem:s5+$0x0];
	_ =	sdelay $0x4  }
0x54: {  	v17 =	vshll.u32 v17, $0x1  }
0x55: {  	[tilespmem:$0x510] =	vst v17;
	v17 =	vor.u32 $0x1, v17  }
0x56: {  	[tilespmem:$0x590] =	vst v17  }
0x57: {  	v17 =	vld [tilespmem:s22+$0x0];
	_ =	sdelay $0x4  }
0x58: {  	v17 =	vshll.u32 v17, $0x1  }
0x59: {  	[tilespmem:$0x710] =	vst v17;
	v17 =	vor.u32 $0x1, v17  }
0x5a: {  	[tilespmem:$0x790] =	vst v17  }
0x5b: {  	v17 =	vld [tilespmem:s20+$0x0];
	_ =	sdelay $0x4  }
0x5c: {  	v17 =	vshll.u32 v17, $0x1  }
0x5d: {  	[tilespmem:$0x520] =	vst v17;
	v17 =	vor.u32 $0x1, v17  }
0x5e: {  	[tilespmem:$0x5A0] =	vst v17  }
0x5f: {  	v17 =	vld [tilespmem:s19+$0x0];
	_ =	sdelay $0x4  }
0x60: {  	v17 =	vshll.u32 v17, $0x1  }
0x61: {  	[tilespmem:$0x720] =	vst v17;
	v17 =	vor.u32 $0x1, v17  }
0x62: {  	[tilespmem:$0x7A0] =	vst v17  }
0x63: {  	v17 =	vld [tilespmem:s18+$0x0];
	_ =	sdelay $0x4  }
0x64: {  	v17 =	vshll.u32 v17, $0x1  }
0x65: {  	[tilespmem:$0x530] =	vst v17;
	v17 =	vor.u32 $0x1, v17  }
0x66: {  	[tilespmem:$0x5B0] =	vst v17  }
0x67: {  	v17 =	vld [tilespmem:s17+$0x0];
	_ =	sdelay $0x4  }
0x68: {  	v17 =	vshll.u32 v17, $0x1  }
0x69: {  	[tilespmem:$0x730] =	vst v17;
	v17 =	vor.u32 $0x1, v17  }
0x6a: {  	[tilespmem:$0x7B0] =	vst v17  }
0x6b: {  	v17 =	vld [tilespmem:s15+$0x0];
	_ =	sdelay $0x4  }
0x6c: {  	v17 =	vshll.u32 v17, $0x1  }
0x6d: {  	[tilespmem:$0x540] =	vst v17;
	v17 =	vor.u32 $0x1, v17  }
0x6e: {  	[tilespmem:$0x5C0] =	vst v17  }
0x6f: {  	v17 =	vld [tilespmem:s13+$0x0];
	_ =	sdelay $0x4  }
0x70: {  	v17 =	vshll.u32 v17, $0x1  }
0x71: {  	[tilespmem:$0x740] =	vst v17;
	v17 =	vor.u32 $0x1, v17  }
0x72: {  	[tilespmem:$0x7C0] =	vst v17  }
0x73: {  	v17 =	vld [tilespmem:s12+$0x0];
	_ =	sdelay $0x4  }
0x74: {  	v17 =	vshll.u32 v17, $0x1  }
0x75: {  	[tilespmem:$0x550] =	vst v17;
	v17 =	vor.u32 $0x1, v17  }
0x76: {  	[tilespmem:$0x5D0] =	vst v17  }
0x77: {  	v17 =	vld [tilespmem:s11+$0x0];
	_ =	sdelay $0x4  }
0x78: {  	v17 =	vshll.u32 v17, $0x1  }
0x79: {  	[tilespmem:$0x750] =	vst v17;
	v17 =	vor.u32 $0x1, v17  }
0x7a: {  	[tilespmem:$0x7D0] =	vst v17  }
0x7b: {  	v17 =	vld [tilespmem:s1+$0x0];
	_ =	sdelay $0x4  }
0x7c: {  	v17 =	vshll.u32 v17, $0x1  }
0x7d: {  	[tilespmem:$0x560] =	vst v17;
	v17 =	vor.u32 $0x1, v17  }
0x7e: {  	[tilespmem:$0x5E0] =	vst v17  }
0x7f: {  	v17 =	vld [tilespmem:s9+$0x0];
	_ =	sdelay $0x4  }
0x80: {  	v17 =	vshll.u32 v17, $0x1  }
0x81: {  	[tilespmem:$0x760] =	vst v17;
	v17 =	vor.u32 $0x1, v17  }
0x82: {  	[tilespmem:$0x7E0] =	vst v17  }
0x83: {  	v17 =	vld [tilespmem:s8+$0x0];
	_ =	sdelay $0x4  }
0x84: {  	v17 =	vshll.u32 v17, $0x1  }
0x85: {  	[tilespmem:$0x570] =	vst v17;
	v17 =	vor.u32 $0x1, v17  }
0x86: {  	[tilespmem:$0x5F0] =	vst v17  }
0x87: {  	v17 =	vld [tilespmem:s7+$0x0];
	_ =	sdelay $0x4  }
0x88: {  	v17 =	vshll.u32 v17, $0x1  }
0x89: {  	[tilespmem:$0x770] =	vst v17;
	v17 =	vor.u32 $0x1, v17  }
0x8a: {  	s19 =	simm.s32 $0x500;
	[tilespmem:$0x7F0] =	vst v17  }
0x8b: {  	[tilespmem:s23], [sflag:$0x2] =	stream.indirect.gather [hbm4b:s3+s21], $0x10, s19, s21, $0xb8;
	[tilespmem:$0x4E90] =	vst v63  }
0x8c: {  	s20 =	simm.s32 $0x700  }
0x8d: {  	[tilespmem:s25], [sflag:$0x4] =	stream.indirect.gather [hbm4b:s4+s21], $0x10, s20, s21, $0xb8;
	[tilespmem:$0x4E90] =	vst v63  }
0x8e: {  	s22 =	simm.s32 $0x580  }
0x8f: {  	[tilespmem:s28], [sflag:$0x2] =	stream.indirect.gather [hbm4b:s3+s21], $0x10, s22, s21, $0xb8;
	[tilespmem:$0x4E90] =	vst v63  }
0x90: {  	_ = 	snop  }
0x91: {  	[tilespmem:s30], [sflag:$0x4] =	stream.indirect.gather [hbm4b:s4+s21], $0x10, s29, s21, $0xb8;
	[tilespmem:$0x4E90] =	vst v63  }
0x92: {  	_ =	swait.ge [sflag:s31], $0x1000  }
0x93: {  	[sflag:s31] =	ssyncset.done $0x0  }
0x94: {  	[sflag:s31] =	ssyncadd.s32 $0xFFFFF000  }
0x95: {  	_ =	swait.ge [sflag:s0], $0x1000  }
0x96: {  	s24 =	simm.s32 $0x0;
	[sflag:s0] =	ssyncset.done $0x0  }
0x97: {  	v17 =	vmov s24;
	[sflag:s0] =	ssyncadd.s32 $0xFFFFF000  }
0x98: {  	v17 =	vand.u32 $0xF, v17;
	[tilespmem:$0x4C10] =	vst v16  }
0x99: {  	v21 =	vbroadcast v17, $0x0;
	[tilespmem:$0x4C20] =	vst v16  }
0x9a: {  	[tilespmem:$0x4C30] =	vst v16  }
0x9b: {  	v17 =	vor.u32 v0, v21;
	[tilespmem:$0x4C40] =	vst v16  }
0x9c: {  	[tilespmem:$0x4C50] =	vst v16  }
0x9d: {  	v18 =	vor.u32 v1, v21;
	[tilespmem:$0x4C60] =	vst v16  }
0x9e: {  	[tilespmem:$0x4C70] =	vst v16  }
0x9f: {  	[tilespmem:$0x4C80] =	vst v16;
	v19 =	vld [tilespmem:$0x4C10]  }
0xa0: {  	s5 =	simm.s32 $0x4A00;
	v20 =	vld.idx.msk [tilespmem:v17+s14+$0x0], $0xffff  }
0xa1: {  	v22 =	vld [tilespmem:s5+$0xFFFFFE00]  }
0xa2: {  	v23 =	vld.idx.msk [tilespmem:v18+s14+$0x0], $0xffff  }
0xa3: {  	v24 =	vld [tilespmem:s5+$0xFFFFFF00]  }
0xa4: {  	v17 =	vld.idx.msk [tilespmem:v17+s16+$0x0], $0xffff  }
0xa5: {  	v25 =	vld [tilespmem:s5+$0x0]  }
0xa6: {  	v18 =	vld.idx.msk [tilespmem:v18+s16+$0x0], $0xffff;
	v20 =	vmul.f32 v20, v22  }
0xa7: {  	v26 =	vld [tilespmem:s5+$0x100]  }
0xa8: {  	v19 =	vadd.f32 v19, v20;
	v20 =	vmul.f32 v23, v24;
	_ =	sdelay $0x1  }
0xa9: {  	v17 =	vmul.f32 v17, v25;
	v19 =	vadd.f32 v19, v20;
	_ =	sdelay $0x1  }
0xaa: {  	v18 =	vmul.f32 v18, v26;
	v17 =	vadd.f32 v19, v17;
	v19 =	vor.u32 v2, v21;
	_ =	sdelay $0x1  }
0xab: {  	v20 =	vor.u32 v3, v21;
	v17 =	vadd.f32 v17, v18;
	_ =	sdelay $0x1  }
0xac: {  	[tilespmem:$0x4C10] =	vst v17  }
0xad: {  	v17 =	vld.idx.msk [tilespmem:v19+s14+$0x0], $0xffff  }
0xae: {  	v23 =	vld [tilespmem:$0x4C20]  }
0xaf: {  	v18 =	vld.idx.msk [tilespmem:v20+s14+$0x0], $0xffff;
	_ =	sdelay $0x1  }
0xb0: {  	v19 =	vld.idx.msk [tilespmem:v19+s16+$0x0], $0xffff  }
0xb1: {  	v17 =	vmul.f32 v17, v22  }
0xb2: {  	v20 =	vld.idx.msk [tilespmem:v20+s16+$0x0], $0xffff  }
0xb3: {  	v18 =	vmul.f32 v18, v24;
	v17 =	vadd.f32 v23, v17;
	_ =	sdelay $0x1  }
0xb4: {  	v17 =	vadd.f32 v17, v18;
	v18 =	vmul.f32 v19, v25;
	_ =	sdelay $0x1  }
0xb5: {  	v19 =	vor.u32 v4, v21;
	v17 =	vadd.f32 v17, v18;
	v18 =	vmul.f32 v20, v26;
	_ =	sdelay $0x1  }
0xb6: {  	v17 =	vadd.f32 v17, v18;
	v18 =	vor.u32 v5, v21;
	_ =	sdelay $0x1  }
0xb7: {  	[tilespmem:$0x4C20] =	vst v17  }
0xb8: {  	v17 =	vld.idx.msk [tilespmem:v19+s14+$0x0], $0xffff;
	_ =	sdelay $0x1  }
0xb9: {  	v20 =	vld.idx.msk [tilespmem:v18+s14+$0x0], $0xffff;
	_ =	sdelay $0x1  }
0xba: {  	v19 =	vld.idx.msk [tilespmem:v19+s16+$0x0], $0xffff  }
0xbb: {  	v17 =	vmul.f32 v17, v22  }
0xbc: {  	v18 =	vld.idx.msk [tilespmem:v18+s16+$0x0], $0xffff  }
0xbd: {  	v17 =	vadd.f32 v16, v17;
	v20 =	vmul.f32 v20, v24;
	_ =	sdelay $0x1  }
0xbe: {  	v19 =	vmul.f32 v19, v25;
	v17 =	vadd.f32 v17, v20;
	_ =	sdelay $0x1  }
0xbf: {  	v18 =	vmul.f32 v18, v26;
	v17 =	vadd.f32 v17, v19;
	v19 =	vor.u32 v6, v21;
	_ =	sdelay $0x1  }
0xc0: {  	v17 =	vadd.f32 v17, v18;
	v18 =	vor.u32 v7, v21;
	_ =	sdelay $0x1  }
0xc1: {  	[tilespmem:$0x4C30] =	vst v17  }
0xc2: {  	v20 =	vld.idx.msk [tilespmem:v19+s14+$0x0], $0xffff;
	_ =	sdelay $0x1  }
0xc3: {  	v23 =	vld.idx.msk [tilespmem:v18+s14+$0x0], $0xffff;
	_ =	sdelay $0x1  }
0xc4: {  	v19 =	vld.idx.msk [tilespmem:v19+s16+$0x0], $0xffff  }
0xc5: {  	v20 =	vmul.f32 v20, v22  }
0xc6: {  	v18 =	vld.idx.msk [tilespmem:v18+s16+$0x0], $0xffff  }
0xc7: {  	v20 =	vadd.f32 v16, v20;
	v23 =	vmul.f32 v23, v24;
	_ =	sdelay $0x1  }
0xc8: {  	v19 =	vmul.f32 v19, v25;
	v20 =	vadd.f32 v20, v23;
	_ =	sdelay $0x1  }
0xc9: {  	v18 =	vmul.f32 v18, v26;
	v19 =	vadd.f32 v20, v19;
	v20 =	vor.u32 v8, v21;
	_ =	sdelay $0x1  }
0xca: {  	v18 =	vadd.f32 v19, v18;
	v19 =	vor.u32 v9, v21;
	_ =	sdelay $0x1  }
0xcb: {  	[tilespmem:$0x4C40] =	vst v18  }
0xcc: {  	v23 =	vld.idx.msk [tilespmem:v20+s14+$0x0], $0xffff;
	_ =	sdelay $0x1  }
0xcd: {  	v27 =	vld.idx.msk [tilespmem:v19+s14+$0x0], $0xffff;
	_ =	sdelay $0x1  }
0xce: {  	v20 =	vld.idx.msk [tilespmem:v20+s16+$0x0], $0xffff  }
0xcf: {  	v23 =	vmul.f32 v23, v22  }
0xd0: {  	v19 =	vld.idx.msk [tilespmem:v19+s16+$0x0], $0xffff  }
0xd1: {  	v23 =	vadd.f32 v16, v23;
	v27 =	vmul.f32 v27, v24;
	_ =	sdelay $0x1  }
0xd2: {  	v20 =	vmul.f32 v20, v25;
	v23 =	vadd.f32 v23, v27;
	_ =	sdelay $0x1  }
0xd3: {  	v19 =	vmul.f32 v19, v26;
	v20 =	vadd.f32 v23, v20;
	v23 =	vor.u32 v10, v21;
	_ =	sdelay $0x1  }
0xd4: {  	v27 =	vor.u32 v11, v21;
	v19 =	vadd.f32 v20, v19;
	_ =	sdelay $0x1  }
0xd5: {  	[tilespmem:$0x4C50] =	vst v19  }
0xd6: {  	v20 =	vld.idx.msk [tilespmem:v23+s14+$0x0], $0xffff;
	_ =	sdelay $0x1  }
0xd7: {  	v28 =	vld.idx.msk [tilespmem:v27+s14+$0x0], $0xffff;
	_ =	sdelay $0x1  }
0xd8: {  	v23 =	vld.idx.msk [tilespmem:v23+s16+$0x0], $0xffff  }
0xd9: {  	v20 =	vmul.f32 v20, v22  }
0xda: {  	v27 =	vld.idx.msk [tilespmem:v27+s16+$0x0], $0xffff  }
0xdb: {  	v28 =	vmul.f32 v28, v24;
	v20 =	vadd.f32 v16, v20;
	_ =	sdelay $0x1  }
0xdc: {  	v23 =	vmul.f32 v23, v25;
	v20 =	vadd.f32 v20, v28;
	_ =	sdelay $0x1  }
0xdd: {  	v20 =	vadd.f32 v20, v23;
	v23 =	vmul.f32 v27, v26;
	v27 =	vor.u32 v12, v21;
	_ =	sdelay $0x1  }
0xde: {  	v60 =	vor.u32 v13, v21;
	v20 =	vadd.f32 v20, v23;
	_ =	sdelay $0x1  }
0xdf: {  	[tilespmem:$0x4C60] =	vst v20  }
0xe0: {  	v23 =	vld.idx.msk [tilespmem:v27+s14+$0x0], $0xffff  }
0xe1: {  	v29 =	vld [tilespmem:$0x4C70]  }
0xe2: {  	v30 =	vld.idx.msk [tilespmem:v60+s14+$0x0], $0xffff;
	_ =	sdelay $0x1  }
0xe3: {  	v27 =	vld.idx.msk [tilespmem:v27+s16+$0x0], $0xffff  }
0xe4: {  	v23 =	vmul.f32 v23, v22  }
0xe5: {  	v28 =	vld.idx.msk [tilespmem:v60+s16+$0x0], $0xffff  }
0xe6: {  	v61 =	vmul.f32 v30, v24;
	v23 =	vadd.f32 v29, v23;
	_ =	sdelay $0x1  }
0xe7: {  	v27 =	vmul.f32 v27, v25;
	v23 =	vadd.f32 v23, v61;
	_ =	sdelay $0x1  }
0xe8: {  	v62 =	vor.u32 v14, v21;
	v23 =	vadd.f32 v23, v27;
	v27 =	vmul.f32 v28, v26;
	_ =	sdelay $0x1  }
0xe9: {  	v21 =	vor.u32 v15, v21;
	v23 =	vadd.f32 v23, v27;
	_ =	sdelay $0x1  }
0xea: {  	[tilespmem:$0x4C70] =	vst v23  }
0xeb: {  	v23 =	vld.idx.msk [tilespmem:v62+s14+$0x0], $0xffff  }
0xec: {  	v27 =	vld [tilespmem:$0x4C80]  }
0xed: {  	v63 =	vld.idx.msk [tilespmem:v21+s14+$0x0], $0xffff;
	_ =	sdelay $0x2  }
0xee: {  	v28 =	vld.idx.msk [tilespmem:v62+s16+$0x0], $0xffff;
	v22 =	vmul.f32 v23, v22;
	_ =	sdelay $0x1  }
0xef: {  	s26 =	simm.s32 $0x1;
	v23 =	vld.idx.msk [tilespmem:v21+s16+$0x0], $0xffff;
	v21 =	vadd.f32 v27, v22;
	v22 =	vmul.f32 v63, v24  }
0xf0: {  	v24 =	vmov s26  }
0xf1: {  	v22 =	vadd.f32 v21, v22;
	v21 =	vand.u32 $0xF, v24  }
0xf2: {  	v25 =	vmul.f32 v28, v25;
	v21 =	vbroadcast v21, $0x0;
	_ =	sdelay $0x1  }
0xf3: {  	v23 =	vmul.f32 v23, v26;
	v24 =	vadd.f32 v22, v25;
	v22 =	vor.u32 v0, v21;
	_ =	sdelay $0x1  }
0xf4: {  	p0 =	por p1, p1;
	s7 =	simm.s32 $0x2;
	v25 =	vor.u32 v1, v21;
	v23 =	vadd.f32 v24, v23  }
.LBB2_3:
0xf5: {  	p1 =	sne.s32 s7, $0xF  }
0xf6: {  	v26 =	vld [tilespmem:$0x4C10];
	s5 =	sadd.s32 $0x10, s5;
	s8 =	smov.u32 s7;
	s7 =	sadd.s32 $0x1, s7;
	[tilespmem:$0x4C80] =	vst v23  }
0xf7: {  	v27 =	vld.idx.msk [tilespmem:v22+s14+$0x0], $0xffff  }
0xf8: {  	v24 =	vld [tilespmem:s5+$0xFFFFFE00]  }
0xf9: {  	v28 =	vld.idx.msk [tilespmem:v25+s14+$0x0], $0xffff  }
0xfa: {  	v23 =	vld [tilespmem:s5+$0xFFFFFF00]  }
0xfb: {  	v29 =	vld.idx.msk [tilespmem:v22+s16+$0x0], $0xffff  }
0xfc: {  	v22 =	vld [tilespmem:s5+$0x0]  }
0xfd: {  	v30 =	vld.idx.msk [tilespmem:v25+s16+$0x0], $0xffff;
	v27 =	vmul.f32 v27, v24  }
0xfe: {  	v25 =	vld [tilespmem:s5+$0x100]  }
0xff: {  	v26 =	vadd.f32 v26, v27;
	v27 =	vmul.f32 v28, v23;
	_ =	sdelay $0x1  }
0x100: {  	v26 =	vadd.f32 v26, v27;
	v27 =	vmul.f32 v29, v22;
	_ =	sdelay $0x1  }
0x101: {  	v28 =	vor.u32 v2, v21;
	v26 =	vadd.f32 v26, v27;
	v27 =	vmul.f32 v30, v25;
	_ =	sdelay $0x1  }
0x102: {  	v26 =	vadd.f32 v26, v27;
	v27 =	vor.u32 v3, v21;
	_ =	sdelay $0x1  }
0x103: {  	[tilespmem:$0x4C10] =	vst v26  }
0x104: {  	v26 =	vld.idx.msk [tilespmem:v28+s14+$0x0], $0xffff;
	_ =	sdelay $0x1  }
0x105: {  	v29 =	vld.idx.msk [tilespmem:v27+s14+$0x0], $0xffff  }
0x106: {  	v30 =	vld [tilespmem:$0x4C20]  }
0x107: {  	v28 =	vld.idx.msk [tilespmem:v28+s16+$0x0], $0xffff;
	_ =	sdelay $0x1  }
0x108: {  	v26 =	vmul.f32 v26, v24;
	v27 =	vld.idx.msk [tilespmem:v27+s16+$0x0], $0xffff;
	_ =	sdelay $0x1  }
0x109: {  	v29 =	vmul.f32 v29, v23;
	v26 =	vadd.f32 v30, v26;
	_ =	sdelay $0x1  }
0x10a: {  	v28 =	vmul.f32 v28, v22;
	v26 =	vadd.f32 v26, v29;
	_ =	sdelay $0x1  }
0x10b: {  	v27 =	vmul.f32 v27, v25;
	v26 =	vadd.f32 v26, v28;
	v28 =	vor.u32 v4, v21;
	_ =	sdelay $0x1  }
0x10c: {  	v26 =	vadd.f32 v26, v27;
	v27 =	vor.u32 v5, v21;
	_ =	sdelay $0x1  }
0x10d: {  	[tilespmem:$0x4C20] =	vst v26  }
0x10e: {  	v26 =	vld.idx.msk [tilespmem:v28+s14+$0x0], $0xffff;
	_ =	sdelay $0x1  }
0x10f: {  	v29 =	vld.idx.msk [tilespmem:v27+s14+$0x0], $0xffff;
	_ =	sdelay $0x1  }
0x110: {  	v28 =	vld.idx.msk [tilespmem:v28+s16+$0x0], $0xffff;
	_ =	sdelay $0x1  }
0x111: {  	v26 =	vmul.f32 v26, v24;
	v27 =	vld.idx.msk [tilespmem:v27+s16+$0x0], $0xffff;
	_ =	sdelay $0x1  }
0x112: {  	v17 =	vadd.f32 v17, v26;
	v26 =	vmul.f32 v29, v23;
	_ =	sdelay $0x1  }
0x113: {  	v17 =	vadd.f32 v17, v26;
	v26 =	vmul.f32 v28, v22;
	_ =	sdelay $0x1  }
0x114: {  	v17 =	vadd.f32 v17, v26;
	v26 =	vmul.f32 v27, v25;
	v27 =	vor.u32 v6, v21;
	_ =	sdelay $0x1  }
0x115: {  	v17 =	vadd.f32 v17, v26;
	v26 =	vor.u32 v7, v21;
	_ =	sdelay $0x1  }
0x116: {  	[tilespmem:$0x4C30] =	vst v17  }
0x117: {  	v28 =	vld.idx.msk [tilespmem:v27+s14+$0x0], $0xffff;
	_ =	sdelay $0x1  }
0x118: {  	v29 =	vld.idx.msk [tilespmem:v26+s14+$0x0], $0xffff;
	_ =	sdelay $0x1  }
0x119: {  	v27 =	vld.idx.msk [tilespmem:v27+s16+$0x0], $0xffff;
	_ =	sdelay $0x1  }
0x11a: {  	v28 =	vmul.f32 v28, v24;
	v26 =	vld.idx.msk [tilespmem:v26+s16+$0x0], $0xffff;
	_ =	sdelay $0x1  }
0x11b: {  	v18 =	vadd.f32 v18, v28;
	v28 =	vmul.f32 v29, v23;
	_ =	sdelay $0x1  }
0x11c: {  	v18 =	vadd.f32 v18, v28;
	v27 =	vmul.f32 v27, v22;
	_ =	sdelay $0x1  }
0x11d: {  	v18 =	vadd.f32 v18, v27;
	v26 =	vmul.f32 v26, v25;
	v27 =	vor.u32 v8, v21;
	_ =	sdelay $0x1  }
0x11e: {  	v18 =	vadd.f32 v18, v26;
	v26 =	vor.u32 v9, v21;
	_ =	sdelay $0x1  }
0x11f: {  	[tilespmem:$0x4C40] =	vst v18  }
0x120: {  	v28 =	vld.idx.msk [tilespmem:v27+s14+$0x0], $0xffff;
	_ =	sdelay $0x1  }
0x121: {  	v29 =	vld.idx.msk [tilespmem:v26+s14+$0x0], $0xffff;
	_ =	sdelay $0x1  }
0x122: {  	v27 =	vld.idx.msk [tilespmem:v27+s16+$0x0], $0xffff;
	_ =	sdelay $0x1  }
0x123: {  	v28 =	vmul.f32 v28, v24;
	v26 =	vld.idx.msk [tilespmem:v26+s16+$0x0], $0xffff;
	_ =	sdelay $0x1  }
0x124: {  	v19 =	vadd.f32 v19, v28;
	v28 =	vmul.f32 v29, v23;
	_ =	sdelay $0x1  }
0x125: {  	v19 =	vadd.f32 v19, v28;
	v27 =	vmul.f32 v27, v22;
	_ =	sdelay $0x1  }
0x126: {  	v19 =	vadd.f32 v19, v27;
	v26 =	vmul.f32 v26, v25;
	v27 =	vor.u32 v10, v21  }
0x127: {  	v28 =	vor.u32 v11, v21  }
0x128: {  	v19 =	vadd.f32 v19, v26;
	_ =	sdelay $0x1  }
0x129: {  	[tilespmem:$0x4C50] =	vst v19  }
0x12a: {  	v26 =	vld.idx.msk [tilespmem:v27+s14+$0x0], $0xffff  }
0x12b: {  	v29 =	vld.idx.msk [tilespmem:v28+s14+$0x0], $0xffff  }
0x12c: {  	v27 =	vld.idx.msk [tilespmem:v27+s16+$0x0], $0xffff  }
0x12d: {  	v28 =	vld.idx.msk [tilespmem:v28+s16+$0x0], $0xffff;
	_ =	sdelay $0x2  }
0x12e: {  	v26 =	vmul.f32 v26, v24;
	_ =	sdelay $0x1  }
0x12f: {  	v20 =	vadd.f32 v20, v26;
	v26 =	vmul.f32 v29, v23;
	_ =	sdelay $0x1  }
0x130: {  	v20 =	vadd.f32 v20, v26;
	v26 =	vmul.f32 v27, v22;
	_ =	sdelay $0x1  }
0x131: {  	v27 =	vor.u32 v12, v21;
	v20 =	vadd.f32 v20, v26;
	v26 =	vmul.f32 v28, v25  }
0x132: {  	v28 =	vor.u32 v13, v21  }
0x133: {  	v20 =	vadd.f32 v20, v26;
	_ =	sdelay $0x1  }
0x134: {  	[tilespmem:$0x4C60] =	vst v20;
	v26 =	vld [tilespmem:$0x4C70]  }
0x135: {  	v29 =	vld.idx.msk [tilespmem:v27+s14+$0x0], $0xffff  }
0x136: {  	v30 =	vld.idx.msk [tilespmem:v28+s14+$0x0], $0xffff  }
0x137: {  	v27 =	vld.idx.msk [tilespmem:v27+s16+$0x0], $0xffff  }
0x138: {  	v28 =	vld.idx.msk [tilespmem:v28+s16+$0x0], $0xffff;
	_ =	sdelay $0x2  }
0x139: {  	v29 =	vmul.f32 v29, v24;
	_ =	sdelay $0x1  }
0x13a: {  	v26 =	vadd.f32 v26, v29;
	v29 =	vmul.f32 v30, v23;
	_ =	sdelay $0x1  }
0x13b: {  	v27 =	vmul.f32 v27, v22;
	v26 =	vadd.f32 v26, v29;
	_ =	sdelay $0x1  }
0x13c: {  	v26 =	vadd.f32 v26, v27;
	v27 =	vmul.f32 v28, v25;
	v28 =	vor.u32 v14, v21  }
0x13d: {  	v21 =	vor.u32 v15, v21  }
0x13e: {  	v26 =	vadd.f32 v26, v27;
	_ =	sdelay $0x1  }
0x13f: {  	[tilespmem:$0x4C70] =	vst v26;
	v26 =	vld [tilespmem:$0x4C80]  }
0x140: {  	v27 =	vld.idx.msk [tilespmem:v28+s14+$0x0], $0xffff  }
0x141: {  	v29 =	vld.idx.msk [tilespmem:v21+s14+$0x0], $0xffff  }
0x142: {  	v28 =	vld.idx.msk [tilespmem:v28+s16+$0x0], $0xffff  }
0x143: {  	v30 =	vld.idx.msk [tilespmem:v21+s16+$0x0], $0xffff;
	_ =	sdelay $0x2  }
0x144: {  	v21 =	vmul.f32 v27, v24;
	_ =	sdelay $0x1  }
0x145: {  	v24 =	vmov s8;
	v23 =	vmul.f32 v29, v23;
	v26 =	vadd.f32 v26, v21  }
0x146: {  	v21 =	vand.u32 $0xF, v24  }
.Ltmp0:
0x147: {  	v24 =	vmul.f32 v28, v22;
	v21 =	vbroadcast v21, $0x0;
	v23 =	vadd.f32 v26, v23;
	(pc) =	sbr.rel @p1 .LBB2_3-.Ltmp0, $3  }
0x148: {  	v26 =	vmul.f32 v30, v25  }
0x149: {  	v22 =	vor.u32 v0, v21;
	v25 =	vor.u32 v1, v21;
	v23 =	vadd.f32 v23, v24;
	_ =	sdelay $0x1  }
0x14a: {  	v23 =	vadd.f32 v23, v26  }
0x14b: {  	_ =	sdelay $0x2  }
0x14c: {  	v24 =	vld [tilespmem:$0x4C10];
	[tilespmem:$0x4C80] =	vst v23  }
0x14d: {  	s1 =	sadd.s32 $0x10, s5;
	v23 =	vld.idx.msk [tilespmem:v22+s14+$0x0], $0xffff  }
0x14e: {  	v26 =	vld [tilespmem:s1+$0xFFFFFE00]  }
0x14f: {  	v27 =	vld.idx.msk [tilespmem:v25+s14+$0x0], $0xffff  }
0x150: {  	v28 =	vld [tilespmem:s1+$0xFFFFFF00]  }
0x151: {  	v38 =	vld.idx.msk [tilespmem:v22+s16+$0x0], $0xffff  }
0x152: {  	v29 =	vld [tilespmem:s1+$0x0]  }
0x153: {  	v39 =	vld.idx.msk [tilespmem:v25+s16+$0x0], $0xffff;
	v23 =	vmul.f32 v23, v26  }
0x154: {  	v30 =	vld [tilespmem:s1+$0x100]  }
0x155: {  	v40 =	vmul.f32 v27, v28;
	v23 =	vadd.f32 v24, v23;
	_ =	sdelay $0x1  }
0x156: {  	v22 =	vmul.f32 v38, v29;
	v23 =	vadd.f32 v23, v40;
	_ =	sdelay $0x1  }
0x157: {  	v42 =	vor.u32 v2, v21;
	v41 =	vmul.f32 v39, v30;
	v22 =	vadd.f32 v23, v22;
	_ =	sdelay $0x1  }
0x158: {  	v43 =	vor.u32 v3, v21;
	v22 =	vadd.f32 v22, v41;
	_ =	sdelay $0x1  }
0x159: {  	[tilespmem:$0x4C10] =	vst v22  }
0x15a: {  	v22 =	vld.idx.msk [tilespmem:v42+s14+$0x0], $0xffff  }
0x15b: {  	v45 =	vld [tilespmem:$0x4C20]  }
0x15c: {  	v44 =	vld.idx.msk [tilespmem:v43+s14+$0x0], $0xffff;
	_ =	sdelay $0x1  }
0x15d: {  	v24 =	vld.idx.msk [tilespmem:v42+s16+$0x0], $0xffff  }
0x15e: {  	v22 =	vmul.f32 v22, v26  }
0x15f: {  	v25 =	vld.idx.msk [tilespmem:v43+s16+$0x0], $0xffff  }
0x160: {  	v23 =	vmul.f32 v44, v28;
	v22 =	vadd.f32 v45, v22;
	_ =	sdelay $0x1  }
0x161: {  	v46 =	vmul.f32 v24, v29;
	v22 =	vadd.f32 v22, v23;
	_ =	sdelay $0x1  }
0x162: {  	v48 =	vor.u32 v4, v21;
	v47 =	vmul.f32 v25, v30;
	v22 =	vadd.f32 v22, v46;
	_ =	sdelay $0x1  }
0x163: {  	v49 =	vor.u32 v5, v21;
	v22 =	vadd.f32 v22, v47;
	_ =	sdelay $0x1  }
0x164: {  	[tilespmem:$0x4C20] =	vst v22  }
0x165: {  	v22 =	vld.idx.msk [tilespmem:v48+s14+$0x0], $0xffff;
	_ =	sdelay $0x1  }
0x166: {  	v50 =	vld.idx.msk [tilespmem:v49+s14+$0x0], $0xffff;
	_ =	sdelay $0x1  }
0x167: {  	v24 =	vld.idx.msk [tilespmem:v48+s16+$0x0], $0xffff  }
0x168: {  	v22 =	vmul.f32 v22, v26  }
0x169: {  	v23 =	vld.idx.msk [tilespmem:v49+s16+$0x0], $0xffff  }
0x16a: {  	v51 =	vmul.f32 v50, v28;
	v17 =	vadd.f32 v17, v22;
	_ =	sdelay $0x1  }
0x16b: {  	v52 =	vmul.f32 v24, v29;
	v17 =	vadd.f32 v17, v51;
	_ =	sdelay $0x1  }
0x16c: {  	v54 =	vor.u32 v6, v21;
	v53 =	vmul.f32 v23, v30;
	v17 =	vadd.f32 v17, v52;
	_ =	sdelay $0x1  }
0x16d: {  	v55 =	vor.u32 v7, v21;
	v17 =	vadd.f32 v17, v53;
	_ =	sdelay $0x1  }
0x16e: {  	[tilespmem:$0x4C30] =	vst v17  }
0x16f: {  	v17 =	vld.idx.msk [tilespmem:v54+s14+$0x0], $0xffff;
	_ =	sdelay $0x1  }
0x170: {  	v56 =	vld.idx.msk [tilespmem:v55+s14+$0x0], $0xffff;
	_ =	sdelay $0x1  }
0x171: {  	v23 =	vld.idx.msk [tilespmem:v54+s16+$0x0], $0xffff  }
0x172: {  	v17 =	vmul.f32 v17, v26  }
0x173: {  	v22 =	vld.idx.msk [tilespmem:v55+s16+$0x0], $0xffff  }
0x174: {  	v17 =	vadd.f32 v18, v17;
	v18 =	vmul.f32 v56, v28;
	_ =	sdelay $0x1  }
0x175: {  	v17 =	vadd.f32 v17, v18;
	v18 =	vmul.f32 v23, v29;
	_ =	sdelay $0x1  }
0x176: {  	v57 =	vor.u32 v8, v21;
	v17 =	vadd.f32 v17, v18;
	v18 =	vmul.f32 v22, v30;
	_ =	sdelay $0x1  }
0x177: {  	v17 =	vadd.f32 v17, v18;
	v18 =	vor.u32 v9, v21;
	_ =	sdelay $0x1  }
0x178: {  	[tilespmem:$0x4C40] =	vst v17  }
0x179: {  	v17 =	vld.idx.msk [tilespmem:v57+s14+$0x0], $0xffff;
	_ =	sdelay $0x1  }
0x17a: {  	v58 =	vld.idx.msk [tilespmem:v18+s14+$0x0], $0xffff;
	_ =	sdelay $0x1  }
0x17b: {  	v22 =	vld.idx.msk [tilespmem:v57+s16+$0x0], $0xffff  }
0x17c: {  	v17 =	vmul.f32 v17, v26  }
0x17d: {  	v18 =	vld.idx.msk [tilespmem:v18+s16+$0x0], $0xffff  }
0x17e: {  	v17 =	vadd.f32 v19, v17;
	v19 =	vmul.f32 v58, v28;
	_ =	sdelay $0x1  }
0x17f: {  	v17 =	vadd.f32 v17, v19;
	v19 =	vmul.f32 v22, v29;
	_ =	sdelay $0x1  }
0x180: {  	v18 =	vmul.f32 v18, v30;
	v17 =	vadd.f32 v17, v19;
	v19 =	vor.u32 v10, v21;
	_ =	sdelay $0x1  }
0x181: {  	v59 =	vor.u32 v11, v21;
	v17 =	vadd.f32 v17, v18;
	_ =	sdelay $0x1  }
0x182: {  	[tilespmem:$0x4C50] =	vst v17  }
0x183: {  	v17 =	vld.idx.msk [tilespmem:v19+s14+$0x0], $0xffff;
	_ =	sdelay $0x1  }
0x184: {  	v18 =	vld.idx.msk [tilespmem:v59+s14+$0x0], $0xffff;
	_ =	sdelay $0x1  }
0x185: {  	v19 =	vld.idx.msk [tilespmem:v19+s16+$0x0], $0xffff  }
0x186: {  	v17 =	vmul.f32 v17, v26  }
0x187: {  	v22 =	vld.idx.msk [tilespmem:v59+s16+$0x0], $0xffff  }
0x188: {  	v18 =	vmul.f32 v18, v28;
	v17 =	vadd.f32 v20, v17;
	_ =	sdelay $0x1  }
0x189: {  	v17 =	vadd.f32 v17, v18;
	v18 =	vmul.f32 v19, v29;
	_ =	sdelay $0x1  }
0x18a: {  	v19 =	vor.u32 v12, v21;
	v17 =	vadd.f32 v17, v18;
	v18 =	vmul.f32 v22, v30;
	_ =	sdelay $0x1  }
0x18b: {  	v60 =	vor.u32 v13, v21;
	v17 =	vadd.f32 v17, v18;
	_ =	sdelay $0x1  }
0x18c: {  	[tilespmem:$0x4C60] =	vst v17  }
0x18d: {  	v18 =	vld.idx.msk [tilespmem:v19+s14+$0x0], $0xffff  }
0x18e: {  	v17 =	vld [tilespmem:$0x4C70]  }
0x18f: {  	v62 =	vld.idx.msk [tilespmem:v60+s14+$0x0], $0xffff  }
0x190: {  	v61 =	vld [tilespmem:$0x4C10]  }
0x191: {  	v19 =	vld.idx.msk [tilespmem:v19+s16+$0x0], $0xffff  }
0x192: {  	v18 =	vmul.f32 v18, v26  }
0x193: {  	v20 =	vld.idx.msk [tilespmem:v60+s16+$0x0], $0xffff  }
0x194: {  	v17 =	vadd.f32 v17, v18;
	v18 =	vmul.f32 v62, v28  }
0x195: {  	v22 =	vsub.f32 $0.0e+00, v61  }
0x196: {  	v17 =	vadd.f32 v17, v18;
	v18 =	vmul.f32 v19, v29  }
0x197: {  	v22 =	vmul.f32 $1.442695020e+00, v22  }
0x198: {  	v19 =	vor.u32 v14, v21;
	v17 =	vadd.f32 v17, v18;
	v18 =	vmul.f32 v20, v30  }
0x199: {  	(erf) = vpow2.f32 v22  }
0x19a: {  	v63 =	vor.u32 v15, v21;
	v17 =	vadd.f32 v17, v18;
	_ =	sdelay $0x1  }
0x19b: {  	[tilespmem:$0x4C70] =	vst v17  }
0x19c: {  	v17 =	vld.idx.msk [tilespmem:v19+s14+$0x0], $0xffff  }
0x19d: {  	v18 =	vld [tilespmem:$0x4C80]  }
0x19e: {  	v21 =	vld.idx.msk [tilespmem:v63+s14+$0x0], $0xffff;
	_ =	sdelay $0x1  }
0x19f: {  	v19 =	vld.idx.msk [tilespmem:v19+s16+$0x0], $0xffff  }
0x1a0: {  	v22 =	vpop (erf);
	v17 =	vmul.f32 v17, v26  }
0x1a1: {  	v22 =	vadd.f32 $1.000000000e+00, v22;
	v20 =	vld.idx.msk [tilespmem:v63+s16+$0x0], $0xffff  }
0x1a2: {  	v17 =	vadd.f32 v18, v17;
	v18 =	vmul.f32 v21, v28  }
0x1a3: {  	(erf) = vrcp.f32 v22  }
0x1a4: {  	v17 =	vadd.f32 v17, v18;
	v18 =	vmul.f32 v19, v29;
	_ =	sdelay $0x1  }
0x1a5: {  	v19 =	vmul.f32 v20, v30;
	v17 =	vadd.f32 v17, v18;
	_ =	sdelay $0x1  }
0x1a6: {  	v17 =	vadd.f32 v17, v19;
	_ =	sdelay $0x3  }
0x1a7: {  	s5 =	sshra.s32 s6, $0x2;
	[tilespmem:$0x4C80] =	vst v17;
	v17 =	vpop (erf)  }
0x1a8: {  	[tilespmem:s5+$0x4C90] =	vst v17  }
0x1a9: {  	v17 =	vld [tilespmem:$0x4C20];
	_ =	sdelay $0x4  }
0x1aa: {  	v17 =	vsub.f32 $0.0e+00, v17;
	_ =	sdelay $0x1  }
0x1ab: {  	v17 =	vmul.f32 $1.442695020e+00, v17;
	_ =	sdelay $0x1  }
0x1ac: {  	(erf) = vpow2.f32 v17;
	_ =	sdelay $0x8  }
0x1ad: {  	v17 =	vpop (erf)  }
0x1ae: {  	v17 =	vadd.f32 $1.000000000e+00, v17;
	_ =	sdelay $0x1  }
0x1af: {  	(erf) = vrcp.f32 v17;
	_ =	sdelay $0x8  }
0x1b0: {  	v17 =	vpop (erf)  }
0x1b1: {  	[tilespmem:s5+$0x4CA0] =	vst v17  }
0x1b2: {  	v17 =	vld [tilespmem:$0x4C30];
	_ =	sdelay $0x4  }
0x1b3: {  	v17 =	vsub.f32 $0.0e+00, v17;
	_ =	sdelay $0x1  }
0x1b4: {  	v17 =	vmul.f32 $1.442695020e+00, v17;
	_ =	sdelay $0x1  }
0x1b5: {  	(erf) = vpow2.f32 v17;
	_ =	sdelay $0x8  }
0x1b6: {  	v17 =	vpop (erf)  }
0x1b7: {  	v17 =	vadd.f32 $1.000000000e+00, v17;
	_ =	sdelay $0x1  }
0x1b8: {  	(erf) = vrcp.f32 v17;
	_ =	sdelay $0x8  }
0x1b9: {  	v17 =	vpop (erf)  }
0x1ba: {  	[tilespmem:s5+$0x4CB0] =	vst v17  }
0x1bb: {  	v17 =	vld [tilespmem:$0x4C40];
	_ =	sdelay $0x4  }
0x1bc: {  	v17 =	vsub.f32 $0.0e+00, v17;
	_ =	sdelay $0x1  }
0x1bd: {  	v17 =	vmul.f32 $1.442695020e+00, v17;
	_ =	sdelay $0x1  }
0x1be: {  	(erf) = vpow2.f32 v17;
	_ =	sdelay $0x8  }
0x1bf: {  	v17 =	vpop (erf)  }
0x1c0: {  	v17 =	vadd.f32 $1.000000000e+00, v17;
	_ =	sdelay $0x1  }
0x1c1: {  	(erf) = vrcp.f32 v17;
	_ =	sdelay $0x8  }
0x1c2: {  	v17 =	vpop (erf)  }
0x1c3: {  	[tilespmem:s5+$0x4CC0] =	vst v17  }
0x1c4: {  	v17 =	vld [tilespmem:$0x4C50];
	_ =	sdelay $0x4  }
0x1c5: {  	v17 =	vsub.f32 $0.0e+00, v17;
	_ =	sdelay $0x1  }
0x1c6: {  	v17 =	vmul.f32 $1.442695020e+00, v17;
	_ =	sdelay $0x1  }
0x1c7: {  	(erf) = vpow2.f32 v17;
	_ =	sdelay $0x8  }
0x1c8: {  	v17 =	vpop (erf)  }
0x1c9: {  	v17 =	vadd.f32 $1.000000000e+00, v17;
	_ =	sdelay $0x1  }
0x1ca: {  	(erf) = vrcp.f32 v17;
	_ =	sdelay $0x8  }
0x1cb: {  	v17 =	vpop (erf)  }
0x1cc: {  	[tilespmem:s5+$0x4CD0] =	vst v17  }
0x1cd: {  	v17 =	vld [tilespmem:$0x4C60];
	_ =	sdelay $0x4  }
0x1ce: {  	v17 =	vsub.f32 $0.0e+00, v17;
	_ =	sdelay $0x1  }
0x1cf: {  	v17 =	vmul.f32 $1.442695020e+00, v17;
	_ =	sdelay $0x1  }
0x1d0: {  	(erf) = vpow2.f32 v17;
	_ =	sdelay $0x8  }
0x1d1: {  	v17 =	vpop (erf)  }
0x1d2: {  	v17 =	vadd.f32 $1.000000000e+00, v17;
	_ =	sdelay $0x1  }
0x1d3: {  	(erf) = vrcp.f32 v17;
	_ =	sdelay $0x8  }
0x1d4: {  	v17 =	vpop (erf)  }
0x1d5: {  	[tilespmem:s5+$0x4CE0] =	vst v17  }
0x1d6: {  	v17 =	vld [tilespmem:$0x4C70];
	_ =	sdelay $0x4  }
0x1d7: {  	v17 =	vsub.f32 $0.0e+00, v17;
	_ =	sdelay $0x1  }
0x1d8: {  	v17 =	vmul.f32 $1.442695020e+00, v17;
	_ =	sdelay $0x1  }
0x1d9: {  	(erf) = vpow2.f32 v17;
	_ =	sdelay $0x8  }
0x1da: {  	v17 =	vpop (erf)  }
0x1db: {  	v17 =	vadd.f32 $1.000000000e+00, v17;
	_ =	sdelay $0x1  }
0x1dc: {  	(erf) = vrcp.f32 v17;
	_ =	sdelay $0x8  }
0x1dd: {  	v17 =	vpop (erf)  }
0x1de: {  	[tilespmem:s5+$0x4CF0] =	vst v17  }
0x1df: {  	v17 =	vld [tilespmem:$0x4C80];
	_ =	sdelay $0x4  }
0x1e0: {  	v17 =	vsub.f32 $0.0e+00, v17;
	_ =	sdelay $0x1  }
0x1e1: {  	v17 =	vmul.f32 $1.442695020e+00, v17;
	_ =	sdelay $0x1  }
0x1e2: {  	(erf) = vpow2.f32 v17;
	_ =	sdelay $0x8  }
0x1e3: {  	v17 =	vpop (erf)  }
0x1e4: {  	v17 =	vadd.f32 $1.000000000e+00, v17;
	_ =	sdelay $0x1  }
0x1e5: {  	(erf) = vrcp.f32 v17;
	_ =	sdelay $0x5  }
.Ltmp1:
0x1e6: {  	_ = 	snop;
	(pc) =	sbr.rel @!p0 .LBB2_6-.Ltmp1, $3  }
0x1e7: {  	_ =	sdelay $0x1  }
0x1e8: {  	v17 =	vpop (erf)  }
0x1e9: {  	[tilespmem:s5+$0x4D00] =	vst v17  }
0x1ea: {  	v17 =	vld [tilespmem:$0x100];
	_ =	sdelay $0x1  }
0x1eb: {  	v18 =	vld [tilespmem:$0x300];
	_ =	sdelay $0x1  }
0x1ec: {  	v19 =	vld [tilespmem:$0x110]  }
0x1ed: {  	v17 =	vshll.u32 v17, $0x1  }
0x1ee: {  	v20 =	vld [tilespmem:$0x310];
	[tilespmem:$0x400] =	vst v17;
	v17 =	vor.u32 $0x1, v17  }
0x1ef: {  	[tilespmem:$0x480] =	vst v17;
	v17 =	vshll.u32 v18, $0x1  }
0x1f0: {  	v18 =	vld [tilespmem:$0x120];
	[tilespmem:$0x600] =	vst v17;
	v17 =	vor.u32 $0x1, v17  }
0x1f1: {  	[tilespmem:$0x680] =	vst v17;
	v17 =	vshll.u32 v19, $0x1  }
0x1f2: {  	v19 =	vld [tilespmem:$0x320];
	[tilespmem:$0x410] =	vst v17;
	v17 =	vor.u32 $0x1, v17  }
0x1f3: {  	[tilespmem:$0x490] =	vst v17;
	v17 =	vshll.u32 v20, $0x1  }
0x1f4: {  	v60 =	vld [tilespmem:$0x130];
	[tilespmem:$0x610] =	vst v17;
	v17 =	vor.u32 $0x1, v17  }
0x1f5: {  	[tilespmem:$0x690] =	vst v17;
	v17 =	vshll.u32 v18, $0x1  }
0x1f6: {  	v18 =	vld [tilespmem:$0x330];
	[tilespmem:$0x420] =	vst v17;
	v17 =	vor.u32 $0x1, v17  }
0x1f7: {  	[tilespmem:$0x4A0] =	vst v17;
	v17 =	vshll.u32 v19, $0x1  }
0x1f8: {  	v19 =	vld [tilespmem:$0x140];
	[tilespmem:$0x620] =	vst v17;
	v17 =	vor.u32 $0x1, v17  }
0x1f9: {  	[tilespmem:$0x6A0] =	vst v17;
	v17 =	vshll.u32 v60, $0x1  }
0x1fa: {  	v61 =	vld [tilespmem:$0x340];
	[tilespmem:$0x430] =	vst v17;
	v17 =	vor.u32 $0x1, v17  }
0x1fb: {  	[tilespmem:$0x4B0] =	vst v17;
	v17 =	vshll.u32 v18, $0x1  }
0x1fc: {  	v18 =	vld [tilespmem:$0x150];
	[tilespmem:$0x630] =	vst v17;
	v17 =	vor.u32 $0x1, v17  }
0x1fd: {  	[tilespmem:$0x6B0] =	vst v17;
	v17 =	vshll.u32 v19, $0x1  }
0x1fe: {  	v19 =	vld [tilespmem:$0x350];
	[tilespmem:$0x440] =	vst v17;
	v17 =	vor.u32 $0x1, v17  }
0x1ff: {  	[tilespmem:$0x4C0] =	vst v17;
	v17 =	vshll.u32 v61, $0x1  }
0x200: {  	v62 =	vld [tilespmem:$0x160];
	[tilespmem:$0x640] =	vst v17;
	v17 =	vor.u32 $0x1, v17  }
0x201: {  	[tilespmem:$0x6C0] =	vst v17;
	v17 =	vshll.u32 v18, $0x1  }
0x202: {  	v18 =	vld [tilespmem:$0x360];
	[tilespmem:$0x450] =	vst v17;
	v17 =	vor.u32 $0x1, v17  }
0x203: {  	[tilespmem:$0x4D0] =	vst v17;
	v17 =	vshll.u32 v19, $0x1  }
0x204: {  	v19 =	vld [tilespmem:$0x170];
	[tilespmem:$0x650] =	vst v17;
	v17 =	vor.u32 $0x1, v17  }
0x205: {  	[tilespmem:$0x6D0] =	vst v17;
	v17 =	vshll.u32 v62, $0x1  }
0x206: {  	v63 =	vld [tilespmem:$0x370];
	[tilespmem:$0x460] =	vst v17;
	v17 =	vor.u32 $0x1, v17  }
0x207: {  	[tilespmem:$0x4E0] =	vst v17;
	v17 =	vshll.u32 v18, $0x1  }
0x208: {  	[tilespmem:$0x660] =	vst v17;
	v17 =	vor.u32 $0x1, v17  }
0x209: {  	[tilespmem:$0x6E0] =	vst v17;
	v17 =	vshll.u32 v19, $0x1  }
0x20a: {  	[tilespmem:$0x470] =	vst v17;
	v17 =	vor.u32 $0x1, v17  }
0x20b: {  	[tilespmem:$0x4F0] =	vst v17;
	v17 =	vshll.u32 v63, $0x1  }
0x20c: {  	[tilespmem:$0x670] =	vst v17;
	v17 =	vor.u32 $0x1, v17  }
0x20d: {  	s1 =	simm.s32 $0x400;
	[tilespmem:$0x6F0] =	vst v17  }
0x20e: {  	[tilespmem:s14], [sflag:$0x1] =	stream.indirect.gather [hbm4b:s3+s21], $0x10, s1, s21, $0xb8;
	[tilespmem:$0x4E90] =	vst v63  }
0x20f: {  	s20 =	simm.s32 $0x600  }
0x210: {  	[tilespmem:s16], [sflag:$0x3] =	stream.indirect.gather [hbm4b:s4+s21], $0x10, s20, s21, $0xb8;
	[tilespmem:$0x4E90] =	vst v63  }
0x211: {  	s22 =	simm.s32 $0x480;
	s6 =	simm.s32 $0x1000  }
0x212: {  	[tilespmem:s6], [sflag:$0x1] =	stream.indirect.gather [hbm4b:s3+s21], $0x10, s22, s21, $0xb8;
	[tilespmem:$0x4E90] =	vst v63  }
0x213: {  	s24 =	simm.s32 $0x680;
	s26 =	simm.s32 $0x3000  }
0x214: {  	[tilespmem:s26], [sflag:$0x3] =	stream.indirect.gather [hbm4b:s4+s21], $0x10, s24, s21, $0xb8;
	[tilespmem:$0x4E90] =	vst v63  }
.LBB2_6:
0x215: {  	_ =	swait.ge [sflag:s2], $0x1000  }
0x216: {  	[sflag:s2] =	ssyncset.done $0x0  }
0x217: {  	[sflag:s2] =	ssyncadd.s32 $0xFFFFF000  }
0x218: {  	_ =	swait.ge [sflag:s10], $0x1000  }
0x219: {  	[sflag:s10] =	ssyncset.done $0x0  }
0x21a: {  	s1 =	simm.s32 $0x0;
	[sflag:s10] =	ssyncadd.s32 $0xFFFFF000  }
0x21b: {  	v17 =	vmov s1;
	[tilespmem:$0x4C10] =	vst v16  }
0x21c: {  	v17 =	vand.u32 $0xF, v17;
	[tilespmem:$0x4C20] =	vst v16  }
0x21d: {  	v21 =	vbroadcast v17, $0x0;
	[tilespmem:$0x4C30] =	vst v16  }
0x21e: {  	[tilespmem:$0x4C40] =	vst v16  }
0x21f: {  	v17 =	vor.u32 v0, v21;
	[tilespmem:$0x4C50] =	vst v16  }
0x220: {  	[tilespmem:$0x4C60] =	vst v16  }
0x221: {  	v18 =	vor.u32 v1, v21;
	[tilespmem:$0x4C70] =	vst v16  }
0x222: {  	s6 =	simm.s32 $0x4A00;
	[tilespmem:$0x4C80] =	vst v16;
	v19 =	vld [tilespmem:$0x4C10]  }
0x223: {  	v22 =	vld [tilespmem:s6+$0xFFFFFE00]  }
0x224: {  	v20 =	vld.idx.msk [tilespmem:v17+s23+$0x0], $0xffff  }
0x225: {  	v24 =	vld [tilespmem:s6+$0xFFFFFF00]  }
0x226: {  	v23 =	vld.idx.msk [tilespmem:v18+s23+$0x0], $0xffff  }
0x227: {  	v25 =	vld [tilespmem:s6+$0x0]  }
0x228: {  	v17 =	vld.idx.msk [tilespmem:v17+s25+$0x0], $0xffff  }
0x229: {  	v26 =	vld [tilespmem:s6+$0x100];
	v20 =	vmul.f32 v20, v22  }
0x22a: {  	v18 =	vld.idx.msk [tilespmem:v18+s25+$0x0], $0xffff  }
0x22b: {  	v19 =	vadd.f32 v19, v20;
	v20 =	vmul.f32 v23, v24;
	_ =	sdelay $0x1  }
0x22c: {  	v17 =	vmul.f32 v17, v25;
	v19 =	vadd.f32 v19, v20;
	_ =	sdelay $0x1  }
0x22d: {  	v18 =	vmul.f32 v18, v26;
	v17 =	vadd.f32 v19, v17;
	v19 =	vor.u32 v2, v21;
	_ =	sdelay $0x1  }
0x22e: {  	v20 =	vor.u32 v3, v21;
	v17 =	vadd.f32 v17, v18;
	_ =	sdelay $0x1  }
0x22f: {  	[tilespmem:$0x4C10] =	vst v17  }
0x230: {  	v17 =	vld.idx.msk [tilespmem:v19+s23+$0x0], $0xffff  }
0x231: {  	v23 =	vld [tilespmem:$0x4C20]  }
0x232: {  	v18 =	vld.idx.msk [tilespmem:v20+s23+$0x0], $0xffff;
	_ =	sdelay $0x1  }
0x233: {  	v19 =	vld.idx.msk [tilespmem:v19+s25+$0x0], $0xffff  }
0x234: {  	v17 =	vmul.f32 v17, v22  }
0x235: {  	v20 =	vld.idx.msk [tilespmem:v20+s25+$0x0], $0xffff  }
0x236: {  	v18 =	vmul.f32 v18, v24;
	v17 =	vadd.f32 v23, v17;
	_ =	sdelay $0x1  }
0x237: {  	v17 =	vadd.f32 v17, v18;
	v18 =	vmul.f32 v19, v25;
	_ =	sdelay $0x1  }
0x238: {  	v19 =	vor.u32 v4, v21;
	v17 =	vadd.f32 v17, v18;
	v18 =	vmul.f32 v20, v26;
	_ =	sdelay $0x1  }
0x239: {  	v17 =	vadd.f32 v17, v18;
	v18 =	vor.u32 v5, v21;
	_ =	sdelay $0x1  }
0x23a: {  	[tilespmem:$0x4C20] =	vst v17  }
0x23b: {  	v17 =	vld.idx.msk [tilespmem:v19+s23+$0x0], $0xffff;
	_ =	sdelay $0x1  }
0x23c: {  	v20 =	vld.idx.msk [tilespmem:v18+s23+$0x0], $0xffff;
	_ =	sdelay $0x1  }
0x23d: {  	v19 =	vld.idx.msk [tilespmem:v19+s25+$0x0], $0xffff  }
0x23e: {  	v17 =	vmul.f32 v17, v22  }
0x23f: {  	v18 =	vld.idx.msk [tilespmem:v18+s25+$0x0], $0xffff  }
0x240: {  	v17 =	vadd.f32 v16, v17;
	v20 =	vmul.f32 v20, v24;
	_ =	sdelay $0x1  }
0x241: {  	v19 =	vmul.f32 v19, v25;
	v17 =	vadd.f32 v17, v20;
	_ =	sdelay $0x1  }
0x242: {  	v18 =	vmul.f32 v18, v26;
	v17 =	vadd.f32 v17, v19;
	v19 =	vor.u32 v6, v21;
	_ =	sdelay $0x1  }
0x243: {  	v17 =	vadd.f32 v17, v18;
	v18 =	vor.u32 v7, v21;
	_ =	sdelay $0x1  }
0x244: {  	[tilespmem:$0x4C30] =	vst v17  }
0x245: {  	v20 =	vld.idx.msk [tilespmem:v19+s23+$0x0], $0xffff;
	_ =	sdelay $0x1  }
0x246: {  	v23 =	vld.idx.msk [tilespmem:v18+s23+$0x0], $0xffff;
	_ =	sdelay $0x1  }
0x247: {  	v19 =	vld.idx.msk [tilespmem:v19+s25+$0x0], $0xffff  }
0x248: {  	v20 =	vmul.f32 v20, v22  }
0x249: {  	v18 =	vld.idx.msk [tilespmem:v18+s25+$0x0], $0xffff  }
0x24a: {  	v20 =	vadd.f32 v16, v20;
	v23 =	vmul.f32 v23, v24;
	_ =	sdelay $0x1  }
0x24b: {  	v19 =	vmul.f32 v19, v25;
	v20 =	vadd.f32 v20, v23;
	_ =	sdelay $0x1  }
0x24c: {  	v18 =	vmul.f32 v18, v26;
	v19 =	vadd.f32 v20, v19;
	v20 =	vor.u32 v8, v21;
	_ =	sdelay $0x1  }
0x24d: {  	v18 =	vadd.f32 v19, v18;
	v19 =	vor.u32 v9, v21;
	_ =	sdelay $0x1  }
0x24e: {  	[tilespmem:$0x4C40] =	vst v18  }
0x24f: {  	v23 =	vld.idx.msk [tilespmem:v20+s23+$0x0], $0xffff;
	_ =	sdelay $0x1  }
0x250: {  	v27 =	vld.idx.msk [tilespmem:v19+s23+$0x0], $0xffff;
	_ =	sdelay $0x1  }
0x251: {  	v20 =	vld.idx.msk [tilespmem:v20+s25+$0x0], $0xffff  }
0x252: {  	v23 =	vmul.f32 v23, v22  }
0x253: {  	v19 =	vld.idx.msk [tilespmem:v19+s25+$0x0], $0xffff  }
0x254: {  	v23 =	vadd.f32 v16, v23;
	v27 =	vmul.f32 v27, v24;
	_ =	sdelay $0x1  }
0x255: {  	v20 =	vmul.f32 v20, v25;
	v23 =	vadd.f32 v23, v27;
	_ =	sdelay $0x1  }
0x256: {  	v19 =	vmul.f32 v19, v26;
	v20 =	vadd.f32 v23, v20;
	v23 =	vor.u32 v10, v21;
	_ =	sdelay $0x1  }
0x257: {  	v27 =	vor.u32 v11, v21;
	v19 =	vadd.f32 v20, v19;
	_ =	sdelay $0x1  }
0x258: {  	[tilespmem:$0x4C50] =	vst v19  }
0x259: {  	v20 =	vld.idx.msk [tilespmem:v23+s23+$0x0], $0xffff;
	_ =	sdelay $0x1  }
0x25a: {  	v28 =	vld.idx.msk [tilespmem:v27+s23+$0x0], $0xffff;
	_ =	sdelay $0x1  }
0x25b: {  	v23 =	vld.idx.msk [tilespmem:v23+s25+$0x0], $0xffff  }
0x25c: {  	v20 =	vmul.f32 v20, v22  }
0x25d: {  	v27 =	vld.idx.msk [tilespmem:v27+s25+$0x0], $0xffff  }
0x25e: {  	v28 =	vmul.f32 v28, v24;
	v20 =	vadd.f32 v16, v20;
	_ =	sdelay $0x1  }
0x25f: {  	v23 =	vmul.f32 v23, v25;
	v20 =	vadd.f32 v20, v28;
	_ =	sdelay $0x1  }
0x260: {  	v20 =	vadd.f32 v20, v23;
	v23 =	vmul.f32 v27, v26;
	v27 =	vor.u32 v12, v21;
	_ =	sdelay $0x1  }
0x261: {  	v60 =	vor.u32 v13, v21;
	v20 =	vadd.f32 v20, v23;
	_ =	sdelay $0x1  }
0x262: {  	[tilespmem:$0x4C60] =	vst v20  }
0x263: {  	v23 =	vld.idx.msk [tilespmem:v27+s23+$0x0], $0xffff  }
0x264: {  	v29 =	vld [tilespmem:$0x4C70]  }
0x265: {  	v30 =	vld.idx.msk [tilespmem:v60+s23+$0x0], $0xffff;
	_ =	sdelay $0x1  }
0x266: {  	v27 =	vld.idx.msk [tilespmem:v27+s25+$0x0], $0xffff  }
0x267: {  	v23 =	vmul.f32 v23, v22  }
0x268: {  	v28 =	vld.idx.msk [tilespmem:v60+s25+$0x0], $0xffff  }
0x269: {  	v61 =	vmul.f32 v30, v24;
	v23 =	vadd.f32 v29, v23;
	_ =	sdelay $0x1  }
0x26a: {  	v27 =	vmul.f32 v27, v25;
	v23 =	vadd.f32 v23, v61;
	_ =	sdelay $0x1  }
0x26b: {  	v62 =	vor.u32 v14, v21;
	v23 =	vadd.f32 v23, v27;
	v27 =	vmul.f32 v28, v26;
	_ =	sdelay $0x1  }
0x26c: {  	v21 =	vor.u32 v15, v21;
	v23 =	vadd.f32 v23, v27;
	_ =	sdelay $0x1  }
0x26d: {  	[tilespmem:$0x4C70] =	vst v23  }
0x26e: {  	v23 =	vld.idx.msk [tilespmem:v62+s23+$0x0], $0xffff  }
0x26f: {  	v27 =	vld [tilespmem:$0x4C80]  }
0x270: {  	v63 =	vld.idx.msk [tilespmem:v21+s23+$0x0], $0xffff;
	_ =	sdelay $0x2  }
0x271: {  	v28 =	vld.idx.msk [tilespmem:v62+s25+$0x0], $0xffff;
	v22 =	vmul.f32 v23, v22;
	_ =	sdelay $0x1  }
0x272: {  	s26 =	simm.s32 $0x1;
	v23 =	vld.idx.msk [tilespmem:v21+s25+$0x0], $0xffff;
	v21 =	vadd.f32 v27, v22;
	v22 =	vmul.f32 v63, v24  }
0x273: {  	v24 =	vmov s26  }
0x274: {  	v22 =	vadd.f32 v21, v22;
	v21 =	vand.u32 $0xF, v24  }
0x275: {  	v25 =	vmul.f32 v28, v25;
	v21 =	vbroadcast v21, $0x0;
	_ =	sdelay $0x1  }
0x276: {  	v23 =	vmul.f32 v23, v26;
	v24 =	vadd.f32 v22, v25;
	v22 =	vor.u32 v0, v21;
	_ =	sdelay $0x1  }
0x277: {  	s7 =	simm.s32 $0x2;
	v25 =	vor.u32 v1, v21;
	v23 =	vadd.f32 v24, v23  }
.LBB2_7:
0x278: {  	p1 =	sne.s32 s7, $0xF  }
0x279: {  	v26 =	vld [tilespmem:$0x4C10];
	s6 =	sadd.s32 $0x10, s6;
	s8 =	smov.u32 s7;
	s7 =	sadd.s32 $0x1, s7;
	[tilespmem:$0x4C80] =	vst v23  }
0x27a: {  	v27 =	vld.idx.msk [tilespmem:v22+s23+$0x0], $0xffff  }
0x27b: {  	v24 =	vld [tilespmem:s6+$0xFFFFFE00]  }
0x27c: {  	v28 =	vld.idx.msk [tilespmem:v25+s23+$0x0], $0xffff  }
0x27d: {  	v23 =	vld [tilespmem:s6+$0xFFFFFF00]  }
0x27e: {  	v29 =	vld.idx.msk [tilespmem:v22+s25+$0x0], $0xffff  }
0x27f: {  	v22 =	vld [tilespmem:s6+$0x0]  }
0x280: {  	v30 =	vld.idx.msk [tilespmem:v25+s25+$0x0], $0xffff;
	v27 =	vmul.f32 v27, v24  }
0x281: {  	v25 =	vld [tilespmem:s6+$0x100]  }
0x282: {  	v26 =	vadd.f32 v26, v27;
	v27 =	vmul.f32 v28, v23;
	_ =	sdelay $0x1  }
0x283: {  	v26 =	vadd.f32 v26, v27;
	v27 =	vmul.f32 v29, v22;
	_ =	sdelay $0x1  }
0x284: {  	v28 =	vor.u32 v2, v21;
	v26 =	vadd.f32 v26, v27;
	v27 =	vmul.f32 v30, v25;
	_ =	sdelay $0x1  }
0x285: {  	v26 =	vadd.f32 v26, v27;
	v27 =	vor.u32 v3, v21;
	_ =	sdelay $0x1  }
0x286: {  	[tilespmem:$0x4C10] =	vst v26  }
0x287: {  	v26 =	vld.idx.msk [tilespmem:v28+s23+$0x0], $0xffff;
	_ =	sdelay $0x1  }
0x288: {  	v29 =	vld.idx.msk [tilespmem:v27+s23+$0x0], $0xffff  }
0x289: {  	v30 =	vld [tilespmem:$0x4C20]  }
0x28a: {  	v28 =	vld.idx.msk [tilespmem:v28+s25+$0x0], $0xffff;
	_ =	sdelay $0x1  }
0x28b: {  	v26 =	vmul.f32 v26, v24;
	v27 =	vld.idx.msk [tilespmem:v27+s25+$0x0], $0xffff;
	_ =	sdelay $0x1  }
0x28c: {  	v29 =	vmul.f32 v29, v23;
	v26 =	vadd.f32 v30, v26;
	_ =	sdelay $0x1  }
0x28d: {  	v28 =	vmul.f32 v28, v22;
	v26 =	vadd.f32 v26, v29;
	_ =	sdelay $0x1  }
0x28e: {  	v27 =	vmul.f32 v27, v25;
	v26 =	vadd.f32 v26, v28;
	v28 =	vor.u32 v4, v21;
	_ =	sdelay $0x1  }
0x28f: {  	v26 =	vadd.f32 v26, v27;
	v27 =	vor.u32 v5, v21;
	_ =	sdelay $0x1  }
0x290: {  	[tilespmem:$0x4C20] =	vst v26  }
0x291: {  	v26 =	vld.idx.msk [tilespmem:v28+s23+$0x0], $0xffff;
	_ =	sdelay $0x1  }
0x292: {  	v29 =	vld.idx.msk [tilespmem:v27+s23+$0x0], $0xffff;
	_ =	sdelay $0x1  }
0x293: {  	v28 =	vld.idx.msk [tilespmem:v28+s25+$0x0], $0xffff;
	_ =	sdelay $0x1  }
0x294: {  	v26 =	vmul.f32 v26, v24;
	v27 =	vld.idx.msk [tilespmem:v27+s25+$0x0], $0xffff;
	_ =	sdelay $0x1  }
0x295: {  	v17 =	vadd.f32 v17, v26;
	v26 =	vmul.f32 v29, v23;
	_ =	sdelay $0x1  }
0x296: {  	v17 =	vadd.f32 v17, v26;
	v26 =	vmul.f32 v28, v22;
	_ =	sdelay $0x1  }
0x297: {  	v17 =	vadd.f32 v17, v26;
	v26 =	vmul.f32 v27, v25;
	v27 =	vor.u32 v6, v21;
	_ =	sdelay $0x1  }
0x298: {  	v17 =	vadd.f32 v17, v26;
	v26 =	vor.u32 v7, v21;
	_ =	sdelay $0x1  }
0x299: {  	[tilespmem:$0x4C30] =	vst v17  }
0x29a: {  	v28 =	vld.idx.msk [tilespmem:v27+s23+$0x0], $0xffff;
	_ =	sdelay $0x1  }
0x29b: {  	v29 =	vld.idx.msk [tilespmem:v26+s23+$0x0], $0xffff;
	_ =	sdelay $0x1  }
0x29c: {  	v27 =	vld.idx.msk [tilespmem:v27+s25+$0x0], $0xffff;
	_ =	sdelay $0x1  }
0x29d: {  	v28 =	vmul.f32 v28, v24;
	v26 =	vld.idx.msk [tilespmem:v26+s25+$0x0], $0xffff;
	_ =	sdelay $0x1  }
0x29e: {  	v18 =	vadd.f32 v18, v28;
	v28 =	vmul.f32 v29, v23;
	_ =	sdelay $0x1  }
0x29f: {  	v18 =	vadd.f32 v18, v28;
	v27 =	vmul.f32 v27, v22;
	_ =	sdelay $0x1  }
0x2a0: {  	v18 =	vadd.f32 v18, v27;
	v26 =	vmul.f32 v26, v25;
	v27 =	vor.u32 v8, v21;
	_ =	sdelay $0x1  }
0x2a1: {  	v18 =	vadd.f32 v18, v26;
	v26 =	vor.u32 v9, v21;
	_ =	sdelay $0x1  }
0x2a2: {  	[tilespmem:$0x4C40] =	vst v18  }
0x2a3: {  	v28 =	vld.idx.msk [tilespmem:v27+s23+$0x0], $0xffff;
	_ =	sdelay $0x1  }
0x2a4: {  	v29 =	vld.idx.msk [tilespmem:v26+s23+$0x0], $0xffff;
	_ =	sdelay $0x1  }
0x2a5: {  	v27 =	vld.idx.msk [tilespmem:v27+s25+$0x0], $0xffff;
	_ =	sdelay $0x1  }
0x2a6: {  	v28 =	vmul.f32 v28, v24;
	v26 =	vld.idx.msk [tilespmem:v26+s25+$0x0], $0xffff;
	_ =	sdelay $0x1  }
0x2a7: {  	v19 =	vadd.f32 v19, v28;
	v28 =	vmul.f32 v29, v23;
	_ =	sdelay $0x1  }
0x2a8: {  	v19 =	vadd.f32 v19, v28;
	v27 =	vmul.f32 v27, v22;
	_ =	sdelay $0x1  }
0x2a9: {  	v19 =	vadd.f32 v19, v27;
	v26 =	vmul.f32 v26, v25;
	v27 =	vor.u32 v10, v21  }
0x2aa: {  	v28 =	vor.u32 v11, v21  }
0x2ab: {  	v19 =	vadd.f32 v19, v26;
	_ =	sdelay $0x1  }
0x2ac: {  	[tilespmem:$0x4C50] =	vst v19  }
0x2ad: {  	v26 =	vld.idx.msk [tilespmem:v27+s23+$0x0], $0xffff  }
0x2ae: {  	v29 =	vld.idx.msk [tilespmem:v28+s23+$0x0], $0xffff  }
0x2af: {  	v27 =	vld.idx.msk [tilespmem:v27+s25+$0x0], $0xffff  }
0x2b0: {  	v28 =	vld.idx.msk [tilespmem:v28+s25+$0x0], $0xffff;
	_ =	sdelay $0x2  }
0x2b1: {  	v26 =	vmul.f32 v26, v24;
	_ =	sdelay $0x1  }
0x2b2: {  	v20 =	vadd.f32 v20, v26;
	v26 =	vmul.f32 v29, v23;
	_ =	sdelay $0x1  }
0x2b3: {  	v20 =	vadd.f32 v20, v26;
	v26 =	vmul.f32 v27, v22;
	_ =	sdelay $0x1  }
0x2b4: {  	v27 =	vor.u32 v12, v21;
	v20 =	vadd.f32 v20, v26;
	v26 =	vmul.f32 v28, v25  }
0x2b5: {  	v28 =	vor.u32 v13, v21  }
0x2b6: {  	v20 =	vadd.f32 v20, v26;
	_ =	sdelay $0x1  }
0x2b7: {  	[tilespmem:$0x4C60] =	vst v20;
	v26 =	vld [tilespmem:$0x4C70]  }
0x2b8: {  	v29 =	vld.idx.msk [tilespmem:v27+s23+$0x0], $0xffff  }
0x2b9: {  	v30 =	vld.idx.msk [tilespmem:v28+s23+$0x0], $0xffff  }
0x2ba: {  	v27 =	vld.idx.msk [tilespmem:v27+s25+$0x0], $0xffff  }
0x2bb: {  	v28 =	vld.idx.msk [tilespmem:v28+s25+$0x0], $0xffff;
	_ =	sdelay $0x2  }
0x2bc: {  	v29 =	vmul.f32 v29, v24;
	_ =	sdelay $0x1  }
0x2bd: {  	v26 =	vadd.f32 v26, v29;
	v29 =	vmul.f32 v30, v23;
	_ =	sdelay $0x1  }
0x2be: {  	v27 =	vmul.f32 v27, v22;
	v26 =	vadd.f32 v26, v29;
	_ =	sdelay $0x1  }
0x2bf: {  	v26 =	vadd.f32 v26, v27;
	v27 =	vmul.f32 v28, v25;
	v28 =	vor.u32 v14, v21  }
0x2c0: {  	v21 =	vor.u32 v15, v21  }
0x2c1: {  	v26 =	vadd.f32 v26, v27;
	_ =	sdelay $0x1  }
0x2c2: {  	[tilespmem:$0x4C70] =	vst v26;
	v26 =	vld [tilespmem:$0x4C80]  }
0x2c3: {  	v27 =	vld.idx.msk [tilespmem:v28+s23+$0x0], $0xffff  }
0x2c4: {  	v29 =	vld.idx.msk [tilespmem:v21+s23+$0x0], $0xffff  }
0x2c5: {  	v28 =	vld.idx.msk [tilespmem:v28+s25+$0x0], $0xffff  }
0x2c6: {  	v30 =	vld.idx.msk [tilespmem:v21+s25+$0x0], $0xffff;
	_ =	sdelay $0x2  }
0x2c7: {  	v21 =	vmul.f32 v27, v24;
	_ =	sdelay $0x1  }
0x2c8: {  	v24 =	vmov s8;
	v23 =	vmul.f32 v29, v23;
	v26 =	vadd.f32 v26, v21  }
0x2c9: {  	v21 =	vand.u32 $0xF, v24  }
.Ltmp2:
0x2ca: {  	v24 =	vmul.f32 v28, v22;
	v21 =	vbroadcast v21, $0x0;
	v23 =	vadd.f32 v26, v23;
	(pc) =	sbr.rel @p1 .LBB2_7-.Ltmp2, $3  }
0x2cb: {  	v26 =	vmul.f32 v30, v25  }
0x2cc: {  	v22 =	vor.u32 v0, v21;
	v25 =	vor.u32 v1, v21;
	v23 =	vadd.f32 v23, v24;
	_ =	sdelay $0x1  }
0x2cd: {  	v23 =	vadd.f32 v23, v26  }
0x2ce: {  	_ =	sdelay $0x2  }
0x2cf: {  	v24 =	vld [tilespmem:$0x4C10];
	[tilespmem:$0x4C80] =	vst v23  }
0x2d0: {  	s1 =	sadd.s32 $0x10, s6;
	v23 =	vld.idx.msk [tilespmem:v22+s23+$0x0], $0xffff  }
0x2d1: {  	v26 =	vld [tilespmem:s1+$0xFFFFFE00]  }
0x2d2: {  	v27 =	vld.idx.msk [tilespmem:v25+s23+$0x0], $0xffff  }
0x2d3: {  	v28 =	vld [tilespmem:s1+$0xFFFFFF00]  }
0x2d4: {  	v38 =	vld.idx.msk [tilespmem:v22+s25+$0x0], $0xffff  }
0x2d5: {  	v29 =	vld [tilespmem:s1+$0x0]  }
0x2d6: {  	v39 =	vld.idx.msk [tilespmem:v25+s25+$0x0], $0xffff;
	v23 =	vmul.f32 v23, v26  }
0x2d7: {  	v30 =	vld [tilespmem:s1+$0x100]  }
0x2d8: {  	v40 =	vmul.f32 v27, v28;
	v23 =	vadd.f32 v24, v23;
	_ =	sdelay $0x1  }
0x2d9: {  	v22 =	vmul.f32 v38, v29;
	v23 =	vadd.f32 v23, v40;
	_ =	sdelay $0x1  }
0x2da: {  	v42 =	vor.u32 v2, v21;
	v41 =	vmul.f32 v39, v30;
	v22 =	vadd.f32 v23, v22;
	_ =	sdelay $0x1  }
0x2db: {  	v43 =	vor.u32 v3, v21;
	v22 =	vadd.f32 v22, v41;
	_ =	sdelay $0x1  }
0x2dc: {  	[tilespmem:$0x4C10] =	vst v22  }
0x2dd: {  	v22 =	vld.idx.msk [tilespmem:v42+s23+$0x0], $0xffff  }
0x2de: {  	v45 =	vld [tilespmem:$0x4C20]  }
0x2df: {  	v44 =	vld.idx.msk [tilespmem:v43+s23+$0x0], $0xffff;
	_ =	sdelay $0x1  }
0x2e0: {  	v24 =	vld.idx.msk [tilespmem:v42+s25+$0x0], $0xffff  }
0x2e1: {  	v22 =	vmul.f32 v22, v26  }
0x2e2: {  	v25 =	vld.idx.msk [tilespmem:v43+s25+$0x0], $0xffff  }
0x2e3: {  	v23 =	vmul.f32 v44, v28;
	v22 =	vadd.f32 v45, v22;
	_ =	sdelay $0x1  }
0x2e4: {  	v46 =	vmul.f32 v24, v29;
	v22 =	vadd.f32 v22, v23;
	_ =	sdelay $0x1  }
0x2e5: {  	v48 =	vor.u32 v4, v21;
	v47 =	vmul.f32 v25, v30;
	v22 =	vadd.f32 v22, v46;
	_ =	sdelay $0x1  }
0x2e6: {  	v49 =	vor.u32 v5, v21;
	v22 =	vadd.f32 v22, v47;
	_ =	sdelay $0x1  }
0x2e7: {  	[tilespmem:$0x4C20] =	vst v22  }
0x2e8: {  	v22 =	vld.idx.msk [tilespmem:v48+s23+$0x0], $0xffff;
	_ =	sdelay $0x1  }
0x2e9: {  	v50 =	vld.idx.msk [tilespmem:v49+s23+$0x0], $0xffff;
	_ =	sdelay $0x1  }
0x2ea: {  	v24 =	vld.idx.msk [tilespmem:v48+s25+$0x0], $0xffff  }
0x2eb: {  	v22 =	vmul.f32 v22, v26  }
0x2ec: {  	v23 =	vld.idx.msk [tilespmem:v49+s25+$0x0], $0xffff  }
0x2ed: {  	v51 =	vmul.f32 v50, v28;
	v17 =	vadd.f32 v17, v22;
	_ =	sdelay $0x1  }
0x2ee: {  	v52 =	vmul.f32 v24, v29;
	v17 =	vadd.f32 v17, v51;
	_ =	sdelay $0x1  }
0x2ef: {  	v54 =	vor.u32 v6, v21;
	v53 =	vmul.f32 v23, v30;
	v17 =	vadd.f32 v17, v52;
	_ =	sdelay $0x1  }
0x2f0: {  	v55 =	vor.u32 v7, v21;
	v17 =	vadd.f32 v17, v53;
	_ =	sdelay $0x1  }
0x2f1: {  	[tilespmem:$0x4C30] =	vst v17  }
0x2f2: {  	v17 =	vld.idx.msk [tilespmem:v54+s23+$0x0], $0xffff;
	_ =	sdelay $0x1  }
0x2f3: {  	v56 =	vld.idx.msk [tilespmem:v55+s23+$0x0], $0xffff;
	_ =	sdelay $0x1  }
0x2f4: {  	v23 =	vld.idx.msk [tilespmem:v54+s25+$0x0], $0xffff  }
0x2f5: {  	v17 =	vmul.f32 v17, v26  }
0x2f6: {  	v22 =	vld.idx.msk [tilespmem:v55+s25+$0x0], $0xffff  }
0x2f7: {  	v17 =	vadd.f32 v18, v17;
	v18 =	vmul.f32 v56, v28;
	_ =	sdelay $0x1  }
0x2f8: {  	v17 =	vadd.f32 v17, v18;
	v18 =	vmul.f32 v23, v29;
	_ =	sdelay $0x1  }
0x2f9: {  	v57 =	vor.u32 v8, v21;
	v17 =	vadd.f32 v17, v18;
	v18 =	vmul.f32 v22, v30;
	_ =	sdelay $0x1  }
0x2fa: {  	v17 =	vadd.f32 v17, v18;
	v18 =	vor.u32 v9, v21;
	_ =	sdelay $0x1  }
0x2fb: {  	[tilespmem:$0x4C40] =	vst v17  }
0x2fc: {  	v17 =	vld.idx.msk [tilespmem:v57+s23+$0x0], $0xffff;
	_ =	sdelay $0x1  }
0x2fd: {  	v58 =	vld.idx.msk [tilespmem:v18+s23+$0x0], $0xffff;
	_ =	sdelay $0x1  }
0x2fe: {  	v22 =	vld.idx.msk [tilespmem:v57+s25+$0x0], $0xffff  }
0x2ff: {  	v17 =	vmul.f32 v17, v26  }
0x300: {  	v18 =	vld.idx.msk [tilespmem:v18+s25+$0x0], $0xffff  }
0x301: {  	v17 =	vadd.f32 v19, v17;
	v19 =	vmul.f32 v58, v28;
	_ =	sdelay $0x1  }
0x302: {  	v17 =	vadd.f32 v17, v19;
	v19 =	vmul.f32 v22, v29;
	_ =	sdelay $0x1  }
0x303: {  	v18 =	vmul.f32 v18, v30;
	v17 =	vadd.f32 v17, v19;
	v19 =	vor.u32 v10, v21;
	_ =	sdelay $0x1  }
0x304: {  	v59 =	vor.u32 v11, v21;
	v17 =	vadd.f32 v17, v18;
	_ =	sdelay $0x1  }
0x305: {  	[tilespmem:$0x4C50] =	vst v17  }
0x306: {  	v17 =	vld.idx.msk [tilespmem:v19+s23+$0x0], $0xffff;
	_ =	sdelay $0x1  }
0x307: {  	v18 =	vld.idx.msk [tilespmem:v59+s23+$0x0], $0xffff;
	_ =	sdelay $0x1  }
0x308: {  	v19 =	vld.idx.msk [tilespmem:v19+s25+$0x0], $0xffff  }
0x309: {  	v17 =	vmul.f32 v17, v26  }
0x30a: {  	v22 =	vld.idx.msk [tilespmem:v59+s25+$0x0], $0xffff  }
0x30b: {  	v18 =	vmul.f32 v18, v28;
	v17 =	vadd.f32 v20, v17;
	_ =	sdelay $0x1  }
0x30c: {  	v17 =	vadd.f32 v17, v18;
	v18 =	vmul.f32 v19, v29;
	_ =	sdelay $0x1  }
0x30d: {  	v19 =	vor.u32 v12, v21;
	v17 =	vadd.f32 v17, v18;
	v18 =	vmul.f32 v22, v30;
	_ =	sdelay $0x1  }
0x30e: {  	v60 =	vor.u32 v13, v21;
	v17 =	vadd.f32 v17, v18;
	_ =	sdelay $0x1  }
0x30f: {  	[tilespmem:$0x4C60] =	vst v17  }
0x310: {  	v18 =	vld.idx.msk [tilespmem:v19+s23+$0x0], $0xffff  }
0x311: {  	v17 =	vld [tilespmem:$0x4C70]  }
0x312: {  	v62 =	vld.idx.msk [tilespmem:v60+s23+$0x0], $0xffff  }
0x313: {  	v61 =	vld [tilespmem:$0x4C10]  }
0x314: {  	v19 =	vld.idx.msk [tilespmem:v19+s25+$0x0], $0xffff  }
0x315: {  	v18 =	vmul.f32 v18, v26  }
0x316: {  	v20 =	vld.idx.msk [tilespmem:v60+s25+$0x0], $0xffff  }
0x317: {  	v17 =	vadd.f32 v17, v18;
	v18 =	vmul.f32 v62, v28  }
0x318: {  	v22 =	vsub.f32 $0.0e+00, v61  }
0x319: {  	v17 =	vadd.f32 v17, v18;
	v18 =	vmul.f32 v19, v29  }
0x31a: {  	v22 =	vmul.f32 $1.442695020e+00, v22  }
0x31b: {  	v19 =	vor.u32 v14, v21;
	v17 =	vadd.f32 v17, v18;
	v18 =	vmul.f32 v20, v30  }
0x31c: {  	(erf) = vpow2.f32 v22  }
0x31d: {  	v63 =	vor.u32 v15, v21;
	v17 =	vadd.f32 v17, v18;
	_ =	sdelay $0x1  }
0x31e: {  	[tilespmem:$0x4C70] =	vst v17  }
0x31f: {  	v17 =	vld.idx.msk [tilespmem:v19+s23+$0x0], $0xffff  }
0x320: {  	v18 =	vld [tilespmem:$0x4C80]  }
0x321: {  	v21 =	vld.idx.msk [tilespmem:v63+s23+$0x0], $0xffff;
	_ =	sdelay $0x1  }
0x322: {  	v19 =	vld.idx.msk [tilespmem:v19+s25+$0x0], $0xffff  }
0x323: {  	v22 =	vpop (erf);
	v17 =	vmul.f32 v17, v26  }
0x324: {  	v22 =	vadd.f32 $1.000000000e+00, v22;
	v20 =	vld.idx.msk [tilespmem:v63+s25+$0x0], $0xffff  }
0x325: {  	v17 =	vadd.f32 v18, v17;
	v18 =	vmul.f32 v21, v28  }
0x326: {  	(erf) = vrcp.f32 v22  }
0x327: {  	v17 =	vadd.f32 v17, v18;
	v18 =	vmul.f32 v19, v29;
	_ =	sdelay $0x1  }
0x328: {  	v19 =	vmul.f32 v20, v30;
	v17 =	vadd.f32 v17, v18;
	_ =	sdelay $0x1  }
0x329: {  	v17 =	vadd.f32 v17, v19;
	_ =	sdelay $0x3  }
0x32a: {  	[tilespmem:$0x4C80] =	vst v17;
	v17 =	vpop (erf)  }
0x32b: {  	[tilespmem:s5+$0x4D10] =	vst v17  }
0x32c: {  	v17 =	vld [tilespmem:$0x4C20];
	_ =	sdelay $0x4  }
0x32d: {  	v17 =	vsub.f32 $0.0e+00, v17;
	_ =	sdelay $0x1  }
0x32e: {  	v17 =	vmul.f32 $1.442695020e+00, v17;
	_ =	sdelay $0x1  }
0x32f: {  	(erf) = vpow2.f32 v17;
	_ =	sdelay $0x8  }
0x330: {  	v17 =	vpop (erf)  }
0x331: {  	v17 =	vadd.f32 $1.000000000e+00, v17;
	_ =	sdelay $0x1  }
0x332: {  	(erf) = vrcp.f32 v17;
	_ =	sdelay $0x8  }
0x333: {  	v17 =	vpop (erf)  }
0x334: {  	[tilespmem:s5+$0x4D20] =	vst v17  }
0x335: {  	v17 =	vld [tilespmem:$0x4C30];
	_ =	sdelay $0x4  }
0x336: {  	v17 =	vsub.f32 $0.0e+00, v17;
	_ =	sdelay $0x1  }
0x337: {  	v17 =	vmul.f32 $1.442695020e+00, v17;
	_ =	sdelay $0x1  }
0x338: {  	(erf) = vpow2.f32 v17;
	_ =	sdelay $0x8  }
0x339: {  	v17 =	vpop (erf)  }
0x33a: {  	v17 =	vadd.f32 $1.000000000e+00, v17;
	_ =	sdelay $0x1  }
0x33b: {  	(erf) = vrcp.f32 v17;
	_ =	sdelay $0x8  }
0x33c: {  	v17 =	vpop (erf)  }
0x33d: {  	[tilespmem:s5+$0x4D30] =	vst v17  }
0x33e: {  	v17 =	vld [tilespmem:$0x4C40];
	_ =	sdelay $0x4  }
0x33f: {  	v17 =	vsub.f32 $0.0e+00, v17;
	_ =	sdelay $0x1  }
0x340: {  	v17 =	vmul.f32 $1.442695020e+00, v17;
	_ =	sdelay $0x1  }
0x341: {  	(erf) = vpow2.f32 v17;
	_ =	sdelay $0x8  }
0x342: {  	v17 =	vpop (erf)  }
0x343: {  	v17 =	vadd.f32 $1.000000000e+00, v17;
	_ =	sdelay $0x1  }
0x344: {  	(erf) = vrcp.f32 v17;
	_ =	sdelay $0x8  }
0x345: {  	v17 =	vpop (erf)  }
0x346: {  	[tilespmem:s5+$0x4D40] =	vst v17  }
0x347: {  	v17 =	vld [tilespmem:$0x4C50];
	_ =	sdelay $0x4  }
0x348: {  	v17 =	vsub.f32 $0.0e+00, v17;
	_ =	sdelay $0x1  }
0x349: {  	v17 =	vmul.f32 $1.442695020e+00, v17;
	_ =	sdelay $0x1  }
0x34a: {  	(erf) = vpow2.f32 v17;
	_ =	sdelay $0x8  }
0x34b: {  	v17 =	vpop (erf)  }
0x34c: {  	v17 =	vadd.f32 $1.000000000e+00, v17;
	_ =	sdelay $0x1  }
0x34d: {  	(erf) = vrcp.f32 v17;
	_ =	sdelay $0x8  }
0x34e: {  	v17 =	vpop (erf)  }
0x34f: {  	[tilespmem:s5+$0x4D50] =	vst v17  }
0x350: {  	v17 =	vld [tilespmem:$0x4C60];
	_ =	sdelay $0x4  }
0x351: {  	v17 =	vsub.f32 $0.0e+00, v17;
	_ =	sdelay $0x1  }
0x352: {  	v17 =	vmul.f32 $1.442695020e+00, v17;
	_ =	sdelay $0x1  }
0x353: {  	(erf) = vpow2.f32 v17;
	_ =	sdelay $0x8  }
0x354: {  	v17 =	vpop (erf)  }
0x355: {  	v17 =	vadd.f32 $1.000000000e+00, v17;
	_ =	sdelay $0x1  }
0x356: {  	(erf) = vrcp.f32 v17;
	_ =	sdelay $0x8  }
0x357: {  	v17 =	vpop (erf)  }
0x358: {  	[tilespmem:s5+$0x4D60] =	vst v17  }
0x359: {  	v17 =	vld [tilespmem:$0x4C70];
	_ =	sdelay $0x4  }
0x35a: {  	v17 =	vsub.f32 $0.0e+00, v17;
	_ =	sdelay $0x1  }
0x35b: {  	v17 =	vmul.f32 $1.442695020e+00, v17;
	_ =	sdelay $0x1  }
0x35c: {  	(erf) = vpow2.f32 v17;
	_ =	sdelay $0x8  }
0x35d: {  	v17 =	vpop (erf)  }
0x35e: {  	v17 =	vadd.f32 $1.000000000e+00, v17;
	_ =	sdelay $0x1  }
0x35f: {  	(erf) = vrcp.f32 v17;
	_ =	sdelay $0x8  }
0x360: {  	v17 =	vpop (erf)  }
0x361: {  	[tilespmem:s5+$0x4D70] =	vst v17  }
0x362: {  	v17 =	vld [tilespmem:$0x4C80];
	_ =	sdelay $0x4  }
0x363: {  	v17 =	vsub.f32 $0.0e+00, v17;
	_ =	sdelay $0x1  }
0x364: {  	v17 =	vmul.f32 $1.442695020e+00, v17;
	_ =	sdelay $0x1  }
0x365: {  	(erf) = vpow2.f32 v17;
	_ =	sdelay $0x8  }
0x366: {  	v17 =	vpop (erf)  }
0x367: {  	v17 =	vadd.f32 $1.000000000e+00, v17;
	_ =	sdelay $0x1  }
0x368: {  	(erf) = vrcp.f32 v17;
	_ =	sdelay $0x3  }
0x369: {  	s6 =	simm.s32 $0x400  }
0x36a: {  	p1 =	por $0x0, $0x0;
	s7 =	simm.s32 $0x3F0;
	s8 =	simm.s32 $0x1F0  }
.Ltmp3:
0x36b: {  	s9 =	simm.s32 $0x3E0;
	s11 =	simm.s32 $0x3D0;
	(pc) =	sbr.rel @p0 .LBB2_2-.Ltmp3, $4  }
0x36c: {  	s12 =	simm.s32 $0x1D0;
	s13 =	simm.s32 $0x3C0;
	s15 =	simm.s32 $0x1C0  }
0x36d: {  	s17 =	simm.s32 $0x3B0;
	s18 =	simm.s32 $0x1B0;
	s19 =	simm.s32 $0x3A0  }
0x36e: {  	s20 =	simm.s32 $0x1A0;
	s22 =	simm.s32 $0x390;
	s24 =	simm.s32 $0x380;
	v17 =	vpop (erf)  }
0x36f: {  	s26 =	simm.s32 $0x180;
	s1 =	simm.s32 $0x1E0;
	[tilespmem:s5+$0x4D80] =	vst v17;
	s5 =	simm.s32 $0x190  }
0x370: {  	s11 =	simm.s32 $0x0  }
0x371: {  	s1 =	rddreg [dreg:$0x8];
	s5 =	simm.s32 $0x4C90;
	s6 =	simm.s32 $0x5  }
0x372: {  	[hbm4b:s1+s11] =	stream.linear.scatter [tilespmem:s5], [sflag:$0x5], $0x200, $0x38;
	[tilespmem:$0x4E90] =	vst v63  }
0x373: {  	_ =	swait.ge [sflag:s6], $0x200  }
0x374: {  	s24 =	rddreg [dreg:$0xa]  }
0x375: {  	s26 =	rddreg [dreg:$0x9];
	s5 =	sadd.s32 $0x1, s24  }
0x376: {  	p0 =	sne.s32 s5, s26  }
.Ltmp4:
0x377: {  	_ = 	snop;
	(pc) =	sbr.rel @p0 .LBB2_1-.Ltmp4, $3  }
0x378: {  	_ =	sdelay $0x1  }
0x379: {  	[sflag:s6] =	ssyncset.done $0x0  }
0x37a: {  	[sflag:s6] =	ssyncadd.s32 $0xFFFFFE00  }
0x37b: {  	_ =	sfence.sel $0x180000  }
0x37c: {  	[bflag:$0x0] =	sbarrier.arrive $0xFFFF  }
0x37d: {  	_ =	strace $0x90000047  }
0x37e: {  	s0 =	stileid.u32;
	[bflag:$0x2] =	sbarrier.arrive $0xFFFF  }
0x37f: {  	p0 =	sne.s32 s0, $0x0;
	s0 =	rddreg [dreg:$0x4]  }
0x380: {  	s0 =	sadd.s32 @!p0 $0x100000, s0  }
0x381: {  	[sflag:s0] =	ssyncadd.tile.s32 @!p0 $0x1;
	_ =	shalt  }
.Lfunc_end2:
_tile_overlayer_lowered:
.L_overlay_start_2:
0x382: {  	(tag) =	ssettag $0x2  }
0x383: {  	s0 =	rddreg [dreg:$0x0];
	s2 =	stileid.u32  }
0x384: {  	s1 =	rddreg [dreg:$0x1];
	p0 =	sne.s32 s2, $0x0  }
0x385: {  	s3 =	rddreg [dreg:$0x2];
	[bflag:$0x3] =	sbarrier.arrive $0xFFFF;
	s2 =	simm.s32 @!p0 $0x1C05  }
0x386: {  	[timem:s3], [sflag:s2] =	dma.local @!p0 [hbm:s0], s1  }
0x387: {  	s0 =	simm.s32 @!p0 $0x5  }
0x388: {  	_ =	swait.ge @!p0 [sflag:s0], s1  }
0x389: {  	s1 =	ssub.s32 @!p0 $0x0, s1;
	[sflag:s0] =	ssyncset.done @!p0 $0x0  }
0x38a: {  	[sflag:s0] =	ssyncadd.s32 @!p0 s1  }
0x38b: {  	[bflag:$0x3] =	sbarrier.arrive $0xFFFF  }
0x38c: {  	_ =	shalt  }

</sc_bundles>
